<compile_context>
chip_gen: v7x
topology: tpu7x:2x2x1
jax: 0.10.2.dev20260603
libtpu: 0.0.44.dev20260713+nightly
codegen_flags: <defaults>
</compile_context>

<pallas_src>
from functools import partial

import jax
import jax.numpy as jnp
import numpy as np
from jax import lax
from jax.experimental import pallas as pl
from jax.experimental.pallas import tpu as pltpu
from jax.experimental.pallas import tpu_sc as plsc

N = 10000
NP = 10240
D_IN = 128
H1 = 8
C1 = 8
F1 = H1 * C1
OUT = 40

E_RAW = 320000
E_TOT = E_RAW + N
BLK = 128
NWORK = 32
BPW = 82
NBLK = NWORK * BPW
NBLK_ID = NBLK + 128
EP = NBLK * BLK
ROWS_PER_SUB = NP // 16

W_A1, W_A2, W_D = 80, 64, 16

_IDX_C = np.arange(F1).reshape(H1, C1).T.ravel()
_PERM = np.eye(F1, dtype=np.float32)[_IDX_C].T
_BLKDIAG_MASK = np.kron(np.eye(H1, dtype=np.float32), np.ones((C1, 1), np.float32))


def _tc_proj1(x_ref, w_ref, p_ref, asr_ref, adr_ref, a_out, d_out):
    h = jnp.dot(x_ref[...], w_ref[...], preferred_element_type=jnp.float32)
    hc = jnp.dot(h, p_ref[...], preferred_element_type=jnp.float32)
    s = jnp.dot(h, asr_ref[...], preferred_element_type=jnp.float32)
    d = jnp.dot(h, adr_ref[...], preferred_element_type=jnp.float32)
    a_out[:, 0:F1] = hc
    a_out[:, F1:F1 + H1] = s
    a_out[:, F1 + H1:W_A1] = s
    d_out[:, 0:H1] = d
    d_out[:, H1:W_D] = d


def _tc_mid(p_ref, w2_ref, as2_ref, ad2_ref, b1_ref, a_out, d_out):
    acc = p_ref[0] + p_ref[1]
    den = acc[:, F1:F1 + H1]
    div = jnp.tile(den, (1, C1)) + 1e-16
    oc = acc[:, 0:F1] / div + b1_ref[...]
    oc = jnp.maximum(oc, 0.0)
    h2 = jnp.dot(oc, w2_ref[...], preferred_element_type=jnp.float32)
    s2 = jnp.dot(h2, as2_ref[...], preferred_element_type=jnp.float32)
    d2 = jnp.dot(h2, ad2_ref[...], preferred_element_type=jnp.float32)
    rows = h2.shape[0]
    a_out[:, 0:OUT] = h2
    a_out[:, OUT:48] = jnp.zeros((rows, 48 - OUT), jnp.float32)
    a_out[:, 48:W_A2] = jnp.broadcast_to(s2, (rows, 16))
    d_out[:, 0:W_D] = jnp.broadcast_to(d2, (rows, 16))


def _tc_out(p_ref, b2_ref, o_ref):
    acc = p_ref[0] + p_ref[1]
    den = acc[:, 48:49] + 1e-16
    z = acc[:, 0:OUT] / den + b2_ref[...]
    m = jnp.max(z, axis=1, keepdims=True)
    ez = jnp.exp(z - m)
    lse = jnp.log(jnp.sum(ez, axis=1, keepdims=True))
    o_ref[...] = z - m - lse


ROWB = 1280


def _proj1_call(xp, W1, P, Asrc, Adst):
    return pl.pallas_call(
        _tc_proj1,
        grid=(NP // ROWB,),
        in_specs=[
            pl.BlockSpec((ROWB, D_IN), lambda i: (i, 0)),
            pl.BlockSpec((D_IN, F1), lambda i: (0, 0)),
            pl.BlockSpec((F1, F1), lambda i: (0, 0)),
            pl.BlockSpec((F1, H1), lambda i: (0, 0)),
            pl.BlockSpec((F1, H1), lambda i: (0, 0)),
        ],
        out_specs=[
            pl.BlockSpec((ROWB, W_A1), lambda i: (i, 0)),
            pl.BlockSpec((ROWB, W_D), lambda i: (i, 0)),
        ],
        out_shape=[
            jax.ShapeDtypeStruct((NP, W_A1), jnp.float32),
            jax.ShapeDtypeStruct((NP, W_D), jnp.float32),
        ],
    )(xp, W1, P, Asrc, Adst)


def _mid_call(parts1, W2q, as2c, ad2c, b1c):
    return pl.pallas_call(
        _tc_mid,
        grid=(NP // ROWB,),
        in_specs=[
            pl.BlockSpec((2, ROWB, W_A1), lambda i: (0, i, 0)),
            pl.BlockSpec((F1, OUT), lambda i: (0, 0)),
            pl.BlockSpec((OUT, 1), lambda i: (0, 0)),
            pl.BlockSpec((OUT, 1), lambda i: (0, 0)),
            pl.BlockSpec((1, F1), lambda i: (0, 0)),
        ],
        out_specs=[
            pl.BlockSpec((ROWB, W_A2), lambda i: (i, 0)),
            pl.BlockSpec((ROWB, W_D), lambda i: (i, 0)),
        ],
        out_shape=[
            jax.ShapeDtypeStruct((NP, W_A2), jnp.float32),
            jax.ShapeDtypeStruct((NP, W_D), jnp.float32),
        ],
    )(parts1, W2q, as2c, ad2c, b1c)


def _out_call(parts2, b2r):
    return pl.pallas_call(
        _tc_out,
        grid=(NP // ROWB,),
        in_specs=[
            pl.BlockSpec((2, ROWB, W_A2), lambda i: (0, i, 0)),
            pl.BlockSpec((1, OUT), lambda i: (0, 0)),
        ],
        out_specs=pl.BlockSpec((ROWB, OUT), lambda i: (i, 0)),
        out_shape=jax.ShapeDtypeStruct((NP, OUT), jnp.float32),
    )(parts2, b2r)


def _edge_pass(width, msg_regs, a_tab, d_tab, sidx2d, didx2d, zeros_tab,
               bpw0=BPW, bpw1=BPW):
    bpw_max = max(bpw0, bpw1)

    @partial(
        pl.kernel,
        out_type=jax.ShapeDtypeStruct((2, NP, width), jnp.float32),
        mesh=plsc.VectorSubcoreMesh(core_axis_name="c", subcore_axis_name="s"),
        scratch_types=[
            pltpu.VMEM((bpw_max + 7, BLK), jnp.int32),
            pltpu.VMEM((bpw_max + 7, BLK), jnp.int32),
            pltpu.VMEM((BLK, width), jnp.float32),
            pltpu.VMEM((BLK, width), jnp.float32),
            pltpu.VMEM((BLK, W_D), jnp.float32),
            pltpu.VMEM((BLK, W_D), jnp.float32),
            pltpu.VMEM((BLK, width), jnp.float32),
            pltpu.VMEM((BLK, width), jnp.float32),
            pltpu.VMEM_SHARED((NP, width), jnp.float32),
            pltpu.SemaphoreType.DMA,
            pltpu.SemaphoreType.DMA,
            pltpu.SemaphoreType.DMA,
            pltpu.SemaphoreType.DMA,
            pltpu.SemaphoreType.DMA,
            pltpu.SemaphoreType.DMA,
        ],
        compiler_params=pltpu.CompilerParams(use_tc_tiling_on_sc=False),
    )
    def kern(a_hbm, d_hbm, s_hbm, di_hbm, z_hbm, out_hbm,
             sidx, didx, bufa0, bufa1, bufd0, bufd1, bufo0, bufo1, acc,
             semA0, semA1, semD0, semD1, semS0, semS1):
        c = lax.axis_index("c")
        s = lax.axis_index("s")
        w = c * 16 + s
        bufa = (bufa0, bufa1)
        bufd = (bufd0, bufd1)
        bufo = (bufo0, bufo1)
        semA = (semA0, semA1)
        semD = (semD0, semD1)
        semS = (semS0, semS1)
        pltpu.sync_copy(z_hbm.at[pl.ds(s * ROWS_PER_SUB, ROWS_PER_SUB)],
                        acc.at[pl.ds(s * ROWS_PER_SUB, ROWS_PER_SUB)])
        start = jnp.where(c == 0, s * bpw0, 16 * bpw0 + s * bpw1)
        bpw = jnp.where(c == 0, bpw0, bpw1)
        base = start // 8 * 8
        off = start - base
        pltpu.sync_copy(s_hbm.at[pl.ds(base, bpw_max + 7)], sidx)
        pltpu.sync_copy(di_hbm.at[pl.ds(base, bpw_max + 7)], didx)
        plsc.subcore_barrier()

        def gather_start(jj, b):
            pltpu.make_async_copy(a_hbm.at[sidx.at[off + jj]], bufa[b],
                                  semA[b]).start()
            pltpu.make_async_copy(d_hbm.at[didx.at[off + jj]], bufd[b],
                                  semD[b]).start()

        def gather_wait(jj, b):
            pltpu.make_async_copy(a_hbm.at[sidx.at[off + jj]], bufa[b],
                                  semA[b]).wait()
            pltpu.make_async_copy(d_hbm.at[didx.at[off + jj]], bufd[b],
                                  semD[b]).wait()

        def scatter_wait(jj, b):
            pltpu.make_async_copy(bufo[b], acc.at[didx.at[off + jj]],
                                  semS[b]).wait()

        gather_start(0, 0)

        def body(j, b):
            jj = j + b

            @pl.when(jj + 1 < bpw)
            def _():
                gather_start(jj + 1, 1 - b)

            gather_wait(jj, b)

            @pl.when(jj >= 2)
            def _():
                scatter_wait(jj - 2, b)

            @plsc.parallel_loop(0, BLK, 1, unroll=4)
            def _(r):
                sv = bufa[b][r, pl.ds(width - 16, 16)] + bufd[b][r, pl.ds(0, 16)]
                e = jnp.maximum(sv, 0.0) + 0.2 * jnp.minimum(sv, 0.0)
                ee = jnp.exp(e)
                for k in range(msg_regs):
                    bufo[b][r, pl.ds(16 * k, 16)] = (
                        bufa[b][r, pl.ds(16 * k, 16)] * ee)
                bufo[b][r, pl.ds(width - 16, 16)] = ee

            pltpu.make_async_copy(bufo[b], acc.at[didx.at[off + jj]],
                                  semS[b]).start(add=True)

        @pl.loop(0, bpw, step=2)
        def _(j):
            body(j, 0)
            body(j, 1)

        scatter_wait(bpw - 2, 0)
        scatter_wait(bpw - 1, 1)
        plsc.subcore_barrier()
        pltpu.sync_copy(acc.at[pl.ds(s * ROWS_PER_SUB, ROWS_PER_SUB)],
                        out_hbm.at[c].at[pl.ds(s * ROWS_PER_SUB, ROWS_PER_SUB)])

    return kern(a_tab, d_tab, sidx2d, didx2d, zeros_tab)


@jax.jit
def kernel(x, edge_index, W1, a_src1, a_dst1, b1, W2, a_src2, a_dst2, b2):
    f32 = jnp.float32
    xp = jnp.concatenate([x, jnp.zeros((NP - N, D_IN), f32)], axis=0)

    P = jnp.asarray(_PERM)
    mask = jnp.asarray(_BLKDIAG_MASK)
    Asrc = mask * a_src1.reshape(-1, 1)
    Adst = mask * a_dst1.reshape(-1, 1)
    W2q = W2[_IDX_C, :]
    b1c = b1[_IDX_C].reshape(1, F1)
    as2c = a_src2.reshape(OUT, 1)
    ad2c = a_dst2.reshape(OUT, 1)
    b2r = b2.reshape(1, OUT)

    loop = jnp.arange(N, dtype=jnp.int32)
    pad = NBLK_ID * BLK - E_TOT
    src = jnp.concatenate([edge_index[0], loop, jnp.zeros((pad,), jnp.int32)])
    pad_dst = N + (jnp.arange(pad, dtype=jnp.int32) % (NP - N))
    dst = jnp.concatenate([edge_index[1], loop, pad_dst])
    src2d = src.reshape(NBLK_ID, BLK)
    dst2d = dst.reshape(NBLK_ID, BLK)

    zeros1 = jnp.zeros((NP, W_A1), f32)
    zeros2 = jnp.zeros((NP, W_A2), f32)

    A1, D1 = _proj1_call(xp, W1, P, Asrc, Adst)
    parts1 = _edge_pass(W_A1, 4, A1, D1, src2d, dst2d, zeros1)
    A2, D2 = _mid_call(parts1, W2q, as2c, ad2c, b1c)
    parts2 = _edge_pass(W_A2, 3, A2, D2, src2d, dst2d, zeros2)
    o = _out_call(parts2, b2r)
    return o[:N]

# --- scband reference (transcript-rebuilt; emitter-appended) ---
"""Pipeline reference for scband-gat-69389491634486 (READ-ONLY COPY).

The authoritative reference and input builder live on the scoring server;
editing this copy changes nothing except your own understanding.
"""

import jax, jax.numpy as jnp
import numpy as np

N = 10000
E = 320000
D_IN = 128
HEADS1 = 8
HID1 = 8
OUT = 40


def setup_inputs(seed: int = 0) -> dict:
    key = jax.random.key(seed)
    ks = jax.random.split(key, 12)
    x = jax.random.normal(ks[0], (N, D_IN), dtype=jnp.float32)
    edge_index = jax.random.randint(ks[1], (2, E), 0, N, dtype=jnp.int32)
    # GATConv layer 1: in=128, out=8, heads=8, concat=True
    W1 = jax.random.normal(ks[2], (D_IN, HEADS1 * HID1), dtype=jnp.float32) * 0.1
    a_src1 = jax.random.normal(ks[3], (HEADS1, HID1), dtype=jnp.float32) * 0.1
    a_dst1 = jax.random.normal(ks[4], (HEADS1, HID1), dtype=jnp.float32) * 0.1
    b1 = jnp.zeros((HEADS1 * HID1,), dtype=jnp.float32)
    # GATConv layer 2: in=64, out=40, heads=1, concat=False
    W2 = jax.random.normal(ks[5], (HEADS1 * HID1, OUT), dtype=jnp.float32) * 0.1
    a_src2 = jax.random.normal(ks[6], (1, OUT), dtype=jnp.float32) * 0.1
    a_dst2 = jax.random.normal(ks[7], (1, OUT), dtype=jnp.float32) * 0.1
    b2 = jnp.zeros((OUT,), dtype=jnp.float32)
    return {"x": x, "edge_index": edge_index, "W1": W1, "a_src1": a_src1,
            "a_dst1": a_dst1, "b1": b1, "W2": W2, "a_src2": a_src2,
            "a_dst2": a_dst2, "b2": b2}


def gat_conv(h_in, src, dst, W, a_src, a_dst, b, heads, out_c, concat):
    # Linear projection per head
    h = (h_in @ W).reshape(N, heads, out_c)
    # Per-node attention logits (PyG GATConv formulation)
    alpha_src = (h * a_src[None, :, :]).sum(-1)  # [N, H]
    alpha_dst = (h * a_dst[None, :, :]).sum(-1)  # [N, H]
    e = alpha_src[src] + alpha_dst[dst]          # [E', H]  (gather)
    e = jax.nn.leaky_relu(e, 0.2)
    # Softmax over incoming edges per destination node (segment ops)
    e_max = jax.ops.segment_max(e, dst, num_segments=N)
    e_max = jnp.where(jnp.isfinite(e_max), e_max, 0.0)
    e_exp = jnp.exp(e - e_max[dst])
    denom = jax.ops.segment_sum(e_exp, dst, num_segments=N)
    alpha = e_exp / (denom[dst] + 1e-16)
    # Weighted message aggregation (gather + scatter-add)
    msg = h[src] * alpha[:, :, None]             # [E', H, C]
    out = jax.ops.segment_sum(msg, dst, num_segments=N)  # [N, H, C]
    if concat:
        out = out.reshape(N, heads * out_c)
    else:
        out = out.mean(axis=1)
    return out + b


def reference(x, edge_index, W1, a_src1, a_dst1, b1, W2, a_src2, a_dst2, b2):
    # PyG GATConv adds self-loops by default
    loop = jnp.arange(N, dtype=edge_index.dtype)
    src = jnp.concatenate([edge_index[0], loop])
    dst = jnp.concatenate([edge_index[1], loop])
    h = gat_conv(x, src, dst, W1, a_src1, a_dst1, b1, HEADS1, HID1, True)
    h = jax.nn.relu(h)
    # dropout p=0.5 is identity in eval mode
    h = gat_conv(h, src, dst, W2, a_src2, a_dst2, b2, 1, OUT, False)
    return jax.nn.log_softmax(h, axis=-1)

if __name__ == "__main__":
    import jax
    _d = setup_inputs()
    print(jax.jit(kernel)(*tuple(_d.values())))

</pallas_src>

<mosaic_0001>
#map = affine_map<(d0, d1) -> (0, 0)>
#map1 = affine_map<(d0, d1) -> (0, 0, 0)>
module attributes {stable_mosaic.version = 14 : i64} {
  func.func @kern(%arg0: i32, %arg1: i32, %arg2: memref<10240x80xf32, #tpu.memory_space<hbm>>, %arg3: memref<10240x16xf32, #tpu.memory_space<hbm>>, %arg4: memref<2752x128xi32, #tpu.memory_space<hbm>>, %arg5: memref<2752x128xi32, #tpu.memory_space<hbm>>, %arg6: memref<10240x80xf32, #tpu.memory_space<hbm>>, %arg7: memref<2x10240x80xf32, #tpu.memory_space<hbm>>, %arg8: memref<89x128xi32, #tpu.memory_space<vmem>>, %arg9: memref<89x128xi32, #tpu.memory_space<vmem>>, %arg10: memref<128x80xf32, #tpu.memory_space<vmem>>, %arg11: memref<128x80xf32, #tpu.memory_space<vmem>>, %arg12: memref<128x16xf32, #tpu.memory_space<vmem>>, %arg13: memref<128x16xf32, #tpu.memory_space<vmem>>, %arg14: memref<128x80xf32, #tpu.memory_space<vmem>>, %arg15: memref<128x80xf32, #tpu.memory_space<vmem>>, %arg16: memref<10240x80xf32, #tpu.memory_space<vmem_shared>>, %arg17: memref<!tpu.dma_semaphore, #tpu.memory_space<semaphore_mem>>, %arg18: memref<!tpu.dma_semaphore, #tpu.memory_space<semaphore_mem>>, %arg19: memref<!tpu.dma_semaphore, #tpu.memory_space<semaphore_mem>>, %arg20: memref<!tpu.dma_semaphore, #tpu.memory_space<semaphore_mem>>, %arg21: memref<!tpu.dma_semaphore, #tpu.memory_space<semaphore_mem>>, %arg22: memref<!tpu.dma_semaphore, #tpu.memory_space<semaphore_mem>>) attributes {dimension_semantics = [#tpu.dimension_semantics<core_parallel>, #tpu.dimension_semantics<subcore_parallel>], iteration_bounds = array<i64: 2, 16>, scalar_prefetch = 0 : i64, scratch_operands = 15 : i64, tpu.core_type = #tpu.core_type<sc_vector_subcore>, window_params = [{transform_indices = #map}, {transform_indices = #map}, {transform_indices = #map}, {transform_indices = #map}, {transform_indices = #map}, {transform_indices = #map1}]} {
    %mul3A = arith.constant 16 : i32
    %mul3A_0 = arith.muli %arg0, %mul3A : i32
    %add3A = arith.addi %mul3A_0, %arg1 : i32
    %mul3A_1 = arith.constant 640 : i32
    %mul3A_2 = arith.muli %arg1, %mul3A_1 : i32
    %mul3A_3 = arith.constant 640 : i32
    %mul3A_4 = arith.muli %arg1, %mul3A_3 : i32
    "tpu.region"() ({
      %run_scoped3A = tpu.sem_alloc : memref<!tpu.dma_semaphore, #tpu.memory_space<semaphore_mem>>
      %dma_start3A_92 = arith.constant 0 : i32
      %dma_start3A_93 = tpu.memref_slice %arg16[%mul3A_4, %dma_start3A_92] : memref<10240x80xf32, #tpu.memory_space<vmem_shared>> -> memref<640x80xf32, #tpu.memory_space<vmem_shared>>
      %dma_start3A_94 = arith.constant 0 : i32
      %dma_start3A_95 = tpu.memref_slice %arg6[%mul3A_2, %dma_start3A_94] : memref<10240x80xf32, #tpu.memory_space<hbm>> -> memref<640x80xf32, #tpu.memory_space<hbm>>
      tpu.enqueue_dma source(%dma_start3A_95 : memref<640x80xf32, #tpu.memory_space<hbm>>) target(%dma_start3A_93 : memref<640x80xf32, #tpu.memory_space<vmem_shared>>) target_semaphore(%run_scoped3A : memref<!tpu.dma_semaphore, #tpu.memory_space<semaphore_mem>>)
      %dma_wait3A_96 = arith.constant 0 : i32
      %dma_wait3A_97 = tpu.memref_slice %arg16[%mul3A_4, %dma_wait3A_96] : memref<10240x80xf32, #tpu.memory_space<vmem_shared>> -> memref<640x80xf32, #tpu.memory_space<vmem_shared>>
      %dma_wait3A_98 = arith.constant 0 : i32
      %dma_wait3A_99 = tpu.memref_slice %arg6[%mul3A_2, %dma_wait3A_98] : memref<10240x80xf32, #tpu.memory_space<hbm>> -> memref<640x80xf32, #tpu.memory_space<hbm>>
      tpu.wait_dma2 semaphore(%run_scoped3A : memref<!tpu.dma_semaphore, #tpu.memory_space<semaphore_mem>>) src(%dma_wait3A_99 : memref<640x80xf32, #tpu.memory_space<hbm>>) dst(%dma_wait3A_97 : memref<640x80xf32, #tpu.memory_space<vmem_shared>>)
      tpu.yield
    }) : () -> ()
    %eq3A = arith.constant 0 : i32
    %eq3A_5 = arith.cmpi eq, %arg0, %eq3A : i32
    %mul3A_6 = arith.constant 82 : i32
    %mul3A_7 = arith.muli %arg1, %mul3A_6 : i32
    %mul3A_8 = arith.constant 82 : i32
    %mul3A_9 = arith.muli %arg1, %mul3A_8 : i32
    %add3A_10 = arith.constant 1312 : i32
    %add3A_11 = arith.addi %add3A_10, %mul3A_9 : i32
    %select_n3A = arith.select %eq3A_5, %mul3A_7, %add3A_11 : i32
    %eq3A_12 = arith.constant 0 : i32
    %eq3A_13 = arith.cmpi eq, %arg0, %eq3A_12 : i32
    %jit3A = arith.constant 82 : i32
    %jit3A_14 = arith.constant 82 : i32
    %select_n3A_15 = arith.select %eq3A_13, %jit3A, %jit3A_14 : i32
    %jit3A_16 = arith.constant 8 : i32
    %div3A = arith.divsi %select_n3A, %jit3A_16 : i32
    %sign3A = arith.constant 0 : i32
    %sign3A_17 = arith.cmpi sgt, %select_n3A, %sign3A : i32
    %sign3A_18 = arith.extui %sign3A_17 : i1 to i32
    %sign3A_19 = arith.constant 0 : i32
    %sign3A_20 = arith.cmpi slt, %select_n3A, %sign3A_19 : i32
    %sign3A_21 = arith.extui %sign3A_20 : i1 to i32
    %sign3A_22 = arith.subi %sign3A_18, %sign3A_21 : i32
    %sign3A_23 = arith.constant 0 : i32
    %sign3A_24 = arith.cmpi sgt, %jit3A_16, %sign3A_23 : i32
    %sign3A_25 = arith.extui %sign3A_24 : i1 to i32
    %sign3A_26 = arith.constant 0 : i32
    %sign3A_27 = arith.cmpi slt, %jit3A_16, %sign3A_26 : i32
    %sign3A_28 = arith.extui %sign3A_27 : i1 to i32
    %sign3A_29 = arith.subi %sign3A_25, %sign3A_28 : i32
    %ne3A = arith.cmpi ne, %sign3A_22, %sign3A_29 : i32
    %rem3A = arith.remsi %select_n3A, %jit3A_16 : i32
    %ne3A_30 = arith.constant 0 : i32
    %ne3A_31 = arith.cmpi ne, %rem3A, %ne3A_30 : i32
    %and3A = arith.andi %ne3A, %ne3A_31 : i1
    %sub3A = arith.constant 1 : i32
    %sub3A_32 = arith.subi %div3A, %sub3A : i32
    %select_n3A_33 = arith.select %and3A, %sub3A_32, %div3A : i32
    %mul3A_34 = arith.constant 8 : i32
    %mul3A_35 = arith.muli %select_n3A_33, %mul3A_34 : i32
    %sub3A_36 = arith.subi %select_n3A, %mul3A_35 : i32
    "tpu.region"() ({
      %run_scoped3A = tpu.sem_alloc : memref<!tpu.dma_semaphore, #tpu.memory_space<semaphore_mem>>
      %dma_start3A_92 = arith.constant 0 : i32
      %dma_start3A_93 = tpu.memref_slice %arg4[%mul3A_35, %dma_start3A_92] : memref<2752x128xi32, #tpu.memory_space<hbm>> -> memref<89x128xi32, #tpu.memory_space<hbm>>
      %dma_start3A_94 = arith.constant 0 : i32
      %dma_start3A_95 = tpu.memref_slice %arg4[%mul3A_35, %dma_start3A_94] : memref<2752x128xi32, #tpu.memory_space<hbm>> -> memref<89x128xi32, #tpu.memory_space<hbm>>
      tpu.enqueue_dma source(%dma_start3A_95 : memref<89x128xi32, #tpu.memory_space<hbm>>) target(%arg8 : memref<89x128xi32, #tpu.memory_space<vmem>>) target_semaphore(%run_scoped3A : memref<!tpu.dma_semaphore, #tpu.memory_space<semaphore_mem>>)
      %dma_wait3A_96 = arith.constant 0 : i32
      %dma_wait3A_97 = tpu.memref_slice %arg4[%mul3A_35, %dma_wait3A_96] : memref<2752x128xi32, #tpu.memory_space<hbm>> -> memref<89x128xi32, #tpu.memory_space<hbm>>
      %dma_wait3A_98 = arith.constant 0 : i32
      %dma_wait3A_99 = tpu.memref_slice %arg4[%mul3A_35, %dma_wait3A_98] : memref<2752x128xi32, #tpu.memory_space<hbm>> -> memref<89x128xi32, #tpu.memory_space<hbm>>
      tpu.wait_dma2 semaphore(%run_scoped3A : memref<!tpu.dma_semaphore, #tpu.memory_space<semaphore_mem>>) src(%dma_wait3A_99 : memref<89x128xi32, #tpu.memory_space<hbm>>) dst(%arg8 : memref<89x128xi32, #tpu.memory_space<vmem>>)
      tpu.yield
    }) : () -> ()
    "tpu.region"() ({
      %run_scoped3A = tpu.sem_alloc : memref<!tpu.dma_semaphore, #tpu.memory_space<semaphore_mem>>
      %dma_start3A_92 = arith.constant 0 : i32
      %dma_start3A_93 = tpu.memref_slice %arg5[%mul3A_35, %dma_start3A_92] : memref<2752x128xi32, #tpu.memory_space<hbm>> -> memref<89x128xi32, #tpu.memory_space<hbm>>
      %dma_start3A_94 = arith.constant 0 : i32
      %dma_start3A_95 = tpu.memref_slice %arg5[%mul3A_35, %dma_start3A_94] : memref<2752x128xi32, #tpu.memory_space<hbm>> -> memref<89x128xi32, #tpu.memory_space<hbm>>
      tpu.enqueue_dma source(%dma_start3A_95 : memref<89x128xi32, #tpu.memory_space<hbm>>) target(%arg9 : memref<89x128xi32, #tpu.memory_space<vmem>>) target_semaphore(%run_scoped3A : memref<!tpu.dma_semaphore, #tpu.memory_space<semaphore_mem>>)
      %dma_wait3A_96 = arith.constant 0 : i32
      %dma_wait3A_97 = tpu.memref_slice %arg5[%mul3A_35, %dma_wait3A_96] : memref<2752x128xi32, #tpu.memory_space<hbm>> -> memref<89x128xi32, #tpu.memory_space<hbm>>
      %dma_wait3A_98 = arith.constant 0 : i32
      %dma_wait3A_99 = tpu.memref_slice %arg5[%mul3A_35, %dma_wait3A_98] : memref<2752x128xi32, #tpu.memory_space<hbm>> -> memref<89x128xi32, #tpu.memory_space<hbm>>
      tpu.wait_dma2 semaphore(%run_scoped3A : memref<!tpu.dma_semaphore, #tpu.memory_space<semaphore_mem>>) src(%dma_wait3A_99 : memref<89x128xi32, #tpu.memory_space<hbm>>) dst(%arg9 : memref<89x128xi32, #tpu.memory_space<vmem>>)
      tpu.yield
    }) : () -> ()
    %barrier3A = arith.constant 0 : index
    tpu.barrier barrier_id(%barrier3A)
    %add3A_37 = arith.constant 0 : i32
    %add3A_38 = arith.addi %sub3A_36, %add3A_37 : i32
    %dma_start3A = arith.constant 0 : i32
    %dma_start3A_39 = tpu.memref_slice %arg8[%add3A_38, %dma_start3A] : memref<89x128xi32, #tpu.memory_space<vmem>> -> memref<1x128xi32, #tpu.memory_space<vmem>>
    %dma_start3A_40 = tpu.memref_squeeze %dma_start3A_39 : memref<1x128xi32, #tpu.memory_space<vmem>> -> memref<128xi32, #tpu.memory_space<vmem>>
    %dma_start3A_41 = arith.constant 0 : i32
    %dma_start3A_42 = arith.constant 0 : i32
    %dma_start3A_43 = tpu.memref_slice %arg2[%dma_start3A_41, %dma_start3A_42] : memref<10240x80xf32, #tpu.memory_space<hbm>> -> memref<10240x80xf32, #tpu.memory_space<hbm>>
    tpu.enqueue_indirect_dma source(%dma_start3A_43 : memref<10240x80xf32, #tpu.memory_space<hbm>>) target(%arg10 : memref<128x80xf32, #tpu.memory_space<vmem>>) offsets(%dma_start3A_40 : memref<128xi32, #tpu.memory_space<vmem>>) semaphore(%arg17 : memref<!tpu.dma_semaphore, #tpu.memory_space<semaphore_mem>>)
    %add3A_44 = arith.constant 0 : i32
    %add3A_45 = arith.addi %sub3A_36, %add3A_44 : i32
    %dma_start3A_46 = arith.constant 0 : i32
    %dma_start3A_47 = tpu.memref_slice %arg9[%add3A_45, %dma_start3A_46] : memref<89x128xi32, #tpu.memory_space<vmem>> -> memref<1x128xi32, #tpu.memory_space<vmem>>
    %dma_start3A_48 = tpu.memref_squeeze %dma_start3A_47 : memref<1x128xi32, #tpu.memory_space<vmem>> -> memref<128xi32, #tpu.memory_space<vmem>>
    %dma_start3A_49 = arith.constant 0 : i32
    %dma_start3A_50 = arith.constant 0 : i32
    %dma_start3A_51 = tpu.memref_slice %arg3[%dma_start3A_49, %dma_start3A_50] : memref<10240x16xf32, #tpu.memory_space<hbm>> -> memref<10240x16xf32, #tpu.memory_space<hbm>>
    tpu.enqueue_indirect_dma source(%dma_start3A_51 : memref<10240x16xf32, #tpu.memory_space<hbm>>) target(%arg12 : memref<128x16xf32, #tpu.memory_space<vmem>>) offsets(%dma_start3A_48 : memref<128xi32, #tpu.memory_space<vmem>>) semaphore(%arg19 : memref<!tpu.dma_semaphore, #tpu.memory_space<semaphore_mem>>)
    %sub3A_52 = arith.constant 0 : i32
    %sub3A_53 = arith.subi %select_n3A_15, %sub3A_52 : i32
    %sub3A_54 = arith.constant 2 : i32
    %sub3A_55 = arith.constant 1 : i32
    %sub3A_56 = arith.subi %sub3A_54, %sub3A_55 : i32
    %add3A_57 = arith.addi %sub3A_53, %sub3A_56 : i32
    %div3A_58 = arith.constant 2 : i32
    %div3A_59 = arith.divsi %add3A_57, %div3A_58 : i32
    %while3A = arith.constant 2 : i32
    %while3A_60 = arith.constant 0 : i32
    %while3A_61 = arith.constant 0 : i32
    %while3A_62 = arith.subi %div3A_59, %while3A_61 : i32
    %while3A_63 = arith.addi %while3A_61, %while3A_62 : i32
    %while3A_64 = arith.constant 1 : i32
    %while3A_65 = arith.divsi %while3A_62, %while3A_64 : i32
    %while3A_66 = arith.muli %while3A_65, %while3A_64 : i32
    %while3A_67 = arith.addi %while3A_61, %while3A_66 : i32
    %while3A_68 = arith.constant 1 : i32
    scf.for %while3A_92 = %while3A_61 to %while3A_67 step %while3A_68  : i32 {
      %mul3A_93 = arith.muli %while3A_92, %while3A : i32
      %add3A_94 = arith.addi %while3A_60, %mul3A_93 : i32
      %add3A_95 = arith.constant 0 : i32
      %add3A_96 = arith.addi %add3A_94, %add3A_95 : i32
      %add3A_97 = arith.constant 1 : i32
      %add3A_98 = arith.addi %add3A_96, %add3A_97 : i32
      %lt3A = arith.cmpi slt, %add3A_98, %select_n3A_15 : i32
      %convert_element_type3A = arith.extui %lt3A : i1 to i32
      %cond3A = arith.constant 0 : i32
      %cond3A_99 = arith.cmpi ne, %convert_element_type3A, %cond3A : i32
      scf.if %cond3A_99 {
        %add3A_164 = arith.constant 1 : i32
        %add3A_165 = arith.addi %add3A_96, %add3A_164 : i32
        %add3A_166 = arith.addi %sub3A_36, %add3A_165 : i32
        %dma_start3A_167 = arith.constant 0 : i32
        %dma_start3A_168 = tpu.memref_slice %arg8[%add3A_166, %dma_start3A_167] : memref<89x128xi32, #tpu.memory_space<vmem>> -> memref<1x128xi32, #tpu.memory_space<vmem>>
        %dma_start3A_169 = tpu.memref_squeeze %dma_start3A_168 : memref<1x128xi32, #tpu.memory_space<vmem>> -> memref<128xi32, #tpu.memory_space<vmem>>
        %dma_start3A_170 = arith.constant 0 : i32
        %dma_start3A_171 = arith.constant 0 : i32
        %dma_start3A_172 = tpu.memref_slice %arg2[%dma_start3A_170, %dma_start3A_171] : memref<10240x80xf32, #tpu.memory_space<hbm>> -> memref<10240x80xf32, #tpu.memory_space<hbm>>
        tpu.enqueue_indirect_dma source(%dma_start3A_172 : memref<10240x80xf32, #tpu.memory_space<hbm>>) target(%arg11 : memref<128x80xf32, #tpu.memory_space<vmem>>) offsets(%dma_start3A_169 : memref<128xi32, #tpu.memory_space<vmem>>) semaphore(%arg18 : memref<!tpu.dma_semaphore, #tpu.memory_space<semaphore_mem>>)
        %add3A_173 = arith.addi %sub3A_36, %add3A_165 : i32
        %dma_start3A_174 = arith.constant 0 : i32
        %dma_start3A_175 = tpu.memref_slice %arg9[%add3A_173, %dma_start3A_174] : memref<89x128xi32, #tpu.memory_space<vmem>> -> memref<1x128xi32, #tpu.memory_space<vmem>>
        %dma_start3A_176 = tpu.memref_squeeze %dma_start3A_175 : memref<1x128xi32, #tpu.memory_space<vmem>> -> memref<128xi32, #tpu.memory_space<vmem>>
        %dma_start3A_177 = arith.constant 0 : i32
        %dma_start3A_178 = arith.constant 0 : i32
        %dma_start3A_179 = tpu.memref_slice %arg3[%dma_start3A_177, %dma_start3A_178] : memref<10240x16xf32, #tpu.memory_space<hbm>> -> memref<10240x16xf32, #tpu.memory_space<hbm>>
        tpu.enqueue_indirect_dma source(%dma_start3A_179 : memref<10240x16xf32, #tpu.memory_space<hbm>>) target(%arg13 : memref<128x16xf32, #tpu.memory_space<vmem>>) offsets(%dma_start3A_176 : memref<128xi32, #tpu.memory_space<vmem>>) semaphore(%arg20 : memref<!tpu.dma_semaphore, #tpu.memory_space<semaphore_mem>>)
      } else {
      }
      %add3A_100 = arith.addi %sub3A_36, %add3A_96 : i32
      %dma_wait3A_101 = arith.constant 0 : i32
      %dma_wait3A_102 = tpu.memref_slice %arg8[%add3A_100, %dma_wait3A_101] : memref<89x128xi32, #tpu.memory_space<vmem>> -> memref<1x128xi32, #tpu.memory_space<vmem>>
      %dma_wait3A_103 = tpu.memref_squeeze %dma_wait3A_102 : memref<1x128xi32, #tpu.memory_space<vmem>> -> memref<128xi32, #tpu.memory_space<vmem>>
      %dma_wait3A_104 = arith.constant 0 : i32
      %dma_wait3A_105 = arith.constant 0 : i32
      %dma_wait3A_106 = tpu.memref_slice %arg2[%dma_wait3A_104, %dma_wait3A_105] : memref<10240x80xf32, #tpu.memory_space<hbm>> -> memref<10240x80xf32, #tpu.memory_space<hbm>>
      tpu.wait_indirect_dma semaphore(%arg17 : memref<!tpu.dma_semaphore, #tpu.memory_space<semaphore_mem>>) src(%dma_wait3A_106 : memref<10240x80xf32, #tpu.memory_space<hbm>>) dst(%arg10 : memref<128x80xf32, #tpu.memory_space<vmem>>)
      %add3A_107 = arith.addi %sub3A_36, %add3A_96 : i32
      %dma_wait3A_108 = arith.constant 0 : i32
      %dma_wait3A_109 = tpu.memref_slice %arg9[%add3A_107, %dma_wait3A_108] : memref<89x128xi32, #tpu.memory_space<vmem>> -> memref<1x128xi32, #tpu.memory_space<vmem>>
      %dma_wait3A_110 = tpu.memref_squeeze %dma_wait3A_109 : memref<1x128xi32, #tpu.memory_space<vmem>> -> memref<128xi32, #tpu.memory_space<vmem>>
      %dma_wait3A_111 = arith.constant 0 : i32
      %dma_wait3A_112 = arith.constant 0 : i32
      %dma_wait3A_113 = tpu.memref_slice %arg3[%dma_wait3A_111, %dma_wait3A_112] : memref<10240x16xf32, #tpu.memory_space<hbm>> -> memref<10240x16xf32, #tpu.memory_space<hbm>>
      tpu.wait_indirect_dma semaphore(%arg19 : memref<!tpu.dma_semaphore, #tpu.memory_space<semaphore_mem>>) src(%dma_wait3A_113 : memref<10240x16xf32, #tpu.memory_space<hbm>>) dst(%arg12 : memref<128x16xf32, #tpu.memory_space<vmem>>)
      %ge3A = arith.constant 2 : i32
      %ge3A_114 = arith.cmpi sge, %add3A_96, %ge3A : i32
      %convert_element_type3A_115 = arith.extui %ge3A_114 : i1 to i32
      %cond3A_116 = arith.constant 0 : i32
      %cond3A_117 = arith.cmpi ne, %convert_element_type3A_115, %cond3A_116 : i32
      scf.if %cond3A_117 {
        %sub3A_164 = arith.constant 2 : i32
        %sub3A_165 = arith.subi %add3A_96, %sub3A_164 : i32
        %add3A_166 = arith.addi %sub3A_36, %sub3A_165 : i32
        %dma_wait3A_167 = arith.constant 0 : i32
        %dma_wait3A_168 = tpu.memref_slice %arg9[%add3A_166, %dma_wait3A_167] : memref<89x128xi32, #tpu.memory_space<vmem>> -> memref<1x128xi32, #tpu.memory_space<vmem>>
        %dma_wait3A_169 = tpu.memref_squeeze %dma_wait3A_168 : memref<1x128xi32, #tpu.memory_space<vmem>> -> memref<128xi32, #tpu.memory_space<vmem>>
        %dma_wait3A_170 = arith.constant 0 : i32
        %dma_wait3A_171 = arith.constant 0 : i32
        %dma_wait3A_172 = tpu.memref_slice %arg16[%dma_wait3A_170, %dma_wait3A_171] : memref<10240x80xf32, #tpu.memory_space<vmem_shared>> -> memref<10240x80xf32, #tpu.memory_space<vmem_shared>>
        tpu.wait_indirect_dma semaphore(%arg21 : memref<!tpu.dma_semaphore, #tpu.memory_space<semaphore_mem>>) src(%arg14 : memref<128x80xf32, #tpu.memory_space<vmem>>) dst(%dma_wait3A_172 : memref<10240x80xf32, #tpu.memory_space<vmem_shared>>)
      } else {
      }
      %parallel_loop3A = arith.constant 0 : i32
      %parallel_loop3A_118 = arith.constant 128 : i32
      %parallel_loop3A_119 = arith.constant 1 : i32
      scf.for %parallel_loop3A_164 = %parallel_loop3A to %parallel_loop3A_118 step %parallel_loop3A_119  : i32 {
        %parallel_loop3A_165 = arith.index_cast %parallel_loop3A_164 : i32 to index
        %parallel_loop3A_166 = arith.constant 64 : index
        %parallel_loop3A_167 = tpu.vector_load %arg10[%parallel_loop3A_165, %parallel_loop3A_166] {strides = array<i32>} : memref<128x80xf32, #tpu.memory_space<vmem>>, vector<1x16xf32>,
        %parallel_loop3A_168 = vector.shape_cast %parallel_loop3A_167 : vector<1x16xf32> to vector<16xf32>
        %parallel_loop3A_169 = arith.index_cast %parallel_loop3A_164 : i32 to index
        %parallel_loop3A_170 = arith.constant 0 : index
        %parallel_loop3A_171 = tpu.vector_load %arg12[%parallel_loop3A_169, %parallel_loop3A_170] {strides = array<i32>} : memref<128x16xf32, #tpu.memory_space<vmem>>, vector<1x16xf32>,
        %parallel_loop3A_172 = vector.shape_cast %parallel_loop3A_171 : vector<1x16xf32> to vector<16xf32>
        %parallel_loop3A_173 = arith.addf %parallel_loop3A_168, %parallel_loop3A_172 : vector<16xf32>
        %parallel_loop3A_174 = arith.constant 0.000000e+00 : f32
        %parallel_loop3A_175 = vector.broadcast %parallel_loop3A_174 : f32 to vector<16xf32>
        %parallel_loop3A_176 = arith.maximumf %parallel_loop3A_173, %parallel_loop3A_175 : vector<16xf32>
        %parallel_loop3A_177 = arith.constant 0.000000e+00 : f32
        %parallel_loop3A_178 = vector.broadcast %parallel_loop3A_177 : f32 to vector<16xf32>
        %parallel_loop3A_179 = arith.minimumf %parallel_loop3A_173, %parallel_loop3A_178 : vector<16xf32>
        %parallel_loop3A_180 = arith.constant 2.000000e-01 : f32
        %parallel_loop3A_181 = vector.broadcast %parallel_loop3A_180 : f32 to vector<16xf32>
        %parallel_loop3A_182 = arith.mulf %parallel_loop3A_181, %parallel_loop3A_179 : vector<16xf32>
        %parallel_loop3A_183 = arith.addf %parallel_loop3A_176, %parallel_loop3A_182 : vector<16xf32>
        %parallel_loop3A_184 = math.exp %parallel_loop3A_183 : vector<16xf32>
        %parallel_loop3A_185 = arith.index_cast %parallel_loop3A_164 : i32 to index
        %parallel_loop3A_186 = arith.constant 0 : index
        %parallel_loop3A_187 = tpu.vector_load %arg10[%parallel_loop3A_185, %parallel_loop3A_186] {strides = array<i32>} : memref<128x80xf32, #tpu.memory_space<vmem>>, vector<1x16xf32>,
        %parallel_loop3A_188 = vector.shape_cast %parallel_loop3A_187 : vector<1x16xf32> to vector<16xf32>
        %parallel_loop3A_189 = arith.mulf %parallel_loop3A_188, %parallel_loop3A_184 : vector<16xf32>
        %parallel_loop3A_190 = arith.index_cast %parallel_loop3A_164 : i32 to index
        %parallel_loop3A_191 = arith.constant 0 : index
        %parallel_loop3A_192 = tpu.vector_load %arg14[%parallel_loop3A_190, %parallel_loop3A_191] {strides = array<i32>} : memref<128x80xf32, #tpu.memory_space<vmem>>, vector<1x16xf32>,
        %parallel_loop3A_193 = vector.shape_cast %parallel_loop3A_192 : vector<1x16xf32> to vector<16xf32>
        %parallel_loop3A_194 = vector.shape_cast %parallel_loop3A_189 : vector<16xf32> to vector<1x16xf32>
        tpu.vector_store %arg14[%parallel_loop3A_190, %parallel_loop3A_191], %parallel_loop3A_194 {strides = array<i32>} : memref<128x80xf32, #tpu.memory_space<vmem>>, vector<1x16xf32>,
        %parallel_loop3A_195 = arith.index_cast %parallel_loop3A_164 : i32 to index
        %parallel_loop3A_196 = arith.constant 16 : index
        %parallel_loop3A_197 = tpu.vector_load %arg10[%parallel_loop3A_195, %parallel_loop3A_196] {strides = array<i32>} : memref<128x80xf32, #tpu.memory_space<vmem>>, vector<1x16xf32>,
        %parallel_loop3A_198 = vector.shape_cast %parallel_loop3A_197 : vector<1x16xf32> to vector<16xf32>
        %parallel_loop3A_199 = arith.mulf %parallel_loop3A_198, %parallel_loop3A_184 : vector<16xf32>
        %parallel_loop3A_200 = arith.index_cast %parallel_loop3A_164 : i32 to index
        %parallel_loop3A_201 = arith.constant 16 : index
        %parallel_loop3A_202 = tpu.vector_load %arg14[%parallel_loop3A_200, %parallel_loop3A_201] {strides = array<i32>} : memref<128x80xf32, #tpu.memory_space<vmem>>, vector<1x16xf32>,
        %parallel_loop3A_203 = vector.shape_cast %parallel_loop3A_202 : vector<1x16xf32> to vector<16xf32>
        %parallel_loop3A_204 = vector.shape_cast %parallel_loop3A_199 : vector<16xf32> to vector<1x16xf32>
        tpu.vector_store %arg14[%parallel_loop3A_200, %parallel_loop3A_201], %parallel_loop3A_204 {strides = array<i32>} : memref<128x80xf32, #tpu.memory_space<vmem>>, vector<1x16xf32>,
        %parallel_loop3A_205 = arith.index_cast %parallel_loop3A_164 : i32 to index
        %parallel_loop3A_206 = arith.constant 32 : index
        %parallel_loop3A_207 = tpu.vector_load %arg10[%parallel_loop3A_205, %parallel_loop3A_206] {strides = array<i32>} : memref<128x80xf32, #tpu.memory_space<vmem>>, vector<1x16xf32>,
        %parallel_loop3A_208 = vector.shape_cast %parallel_loop3A_207 : vector<1x16xf32> to vector<16xf32>
        %parallel_loop3A_209 = arith.mulf %parallel_loop3A_208, %parallel_loop3A_184 : vector<16xf32>
        %parallel_loop3A_210 = arith.index_cast %parallel_loop3A_164 : i32 to index
        %parallel_loop3A_211 = arith.constant 32 : index
        %parallel_loop3A_212 = tpu.vector_load %arg14[%parallel_loop3A_210, %parallel_loop3A_211] {strides = array<i32>} : memref<128x80xf32, #tpu.memory_space<vmem>>, vector<1x16xf32>,
        %parallel_loop3A_213 = vector.shape_cast %parallel_loop3A_212 : vector<1x16xf32> to vector<16xf32>
        %parallel_loop3A_214 = vector.shape_cast %parallel_loop3A_209 : vector<16xf32> to vector<1x16xf32>
        tpu.vector_store %arg14[%parallel_loop3A_210, %parallel_loop3A_211], %parallel_loop3A_214 {strides = array<i32>} : memref<128x80xf32, #tpu.memory_space<vmem>>, vector<1x16xf32>,
        %parallel_loop3A_215 = arith.index_cast %parallel_loop3A_164 : i32 to index
        %parallel_loop3A_216 = arith.constant 48 : index
        %parallel_loop3A_217 = tpu.vector_load %arg10[%parallel_loop3A_215, %parallel_loop3A_216] {strides = array<i32>} : memref<128x80xf32, #tpu.memory_space<vmem>>, vector<1x16xf32>,
        %parallel_loop3A_218 = vector.shape_cast %parallel_loop3A_217 : vector<1x16xf32> to vector<16xf32>
        %parallel_loop3A_219 = arith.mulf %parallel_loop3A_218, %parallel_loop3A_184 : vector<16xf32>
        %parallel_loop3A_220 = arith.index_cast %parallel_loop3A_164 : i32 to index
        %parallel_loop3A_221 = arith.constant 48 : index
        %parallel_loop3A_222 = tpu.vector_load %arg14[%parallel_loop3A_220, %parallel_loop3A_221] {strides = array<i32>} : memref<128x80xf32, #tpu.memory_space<vmem>>, vector<1x16xf32>,
        %parallel_loop3A_223 = vector.shape_cast %parallel_loop3A_222 : vector<1x16xf32> to vector<16xf32>
        %parallel_loop3A_224 = vector.shape_cast %parallel_loop3A_219 : vector<16xf32> to vector<1x16xf32>
        tpu.vector_store %arg14[%parallel_loop3A_220, %parallel_loop3A_221], %parallel_loop3A_224 {strides = array<i32>} : memref<128x80xf32, #tpu.memory_space<vmem>>, vector<1x16xf32>,
        %parallel_loop3A_225 = arith.index_cast %parallel_loop3A_164 : i32 to index
        %parallel_loop3A_226 = arith.constant 64 : index
        %parallel_loop3A_227 = tpu.vector_load %arg14[%parallel_loop3A_225, %parallel_loop3A_226] {strides = array<i32>} : memref<128x80xf32, #tpu.memory_space<vmem>>, vector<1x16xf32>,
        %parallel_loop3A_228 = vector.shape_cast %parallel_loop3A_227 : vector<1x16xf32> to vector<16xf32>
        %parallel_loop3A_229 = vector.shape_cast %parallel_loop3A_184 : vector<16xf32> to vector<1x16xf32>
        tpu.vector_store %arg14[%parallel_loop3A_225, %parallel_loop3A_226], %parallel_loop3A_229 {strides = array<i32>} : memref<128x80xf32, #tpu.memory_space<vmem>>, vector<1x16xf32>,
      } {sc.loop_unroll_factor = 4 : i64, sc.parallel_access}
      %add3A_120 = arith.addi %sub3A_36, %add3A_96 : i32
      %dma_start3A_121 = arith.constant 0 : i32
      %dma_start3A_122 = tpu.memref_slice %arg9[%add3A_120, %dma_start3A_121] : memref<89x128xi32, #tpu.memory_space<vmem>> -> memref<1x128xi32, #tpu.memory_space<vmem>>
      %dma_start3A_123 = tpu.memref_squeeze %dma_start3A_122 : memref<1x128xi32, #tpu.memory_space<vmem>> -> memref<128xi32, #tpu.memory_space<vmem>>
      %dma_start3A_124 = arith.constant 0 : i32
      %dma_start3A_125 = arith.constant 0 : i32
      %dma_start3A_126 = tpu.memref_slice %arg16[%dma_start3A_124, %dma_start3A_125] : memref<10240x80xf32, #tpu.memory_space<vmem_shared>> -> memref<10240x80xf32, #tpu.memory_space<vmem_shared>>
      tpu.enqueue_indirect_dma source(%arg14 : memref<128x80xf32, #tpu.memory_space<vmem>>) target(%dma_start3A_126 : memref<10240x80xf32, #tpu.memory_space<vmem_shared>>) offsets(%dma_start3A_123 : memref<128xi32, #tpu.memory_space<vmem>>) semaphore(%arg21 : memref<!tpu.dma_semaphore, #tpu.memory_space<semaphore_mem>>) {add = true}
      %add3A_127 = arith.constant 1 : i32
      %add3A_128 = arith.addi %add3A_94, %add3A_127 : i32
      %add3A_129 = arith.constant 1 : i32
      %add3A_130 = arith.addi %add3A_128, %add3A_129 : i32
      %lt3A_131 = arith.cmpi slt, %add3A_130, %select_n3A_15 : i32
      %convert_element_type3A_132 = arith.extui %lt3A_131 : i1 to i32
      %cond3A_133 = arith.constant 0 : i32
      %cond3A_134 = arith.cmpi ne, %convert_element_type3A_132, %cond3A_133 : i32
      scf.if %cond3A_134 {
        %add3A_164 = arith.constant 1 : i32
        %add3A_165 = arith.addi %add3A_128, %add3A_164 : i32
        %add3A_166 = arith.addi %sub3A_36, %add3A_165 : i32
        %dma_start3A_167 = arith.constant 0 : i32
        %dma_start3A_168 = tpu.memref_slice %arg8[%add3A_166, %dma_start3A_167] : memref<89x128xi32, #tpu.memory_space<vmem>> -> memref<1x128xi32, #tpu.memory_space<vmem>>
        %dma_start3A_169 = tpu.memref_squeeze %dma_start3A_168 : memref<1x128xi32, #tpu.memory_space<vmem>> -> memref<128xi32, #tpu.memory_space<vmem>>
        %dma_start3A_170 = arith.constant 0 : i32
        %dma_start3A_171 = arith.constant 0 : i32
        %dma_start3A_172 = tpu.memref_slice %arg2[%dma_start3A_170, %dma_start3A_171] : memref<10240x80xf32, #tpu.memory_space<hbm>> -> memref<10240x80xf32, #tpu.memory_space<hbm>>
        tpu.enqueue_indirect_dma source(%dma_start3A_172 : memref<10240x80xf32, #tpu.memory_space<hbm>>) target(%arg10 : memref<128x80xf32, #tpu.memory_space<vmem>>) offsets(%dma_start3A_169 : memref<128xi32, #tpu.memory_space<vmem>>) semaphore(%arg17 : memref<!tpu.dma_semaphore, #tpu.memory_space<semaphore_mem>>)
        %add3A_173 = arith.addi %sub3A_36, %add3A_165 : i32
        %dma_start3A_174 = arith.constant 0 : i32
        %dma_start3A_175 = tpu.memref_slice %arg9[%add3A_173, %dma_start3A_174] : memref<89x128xi32, #tpu.memory_space<vmem>> -> memref<1x128xi32, #tpu.memory_space<vmem>>
        %dma_start3A_176 = tpu.memref_squeeze %dma_start3A_175 : memref<1x128xi32, #tpu.memory_space<vmem>> -> memref<128xi32, #tpu.memory_space<vmem>>
        %dma_start3A_177 = arith.constant 0 : i32
        %dma_start3A_178 = arith.constant 0 : i32
        %dma_start3A_179 = tpu.memref_slice %arg3[%dma_start3A_177, %dma_start3A_178] : memref<10240x16xf32, #tpu.memory_space<hbm>> -> memref<10240x16xf32, #tpu.memory_space<hbm>>
        tpu.enqueue_indirect_dma source(%dma_start3A_179 : memref<10240x16xf32, #tpu.memory_space<hbm>>) target(%arg12 : memref<128x16xf32, #tpu.memory_space<vmem>>) offsets(%dma_start3A_176 : memref<128xi32, #tpu.memory_space<vmem>>) semaphore(%arg19 : memref<!tpu.dma_semaphore, #tpu.memory_space<semaphore_mem>>)
      } else {
      }
      %add3A_135 = arith.addi %sub3A_36, %add3A_128 : i32
      %dma_wait3A_136 = arith.constant 0 : i32
      %dma_wait3A_137 = tpu.memref_slice %arg8[%add3A_135, %dma_wait3A_136] : memref<89x128xi32, #tpu.memory_space<vmem>> -> memref<1x128xi32, #tpu.memory_space<vmem>>
      %dma_wait3A_138 = tpu.memref_squeeze %dma_wait3A_137 : memref<1x128xi32, #tpu.memory_space<vmem>> -> memref<128xi32, #tpu.memory_space<vmem>>
      %dma_wait3A_139 = arith.constant 0 : i32
      %dma_wait3A_140 = arith.constant 0 : i32
      %dma_wait3A_141 = tpu.memref_slice %arg2[%dma_wait3A_139, %dma_wait3A_140] : memref<10240x80xf32, #tpu.memory_space<hbm>> -> memref<10240x80xf32, #tpu.memory_space<hbm>>
      tpu.wait_indirect_dma semaphore(%arg18 : memref<!tpu.dma_semaphore, #tpu.memory_space<semaphore_mem>>) src(%dma_wait3A_141 : memref<10240x80xf32, #tpu.memory_space<hbm>>) dst(%arg11 : memref<128x80xf32, #tpu.memory_space<vmem>>)
      %add3A_142 = arith.addi %sub3A_36, %add3A_128 : i32
      %dma_wait3A_143 = arith.constant 0 : i32
      %dma_wait3A_144 = tpu.memref_slice %arg9[%add3A_142, %dma_wait3A_143] : memref<89x128xi32, #tpu.memory_space<vmem>> -> memref<1x128xi32, #tpu.memory_space<vmem>>
      %dma_wait3A_145 = tpu.memref_squeeze %dma_wait3A_144 : memref<1x128xi32, #tpu.memory_space<vmem>> -> memref<128xi32, #tpu.memory_space<vmem>>
      %dma_wait3A_146 = arith.constant 0 : i32
      %dma_wait3A_147 = arith.constant 0 : i32
      %dma_wait3A_148 = tpu.memref_slice %arg3[%dma_wait3A_146, %dma_wait3A_147] : memref<10240x16xf32, #tpu.memory_space<hbm>> -> memref<10240x16xf32, #tpu.memory_space<hbm>>
      tpu.wait_indirect_dma semaphore(%arg20 : memref<!tpu.dma_semaphore, #tpu.memory_space<semaphore_mem>>) src(%dma_wait3A_148 : memref<10240x16xf32, #tpu.memory_space<hbm>>) dst(%arg13 : memref<128x16xf32, #tpu.memory_space<vmem>>)
      %ge3A_149 = arith.constant 2 : i32
      %ge3A_150 = arith.cmpi sge, %add3A_128, %ge3A_149 : i32
      %convert_element_type3A_151 = arith.extui %ge3A_150 : i1 to i32
      %cond3A_152 = arith.constant 0 : i32
      %cond3A_153 = arith.cmpi ne, %convert_element_type3A_151, %cond3A_152 : i32
      scf.if %cond3A_153 {
        %sub3A_164 = arith.constant 2 : i32
        %sub3A_165 = arith.subi %add3A_128, %sub3A_164 : i32
        %add3A_166 = arith.addi %sub3A_36, %sub3A_165 : i32
        %dma_wait3A_167 = arith.constant 0 : i32
        %dma_wait3A_168 = tpu.memref_slice %arg9[%add3A_166, %dma_wait3A_167] : memref<89x128xi32, #tpu.memory_space<vmem>> -> memref<1x128xi32, #tpu.memory_space<vmem>>
        %dma_wait3A_169 = tpu.memref_squeeze %dma_wait3A_168 : memref<1x128xi32, #tpu.memory_space<vmem>> -> memref<128xi32, #tpu.memory_space<vmem>>
        %dma_wait3A_170 = arith.constant 0 : i32
        %dma_wait3A_171 = arith.constant 0 : i32
        %dma_wait3A_172 = tpu.memref_slice %arg16[%dma_wait3A_170, %dma_wait3A_171] : memref<10240x80xf32, #tpu.memory_space<vmem_shared>> -> memref<10240x80xf32, #tpu.memory_space<vmem_shared>>
        tpu.wait_indirect_dma semaphore(%arg22 : memref<!tpu.dma_semaphore, #tpu.memory_space<semaphore_mem>>) src(%arg15 : memref<128x80xf32, #tpu.memory_space<vmem>>) dst(%dma_wait3A_172 : memref<10240x80xf32, #tpu.memory_space<vmem_shared>>)
      } else {
      }
      %parallel_loop3A_154 = arith.constant 0 : i32
      %parallel_loop3A_155 = arith.constant 128 : i32
      %parallel_loop3A_156 = arith.constant 1 : i32
      scf.for %parallel_loop3A_164 = %parallel_loop3A_154 to %parallel_loop3A_155 step %parallel_loop3A_156  : i32 {
        %parallel_loop3A_165 = arith.index_cast %parallel_loop3A_164 : i32 to index
        %parallel_loop3A_166 = arith.constant 64 : index
        %parallel_loop3A_167 = tpu.vector_load %arg11[%parallel_loop3A_165, %parallel_loop3A_166] {strides = array<i32>} : memref<128x80xf32, #tpu.memory_space<vmem>>, vector<1x16xf32>,
        %parallel_loop3A_168 = vector.shape_cast %parallel_loop3A_167 : vector<1x16xf32> to vector<16xf32>
        %parallel_loop3A_169 = arith.index_cast %parallel_loop3A_164 : i32 to index
        %parallel_loop3A_170 = arith.constant 0 : index
        %parallel_loop3A_171 = tpu.vector_load %arg13[%parallel_loop3A_169, %parallel_loop3A_170] {strides = array<i32>} : memref<128x16xf32, #tpu.memory_space<vmem>>, vector<1x16xf32>,
        %parallel_loop3A_172 = vector.shape_cast %parallel_loop3A_171 : vector<1x16xf32> to vector<16xf32>
        %parallel_loop3A_173 = arith.addf %parallel_loop3A_168, %parallel_loop3A_172 : vector<16xf32>
        %parallel_loop3A_174 = arith.constant 0.000000e+00 : f32
        %parallel_loop3A_175 = vector.broadcast %parallel_loop3A_174 : f32 to vector<16xf32>
        %parallel_loop3A_176 = arith.maximumf %parallel_loop3A_173, %parallel_loop3A_175 : vector<16xf32>
        %parallel_loop3A_177 = arith.constant 0.000000e+00 : f32
        %parallel_loop3A_178 = vector.broadcast %parallel_loop3A_177 : f32 to vector<16xf32>
        %parallel_loop3A_179 = arith.minimumf %parallel_loop3A_173, %parallel_loop3A_178 : vector<16xf32>
        %parallel_loop3A_180 = arith.constant 2.000000e-01 : f32
        %parallel_loop3A_181 = vector.broadcast %parallel_loop3A_180 : f32 to vector<16xf32>
        %parallel_loop3A_182 = arith.mulf %parallel_loop3A_181, %parallel_loop3A_179 : vector<16xf32>
        %parallel_loop3A_183 = arith.addf %parallel_loop3A_176, %parallel_loop3A_182 : vector<16xf32>
        %parallel_loop3A_184 = math.exp %parallel_loop3A_183 : vector<16xf32>
        %parallel_loop3A_185 = arith.index_cast %parallel_loop3A_164 : i32 to index
        %parallel_loop3A_186 = arith.constant 0 : index
        %parallel_loop3A_187 = tpu.vector_load %arg11[%parallel_loop3A_185, %parallel_loop3A_186] {strides = array<i32>} : memref<128x80xf32, #tpu.memory_space<vmem>>, vector<1x16xf32>,
        %parallel_loop3A_188 = vector.shape_cast %parallel_loop3A_187 : vector<1x16xf32> to vector<16xf32>
        %parallel_loop3A_189 = arith.mulf %parallel_loop3A_188, %parallel_loop3A_184 : vector<16xf32>
        %parallel_loop3A_190 = arith.index_cast %parallel_loop3A_164 : i32 to index
        %parallel_loop3A_191 = arith.constant 0 : index
        %parallel_loop3A_192 = tpu.vector_load %arg15[%parallel_loop3A_190, %parallel_loop3A_191] {strides = array<i32>} : memref<128x80xf32, #tpu.memory_space<vmem>>, vector<1x16xf32>,
        %parallel_loop3A_193 = vector.shape_cast %parallel_loop3A_192 : vector<1x16xf32> to vector<16xf32>
        %parallel_loop3A_194 = vector.shape_cast %parallel_loop3A_189 : vector<16xf32> to vector<1x16xf32>
        tpu.vector_store %arg15[%parallel_loop3A_190, %parallel_loop3A_191], %parallel_loop3A_194 {strides = array<i32>} : memref<128x80xf32, #tpu.memory_space<vmem>>, vector<1x16xf32>,
        %parallel_loop3A_195 = arith.index_cast %parallel_loop3A_164 : i32 to index
        %parallel_loop3A_196 = arith.constant 16 : index
        %parallel_loop3A_197 = tpu.vector_load %arg11[%parallel_loop3A_195, %parallel_loop3A_196] {strides = array<i32>} : memref<128x80xf32, #tpu.memory_space<vmem>>, vector<1x16xf32>,
        %parallel_loop3A_198 = vector.shape_cast %parallel_loop3A_197 : vector<1x16xf32> to vector<16xf32>
        %parallel_loop3A_199 = arith.mulf %parallel_loop3A_198, %parallel_loop3A_184 : vector<16xf32>
        %parallel_loop3A_200 = arith.index_cast %parallel_loop3A_164 : i32 to index
        %parallel_loop3A_201 = arith.constant 16 : index
        %parallel_loop3A_202 = tpu.vector_load %arg15[%parallel_loop3A_200, %parallel_loop3A_201] {strides = array<i32>} : memref<128x80xf32, #tpu.memory_space<vmem>>, vector<1x16xf32>,
        %parallel_loop3A_203 = vector.shape_cast %parallel_loop3A_202 : vector<1x16xf32> to vector<16xf32>
        %parallel_loop3A_204 = vector.shape_cast %parallel_loop3A_199 : vector<16xf32> to vector<1x16xf32>
        tpu.vector_store %arg15[%parallel_loop3A_200, %parallel_loop3A_201], %parallel_loop3A_204 {strides = array<i32>} : memref<128x80xf32, #tpu.memory_space<vmem>>, vector<1x16xf32>,
        %parallel_loop3A_205 = arith.index_cast %parallel_loop3A_164 : i32 to index
        %parallel_loop3A_206 = arith.constant 32 : index
        %parallel_loop3A_207 = tpu.vector_load %arg11[%parallel_loop3A_205, %parallel_loop3A_206] {strides = array<i32>} : memref<128x80xf32, #tpu.memory_space<vmem>>, vector<1x16xf32>,
        %parallel_loop3A_208 = vector.shape_cast %parallel_loop3A_207 : vector<1x16xf32> to vector<16xf32>
        %parallel_loop3A_209 = arith.mulf %parallel_loop3A_208, %parallel_loop3A_184 : vector<16xf32>
        %parallel_loop3A_210 = arith.index_cast %parallel_loop3A_164 : i32 to index
        %parallel_loop3A_211 = arith.constant 32 : index
        %parallel_loop3A_212 = tpu.vector_load %arg15[%parallel_loop3A_210, %parallel_loop3A_211] {strides = array<i32>} : memref<128x80xf32, #tpu.memory_space<vmem>>, vector<1x16xf32>,
        %parallel_loop3A_213 = vector.shape_cast %parallel_loop3A_212 : vector<1x16xf32> to vector<16xf32>
        %parallel_loop3A_214 = vector.shape_cast %parallel_loop3A_209 : vector<16xf32> to vector<1x16xf32>
        tpu.vector_store %arg15[%parallel_loop3A_210, %parallel_loop3A_211], %parallel_loop3A_214 {strides = array<i32>} : memref<128x80xf32, #tpu.memory_space<vmem>>, vector<1x16xf32>,
        %parallel_loop3A_215 = arith.index_cast %parallel_loop3A_164 : i32 to index
        %parallel_loop3A_216 = arith.constant 48 : index
        %parallel_loop3A_217 = tpu.vector_load %arg11[%parallel_loop3A_215, %parallel_loop3A_216] {strides = array<i32>} : memref<128x80xf32, #tpu.memory_space<vmem>>, vector<1x16xf32>,
        %parallel_loop3A_218 = vector.shape_cast %parallel_loop3A_217 : vector<1x16xf32> to vector<16xf32>
        %parallel_loop3A_219 = arith.mulf %parallel_loop3A_218, %parallel_loop3A_184 : vector<16xf32>
        %parallel_loop3A_220 = arith.index_cast %parallel_loop3A_164 : i32 to index
        %parallel_loop3A_221 = arith.constant 48 : index
        %parallel_loop3A_222 = tpu.vector_load %arg15[%parallel_loop3A_220, %parallel_loop3A_221] {strides = array<i32>} : memref<128x80xf32, #tpu.memory_space<vmem>>, vector<1x16xf32>,
        %parallel_loop3A_223 = vector.shape_cast %parallel_loop3A_222 : vector<1x16xf32> to vector<16xf32>
        %parallel_loop3A_224 = vector.shape_cast %parallel_loop3A_219 : vector<16xf32> to vector<1x16xf32>
        tpu.vector_store %arg15[%parallel_loop3A_220, %parallel_loop3A_221], %parallel_loop3A_224 {strides = array<i32>} : memref<128x80xf32, #tpu.memory_space<vmem>>, vector<1x16xf32>,
        %parallel_loop3A_225 = arith.index_cast %parallel_loop3A_164 : i32 to index
        %parallel_loop3A_226 = arith.constant 64 : index
        %parallel_loop3A_227 = tpu.vector_load %arg15[%parallel_loop3A_225, %parallel_loop3A_226] {strides = array<i32>} : memref<128x80xf32, #tpu.memory_space<vmem>>, vector<1x16xf32>,
        %parallel_loop3A_228 = vector.shape_cast %parallel_loop3A_227 : vector<1x16xf32> to vector<16xf32>
        %parallel_loop3A_229 = vector.shape_cast %parallel_loop3A_184 : vector<16xf32> to vector<1x16xf32>
        tpu.vector_store %arg15[%parallel_loop3A_225, %parallel_loop3A_226], %parallel_loop3A_229 {strides = array<i32>} : memref<128x80xf32, #tpu.memory_space<vmem>>, vector<1x16xf32>,
      } {sc.loop_unroll_factor = 4 : i64, sc.parallel_access}
      %add3A_157 = arith.addi %sub3A_36, %add3A_128 : i32
      %dma_start3A_158 = arith.constant 0 : i32
      %dma_start3A_159 = tpu.memref_slice %arg9[%add3A_157, %dma_start3A_158] : memref<89x128xi32, #tpu.memory_space<vmem>> -> memref<1x128xi32, #tpu.memory_space<vmem>>
      %dma_start3A_160 = tpu.memref_squeeze %dma_start3A_159 : memref<1x128xi32, #tpu.memory_space<vmem>> -> memref<128xi32, #tpu.memory_space<vmem>>
      %dma_start3A_161 = arith.constant 0 : i32
      %dma_start3A_162 = arith.constant 0 : i32
      %dma_start3A_163 = tpu.memref_slice %arg16[%dma_start3A_161, %dma_start3A_162] : memref<10240x80xf32, #tpu.memory_space<vmem_shared>> -> memref<10240x80xf32, #tpu.memory_space<vmem_shared>>
      tpu.enqueue_indirect_dma source(%arg15 : memref<128x80xf32, #tpu.memory_space<vmem>>) target(%dma_start3A_163 : memref<10240x80xf32, #tpu.memory_space<vmem_shared>>) offsets(%dma_start3A_160 : memref<128xi32, #tpu.memory_space<vmem>>) semaphore(%arg22 : memref<!tpu.dma_semaphore, #tpu.memory_space<semaphore_mem>>) {add = true}
    }
    %while3A_69 = arith.constant 1 : i32
    scf.for %while3A_92 = %while3A_67 to %while3A_63 step %while3A_69  : i32 {
      %mul3A_93 = arith.muli %while3A_92, %while3A : i32
      %add3A_94 = arith.addi %while3A_60, %mul3A_93 : i32
      %add3A_95 = arith.constant 0 : i32
      %add3A_96 = arith.addi %add3A_94, %add3A_95 : i32
      %add3A_97 = arith.constant 1 : i32
      %add3A_98 = arith.addi %add3A_96, %add3A_97 : i32
      %lt3A = arith.cmpi slt, %add3A_98, %select_n3A_15 : i32
      %convert_element_type3A = arith.extui %lt3A : i1 to i32
      %cond3A = arith.constant 0 : i32
      %cond3A_99 = arith.cmpi ne, %convert_element_type3A, %cond3A : i32
      scf.if %cond3A_99 {
        %add3A_164 = arith.constant 1 : i32
        %add3A_165 = arith.addi %add3A_96, %add3A_164 : i32
        %add3A_166 = arith.addi %sub3A_36, %add3A_165 : i32
        %dma_start3A_167 = arith.constant 0 : i32
        %dma_start3A_168 = tpu.memref_slice %arg8[%add3A_166, %dma_start3A_167] : memref<89x128xi32, #tpu.memory_space<vmem>> -> memref<1x128xi32, #tpu.memory_space<vmem>>
        %dma_start3A_169 = tpu.memref_squeeze %dma_start3A_168 : memref<1x128xi32, #tpu.memory_space<vmem>> -> memref<128xi32, #tpu.memory_space<vmem>>
        %dma_start3A_170 = arith.constant 0 : i32
        %dma_start3A_171 = arith.constant 0 : i32
        %dma_start3A_172 = tpu.memref_slice %arg2[%dma_start3A_170, %dma_start3A_171] : memref<10240x80xf32, #tpu.memory_space<hbm>> -> memref<10240x80xf32, #tpu.memory_space<hbm>>
        tpu.enqueue_indirect_dma source(%dma_start3A_172 : memref<10240x80xf32, #tpu.memory_space<hbm>>) target(%arg11 : memref<128x80xf32, #tpu.memory_space<vmem>>) offsets(%dma_start3A_169 : memref<128xi32, #tpu.memory_space<vmem>>) semaphore(%arg18 : memref<!tpu.dma_semaphore, #tpu.memory_space<semaphore_mem>>)
        %add3A_173 = arith.addi %sub3A_36, %add3A_165 : i32
        %dma_start3A_174 = arith.constant 0 : i32
        %dma_start3A_175 = tpu.memref_slice %arg9[%add3A_173, %dma_start3A_174] : memref<89x128xi32, #tpu.memory_space<vmem>> -> memref<1x128xi32, #tpu.memory_space<vmem>>
        %dma_start3A_176 = tpu.memref_squeeze %dma_start3A_175 : memref<1x128xi32, #tpu.memory_space<vmem>> -> memref<128xi32, #tpu.memory_space<vmem>>
        %dma_start3A_177 = arith.constant 0 : i32
        %dma_start3A_178 = arith.constant 0 : i32
        %dma_start3A_179 = tpu.memref_slice %arg3[%dma_start3A_177, %dma_start3A_178] : memref<10240x16xf32, #tpu.memory_space<hbm>> -> memref<10240x16xf32, #tpu.memory_space<hbm>>
        tpu.enqueue_indirect_dma source(%dma_start3A_179 : memref<10240x16xf32, #tpu.memory_space<hbm>>) target(%arg13 : memref<128x16xf32, #tpu.memory_space<vmem>>) offsets(%dma_start3A_176 : memref<128xi32, #tpu.memory_space<vmem>>) semaphore(%arg20 : memref<!tpu.dma_semaphore, #tpu.memory_space<semaphore_mem>>)
      } else {
      }
      %add3A_100 = arith.addi %sub3A_36, %add3A_96 : i32
      %dma_wait3A_101 = arith.constant 0 : i32
      %dma_wait3A_102 = tpu.memref_slice %arg8[%add3A_100, %dma_wait3A_101] : memref<89x128xi32, #tpu.memory_space<vmem>> -> memref<1x128xi32, #tpu.memory_space<vmem>>
      %dma_wait3A_103 = tpu.memref_squeeze %dma_wait3A_102 : memref<1x128xi32, #tpu.memory_space<vmem>> -> memref<128xi32, #tpu.memory_space<vmem>>
      %dma_wait3A_104 = arith.constant 0 : i32
      %dma_wait3A_105 = arith.constant 0 : i32
      %dma_wait3A_106 = tpu.memref_slice %arg2[%dma_wait3A_104, %dma_wait3A_105] : memref<10240x80xf32, #tpu.memory_space<hbm>> -> memref<10240x80xf32, #tpu.memory_space<hbm>>
      tpu.wait_indirect_dma semaphore(%arg17 : memref<!tpu.dma_semaphore, #tpu.memory_space<semaphore_mem>>) src(%dma_wait3A_106 : memref<10240x80xf32, #tpu.memory_space<hbm>>) dst(%arg10 : memref<128x80xf32, #tpu.memory_space<vmem>>)
      %add3A_107 = arith.addi %sub3A_36, %add3A_96 : i32
      %dma_wait3A_108 = arith.constant 0 : i32
      %dma_wait3A_109 = tpu.memref_slice %arg9[%add3A_107, %dma_wait3A_108] : memref<89x128xi32, #tpu.memory_space<vmem>> -> memref<1x128xi32, #tpu.memory_space<vmem>>
      %dma_wait3A_110 = tpu.memref_squeeze %dma_wait3A_109 : memref<1x128xi32, #tpu.memory_space<vmem>> -> memref<128xi32, #tpu.memory_space<vmem>>
      %dma_wait3A_111 = arith.constant 0 : i32
      %dma_wait3A_112 = arith.constant 0 : i32
      %dma_wait3A_113 = tpu.memref_slice %arg3[%dma_wait3A_111, %dma_wait3A_112] : memref<10240x16xf32, #tpu.memory_space<hbm>> -> memref<10240x16xf32, #tpu.memory_space<hbm>>
      tpu.wait_indirect_dma semaphore(%arg19 : memref<!tpu.dma_semaphore, #tpu.memory_space<semaphore_mem>>) src(%dma_wait3A_113 : memref<10240x16xf32, #tpu.memory_space<hbm>>) dst(%arg12 : memref<128x16xf32, #tpu.memory_space<vmem>>)
      %ge3A = arith.constant 2 : i32
      %ge3A_114 = arith.cmpi sge, %add3A_96, %ge3A : i32
      %convert_element_type3A_115 = arith.extui %ge3A_114 : i1 to i32
      %cond3A_116 = arith.constant 0 : i32
      %cond3A_117 = arith.cmpi ne, %convert_element_type3A_115, %cond3A_116 : i32
      scf.if %cond3A_117 {
        %sub3A_164 = arith.constant 2 : i32
        %sub3A_165 = arith.subi %add3A_96, %sub3A_164 : i32
        %add3A_166 = arith.addi %sub3A_36, %sub3A_165 : i32
        %dma_wait3A_167 = arith.constant 0 : i32
        %dma_wait3A_168 = tpu.memref_slice %arg9[%add3A_166, %dma_wait3A_167] : memref<89x128xi32, #tpu.memory_space<vmem>> -> memref<1x128xi32, #tpu.memory_space<vmem>>
        %dma_wait3A_169 = tpu.memref_squeeze %dma_wait3A_168 : memref<1x128xi32, #tpu.memory_space<vmem>> -> memref<128xi32, #tpu.memory_space<vmem>>
        %dma_wait3A_170 = arith.constant 0 : i32
        %dma_wait3A_171 = arith.constant 0 : i32
        %dma_wait3A_172 = tpu.memref_slice %arg16[%dma_wait3A_170, %dma_wait3A_171] : memref<10240x80xf32, #tpu.memory_space<vmem_shared>> -> memref<10240x80xf32, #tpu.memory_space<vmem_shared>>
        tpu.wait_indirect_dma semaphore(%arg21 : memref<!tpu.dma_semaphore, #tpu.memory_space<semaphore_mem>>) src(%arg14 : memref<128x80xf32, #tpu.memory_space<vmem>>) dst(%dma_wait3A_172 : memref<10240x80xf32, #tpu.memory_space<vmem_shared>>)
      } else {
      }
      %parallel_loop3A = arith.constant 0 : i32
      %parallel_loop3A_118 = arith.constant 128 : i32
      %parallel_loop3A_119 = arith.constant 1 : i32
      scf.for %parallel_loop3A_164 = %parallel_loop3A to %parallel_loop3A_118 step %parallel_loop3A_119  : i32 {
        %parallel_loop3A_165 = arith.index_cast %parallel_loop3A_164 : i32 to index
        %parallel_loop3A_166 = arith.constant 64 : index
        %parallel_loop3A_167 = tpu.vector_load %arg10[%parallel_loop3A_165, %parallel_loop3A_166] {strides = array<i32>} : memref<128x80xf32, #tpu.memory_space<vmem>>, vector<1x16xf32>,
        %parallel_loop3A_168 = vector.shape_cast %parallel_loop3A_167 : vector<1x16xf32> to vector<16xf32>
        %parallel_loop3A_169 = arith.index_cast %parallel_loop3A_164 : i32 to index
        %parallel_loop3A_170 = arith.constant 0 : index
        %parallel_loop3A_171 = tpu.vector_load %arg12[%parallel_loop3A_169, %parallel_loop3A_170] {strides = array<i32>} : memref<128x16xf32, #tpu.memory_space<vmem>>, vector<1x16xf32>,
        %parallel_loop3A_172 = vector.shape_cast %parallel_loop3A_171 : vector<1x16xf32> to vector<16xf32>
        %parallel_loop3A_173 = arith.addf %parallel_loop3A_168, %parallel_loop3A_172 : vector<16xf32>
        %parallel_loop3A_174 = arith.constant 0.000000e+00 : f32
        %parallel_loop3A_175 = vector.broadcast %parallel_loop3A_174 : f32 to vector<16xf32>
        %parallel_loop3A_176 = arith.maximumf %parallel_loop3A_173, %parallel_loop3A_175 : vector<16xf32>
        %parallel_loop3A_177 = arith.constant 0.000000e+00 : f32
        %parallel_loop3A_178 = vector.broadcast %parallel_loop3A_177 : f32 to vector<16xf32>
        %parallel_loop3A_179 = arith.minimumf %parallel_loop3A_173, %parallel_loop3A_178 : vector<16xf32>
        %parallel_loop3A_180 = arith.constant 2.000000e-01 : f32
        %parallel_loop3A_181 = vector.broadcast %parallel_loop3A_180 : f32 to vector<16xf32>
        %parallel_loop3A_182 = arith.mulf %parallel_loop3A_181, %parallel_loop3A_179 : vector<16xf32>
        %parallel_loop3A_183 = arith.addf %parallel_loop3A_176, %parallel_loop3A_182 : vector<16xf32>
        %parallel_loop3A_184 = math.exp %parallel_loop3A_183 : vector<16xf32>
        %parallel_loop3A_185 = arith.index_cast %parallel_loop3A_164 : i32 to index
        %parallel_loop3A_186 = arith.constant 0 : index
        %parallel_loop3A_187 = tpu.vector_load %arg10[%parallel_loop3A_185, %parallel_loop3A_186] {strides = array<i32>} : memref<128x80xf32, #tpu.memory_space<vmem>>, vector<1x16xf32>,
        %parallel_loop3A_188 = vector.shape_cast %parallel_loop3A_187 : vector<1x16xf32> to vector<16xf32>
        %parallel_loop3A_189 = arith.mulf %parallel_loop3A_188, %parallel_loop3A_184 : vector<16xf32>
        %parallel_loop3A_190 = arith.index_cast %parallel_loop3A_164 : i32 to index
        %parallel_loop3A_191 = arith.constant 0 : index
        %parallel_loop3A_192 = tpu.vector_load %arg14[%parallel_loop3A_190, %parallel_loop3A_191] {strides = array<i32>} : memref<128x80xf32, #tpu.memory_space<vmem>>, vector<1x16xf32>,
        %parallel_loop3A_193 = vector.shape_cast %parallel_loop3A_192 : vector<1x16xf32> to vector<16xf32>
        %parallel_loop3A_194 = vector.shape_cast %parallel_loop3A_189 : vector<16xf32> to vector<1x16xf32>
        tpu.vector_store %arg14[%parallel_loop3A_190, %parallel_loop3A_191], %parallel_loop3A_194 {strides = array<i32>} : memref<128x80xf32, #tpu.memory_space<vmem>>, vector<1x16xf32>,
        %parallel_loop3A_195 = arith.index_cast %parallel_loop3A_164 : i32 to index
        %parallel_loop3A_196 = arith.constant 16 : index
        %parallel_loop3A_197 = tpu.vector_load %arg10[%parallel_loop3A_195, %parallel_loop3A_196] {strides = array<i32>} : memref<128x80xf32, #tpu.memory_space<vmem>>, vector<1x16xf32>,
        %parallel_loop3A_198 = vector.shape_cast %parallel_loop3A_197 : vector<1x16xf32> to vector<16xf32>
        %parallel_loop3A_199 = arith.mulf %parallel_loop3A_198, %parallel_loop3A_184 : vector<16xf32>
        %parallel_loop3A_200 = arith.index_cast %parallel_loop3A_164 : i32 to index
        %parallel_loop3A_201 = arith.constant 16 : index
        %parallel_loop3A_202 = tpu.vector_load %arg14[%parallel_loop3A_200, %parallel_loop3A_201] {strides = array<i32>} : memref<128x80xf32, #tpu.memory_space<vmem>>, vector<1x16xf32>,
        %parallel_loop3A_203 = vector.shape_cast %parallel_loop3A_202 : vector<1x16xf32> to vector<16xf32>
        %parallel_loop3A_204 = vector.shape_cast %parallel_loop3A_199 : vector<16xf32> to vector<1x16xf32>
        tpu.vector_store %arg14[%parallel_loop3A_200, %parallel_loop3A_201], %parallel_loop3A_204 {strides = array<i32>} : memref<128x80xf32, #tpu.memory_space<vmem>>, vector<1x16xf32>,
        %parallel_loop3A_205 = arith.index_cast %parallel_loop3A_164 : i32 to index
        %parallel_loop3A_206 = arith.constant 32 : index
        %parallel_loop3A_207 = tpu.vector_load %arg10[%parallel_loop3A_205, %parallel_loop3A_206] {strides = array<i32>} : memref<128x80xf32, #tpu.memory_space<vmem>>, vector<1x16xf32>,
        %parallel_loop3A_208 = vector.shape_cast %parallel_loop3A_207 : vector<1x16xf32> to vector<16xf32>
        %parallel_loop3A_209 = arith.mulf %parallel_loop3A_208, %parallel_loop3A_184 : vector<16xf32>
        %parallel_loop3A_210 = arith.index_cast %parallel_loop3A_164 : i32 to index
        %parallel_loop3A_211 = arith.constant 32 : index
        %parallel_loop3A_212 = tpu.vector_load %arg14[%parallel_loop3A_210, %parallel_loop3A_211] {strides = array<i32>} : memref<128x80xf32, #tpu.memory_space<vmem>>, vector<1x16xf32>,
        %parallel_loop3A_213 = vector.shape_cast %parallel_loop3A_212 : vector<1x16xf32> to vector<16xf32>
        %parallel_loop3A_214 = vector.shape_cast %parallel_loop3A_209 : vector<16xf32> to vector<1x16xf32>
        tpu.vector_store %arg14[%parallel_loop3A_210, %parallel_loop3A_211], %parallel_loop3A_214 {strides = array<i32>} : memref<128x80xf32, #tpu.memory_space<vmem>>, vector<1x16xf32>,
        %parallel_loop3A_215 = arith.index_cast %parallel_loop3A_164 : i32 to index
        %parallel_loop3A_216 = arith.constant 48 : index
        %parallel_loop3A_217 = tpu.vector_load %arg10[%parallel_loop3A_215, %parallel_loop3A_216] {strides = array<i32>} : memref<128x80xf32, #tpu.memory_space<vmem>>, vector<1x16xf32>,
        %parallel_loop3A_218 = vector.shape_cast %parallel_loop3A_217 : vector<1x16xf32> to vector<16xf32>
        %parallel_loop3A_219 = arith.mulf %parallel_loop3A_218, %parallel_loop3A_184 : vector<16xf32>
        %parallel_loop3A_220 = arith.index_cast %parallel_loop3A_164 : i32 to index
        %parallel_loop3A_221 = arith.constant 48 : index
        %parallel_loop3A_222 = tpu.vector_load %arg14[%parallel_loop3A_220, %parallel_loop3A_221] {strides = array<i32>} : memref<128x80xf32, #tpu.memory_space<vmem>>, vector<1x16xf32>,
        %parallel_loop3A_223 = vector.shape_cast %parallel_loop3A_222 : vector<1x16xf32> to vector<16xf32>
        %parallel_loop3A_224 = vector.shape_cast %parallel_loop3A_219 : vector<16xf32> to vector<1x16xf32>
        tpu.vector_store %arg14[%parallel_loop3A_220, %parallel_loop3A_221], %parallel_loop3A_224 {strides = array<i32>} : memref<128x80xf32, #tpu.memory_space<vmem>>, vector<1x16xf32>,
        %parallel_loop3A_225 = arith.index_cast %parallel_loop3A_164 : i32 to index
        %parallel_loop3A_226 = arith.constant 64 : index
        %parallel_loop3A_227 = tpu.vector_load %arg14[%parallel_loop3A_225, %parallel_loop3A_226] {strides = array<i32>} : memref<128x80xf32, #tpu.memory_space<vmem>>, vector<1x16xf32>,
        %parallel_loop3A_228 = vector.shape_cast %parallel_loop3A_227 : vector<1x16xf32> to vector<16xf32>
        %parallel_loop3A_229 = vector.shape_cast %parallel_loop3A_184 : vector<16xf32> to vector<1x16xf32>
        tpu.vector_store %arg14[%parallel_loop3A_225, %parallel_loop3A_226], %parallel_loop3A_229 {strides = array<i32>} : memref<128x80xf32, #tpu.memory_space<vmem>>, vector<1x16xf32>,
      } {sc.loop_unroll_factor = 4 : i64, sc.parallel_access}
      %add3A_120 = arith.addi %sub3A_36, %add3A_96 : i32
      %dma_start3A_121 = arith.constant 0 : i32
      %dma_start3A_122 = tpu.memref_slice %arg9[%add3A_120, %dma_start3A_121] : memref<89x128xi32, #tpu.memory_space<vmem>> -> memref<1x128xi32, #tpu.memory_space<vmem>>
      %dma_start3A_123 = tpu.memref_squeeze %dma_start3A_122 : memref<1x128xi32, #tpu.memory_space<vmem>> -> memref<128xi32, #tpu.memory_space<vmem>>
      %dma_start3A_124 = arith.constant 0 : i32
      %dma_start3A_125 = arith.constant 0 : i32
      %dma_start3A_126 = tpu.memref_slice %arg16[%dma_start3A_124, %dma_start3A_125] : memref<10240x80xf32, #tpu.memory_space<vmem_shared>> -> memref<10240x80xf32, #tpu.memory_space<vmem_shared>>
      tpu.enqueue_indirect_dma source(%arg14 : memref<128x80xf32, #tpu.memory_space<vmem>>) target(%dma_start3A_126 : memref<10240x80xf32, #tpu.memory_space<vmem_shared>>) offsets(%dma_start3A_123 : memref<128xi32, #tpu.memory_space<vmem>>) semaphore(%arg21 : memref<!tpu.dma_semaphore, #tpu.memory_space<semaphore_mem>>) {add = true}
      %add3A_127 = arith.constant 1 : i32
      %add3A_128 = arith.addi %add3A_94, %add3A_127 : i32
      %add3A_129 = arith.constant 1 : i32
      %add3A_130 = arith.addi %add3A_128, %add3A_129 : i32
      %lt3A_131 = arith.cmpi slt, %add3A_130, %select_n3A_15 : i32
      %convert_element_type3A_132 = arith.extui %lt3A_131 : i1 to i32
      %cond3A_133 = arith.constant 0 : i32
      %cond3A_134 = arith.cmpi ne, %convert_element_type3A_132, %cond3A_133 : i32
      scf.if %cond3A_134 {
        %add3A_164 = arith.constant 1 : i32
        %add3A_165 = arith.addi %add3A_128, %add3A_164 : i32
        %add3A_166 = arith.addi %sub3A_36, %add3A_165 : i32
        %dma_start3A_167 = arith.constant 0 : i32
        %dma_start3A_168 = tpu.memref_slice %arg8[%add3A_166, %dma_start3A_167] : memref<89x128xi32, #tpu.memory_space<vmem>> -> memref<1x128xi32, #tpu.memory_space<vmem>>
        %dma_start3A_169 = tpu.memref_squeeze %dma_start3A_168 : memref<1x128xi32, #tpu.memory_space<vmem>> -> memref<128xi32, #tpu.memory_space<vmem>>
        %dma_start3A_170 = arith.constant 0 : i32
        %dma_start3A_171 = arith.constant 0 : i32
        %dma_start3A_172 = tpu.memref_slice %arg2[%dma_start3A_170, %dma_start3A_171] : memref<10240x80xf32, #tpu.memory_space<hbm>> -> memref<10240x80xf32, #tpu.memory_space<hbm>>
        tpu.enqueue_indirect_dma source(%dma_start3A_172 : memref<10240x80xf32, #tpu.memory_space<hbm>>) target(%arg10 : memref<128x80xf32, #tpu.memory_space<vmem>>) offsets(%dma_start3A_169 : memref<128xi32, #tpu.memory_space<vmem>>) semaphore(%arg17 : memref<!tpu.dma_semaphore, #tpu.memory_space<semaphore_mem>>)
        %add3A_173 = arith.addi %sub3A_36, %add3A_165 : i32
        %dma_start3A_174 = arith.constant 0 : i32
        %dma_start3A_175 = tpu.memref_slice %arg9[%add3A_173, %dma_start3A_174] : memref<89x128xi32, #tpu.memory_space<vmem>> -> memref<1x128xi32, #tpu.memory_space<vmem>>
        %dma_start3A_176 = tpu.memref_squeeze %dma_start3A_175 : memref<1x128xi32, #tpu.memory_space<vmem>> -> memref<128xi32, #tpu.memory_space<vmem>>
        %dma_start3A_177 = arith.constant 0 : i32
        %dma_start3A_178 = arith.constant 0 : i32
        %dma_start3A_179 = tpu.memref_slice %arg3[%dma_start3A_177, %dma_start3A_178] : memref<10240x16xf32, #tpu.memory_space<hbm>> -> memref<10240x16xf32, #tpu.memory_space<hbm>>
        tpu.enqueue_indirect_dma source(%dma_start3A_179 : memref<10240x16xf32, #tpu.memory_space<hbm>>) target(%arg12 : memref<128x16xf32, #tpu.memory_space<vmem>>) offsets(%dma_start3A_176 : memref<128xi32, #tpu.memory_space<vmem>>) semaphore(%arg19 : memref<!tpu.dma_semaphore, #tpu.memory_space<semaphore_mem>>)
      } else {
      }
      %add3A_135 = arith.addi %sub3A_36, %add3A_128 : i32
      %dma_wait3A_136 = arith.constant 0 : i32
      %dma_wait3A_137 = tpu.memref_slice %arg8[%add3A_135, %dma_wait3A_136] : memref<89x128xi32, #tpu.memory_space<vmem>> -> memref<1x128xi32, #tpu.memory_space<vmem>>
      %dma_wait3A_138 = tpu.memref_squeeze %dma_wait3A_137 : memref<1x128xi32, #tpu.memory_space<vmem>> -> memref<128xi32, #tpu.memory_space<vmem>>
      %dma_wait3A_139 = arith.constant 0 : i32
      %dma_wait3A_140 = arith.constant 0 : i32
      %dma_wait3A_141 = tpu.memref_slice %arg2[%dma_wait3A_139, %dma_wait3A_140] : memref<10240x80xf32, #tpu.memory_space<hbm>> -> memref<10240x80xf32, #tpu.memory_space<hbm>>
      tpu.wait_indirect_dma semaphore(%arg18 : memref<!tpu.dma_semaphore, #tpu.memory_space<semaphore_mem>>) src(%dma_wait3A_141 : memref<10240x80xf32, #tpu.memory_space<hbm>>) dst(%arg11 : memref<128x80xf32, #tpu.memory_space<vmem>>)
      %add3A_142 = arith.addi %sub3A_36, %add3A_128 : i32
      %dma_wait3A_143 = arith.constant 0 : i32
      %dma_wait3A_144 = tpu.memref_slice %arg9[%add3A_142, %dma_wait3A_143] : memref<89x128xi32, #tpu.memory_space<vmem>> -> memref<1x128xi32, #tpu.memory_space<vmem>>
      %dma_wait3A_145 = tpu.memref_squeeze %dma_wait3A_144 : memref<1x128xi32, #tpu.memory_space<vmem>> -> memref<128xi32, #tpu.memory_space<vmem>>
      %dma_wait3A_146 = arith.constant 0 : i32
      %dma_wait3A_147 = arith.constant 0 : i32
      %dma_wait3A_148 = tpu.memref_slice %arg3[%dma_wait3A_146, %dma_wait3A_147] : memref<10240x16xf32, #tpu.memory_space<hbm>> -> memref<10240x16xf32, #tpu.memory_space<hbm>>
      tpu.wait_indirect_dma semaphore(%arg20 : memref<!tpu.dma_semaphore, #tpu.memory_space<semaphore_mem>>) src(%dma_wait3A_148 : memref<10240x16xf32, #tpu.memory_space<hbm>>) dst(%arg13 : memref<128x16xf32, #tpu.memory_space<vmem>>)
      %ge3A_149 = arith.constant 2 : i32
      %ge3A_150 = arith.cmpi sge, %add3A_128, %ge3A_149 : i32
      %convert_element_type3A_151 = arith.extui %ge3A_150 : i1 to i32
      %cond3A_152 = arith.constant 0 : i32
      %cond3A_153 = arith.cmpi ne, %convert_element_type3A_151, %cond3A_152 : i32
      scf.if %cond3A_153 {
        %sub3A_164 = arith.constant 2 : i32
        %sub3A_165 = arith.subi %add3A_128, %sub3A_164 : i32
        %add3A_166 = arith.addi %sub3A_36, %sub3A_165 : i32
        %dma_wait3A_167 = arith.constant 0 : i32
        %dma_wait3A_168 = tpu.memref_slice %arg9[%add3A_166, %dma_wait3A_167] : memref<89x128xi32, #tpu.memory_space<vmem>> -> memref<1x128xi32, #tpu.memory_space<vmem>>
        %dma_wait3A_169 = tpu.memref_squeeze %dma_wait3A_168 : memref<1x128xi32, #tpu.memory_space<vmem>> -> memref<128xi32, #tpu.memory_space<vmem>>
        %dma_wait3A_170 = arith.constant 0 : i32
        %dma_wait3A_171 = arith.constant 0 : i32
        %dma_wait3A_172 = tpu.memref_slice %arg16[%dma_wait3A_170, %dma_wait3A_171] : memref<10240x80xf32, #tpu.memory_space<vmem_shared>> -> memref<10240x80xf32, #tpu.memory_space<vmem_shared>>
        tpu.wait_indirect_dma semaphore(%arg22 : memref<!tpu.dma_semaphore, #tpu.memory_space<semaphore_mem>>) src(%arg15 : memref<128x80xf32, #tpu.memory_space<vmem>>) dst(%dma_wait3A_172 : memref<10240x80xf32, #tpu.memory_space<vmem_shared>>)
      } else {
      }
      %parallel_loop3A_154 = arith.constant 0 : i32
      %parallel_loop3A_155 = arith.constant 128 : i32
      %parallel_loop3A_156 = arith.constant 1 : i32
      scf.for %parallel_loop3A_164 = %parallel_loop3A_154 to %parallel_loop3A_155 step %parallel_loop3A_156  : i32 {
        %parallel_loop3A_165 = arith.index_cast %parallel_loop3A_164 : i32 to index
        %parallel_loop3A_166 = arith.constant 64 : index
        %parallel_loop3A_167 = tpu.vector_load %arg11[%parallel_loop3A_165, %parallel_loop3A_166] {strides = array<i32>} : memref<128x80xf32, #tpu.memory_space<vmem>>, vector<1x16xf32>,
        %parallel_loop3A_168 = vector.shape_cast %parallel_loop3A_167 : vector<1x16xf32> to vector<16xf32>
        %parallel_loop3A_169 = arith.index_cast %parallel_loop3A_164 : i32 to index
        %parallel_loop3A_170 = arith.constant 0 : index
        %parallel_loop3A_171 = tpu.vector_load %arg13[%parallel_loop3A_169, %parallel_loop3A_170] {strides = array<i32>} : memref<128x16xf32, #tpu.memory_space<vmem>>, vector<1x16xf32>,
        %parallel_loop3A_172 = vector.shape_cast %parallel_loop3A_171 : vector<1x16xf32> to vector<16xf32>
        %parallel_loop3A_173 = arith.addf %parallel_loop3A_168, %parallel_loop3A_172 : vector<16xf32>
        %parallel_loop3A_174 = arith.constant 0.000000e+00 : f32
        %parallel_loop3A_175 = vector.broadcast %parallel_loop3A_174 : f32 to vector<16xf32>
        %parallel_loop3A_176 = arith.maximumf %parallel_loop3A_173, %parallel_loop3A_175 : vector<16xf32>
        %parallel_loop3A_177 = arith.constant 0.000000e+00 : f32
        %parallel_loop3A_178 = vector.broadcast %parallel_loop3A_177 : f32 to vector<16xf32>
        %parallel_loop3A_179 = arith.minimumf %parallel_loop3A_173, %parallel_loop3A_178 : vector<16xf32>
        %parallel_loop3A_180 = arith.constant 2.000000e-01 : f32
        %parallel_loop3A_181 = vector.broadcast %parallel_loop3A_180 : f32 to vector<16xf32>
        %parallel_loop3A_182 = arith.mulf %parallel_loop3A_181, %parallel_loop3A_179 : vector<16xf32>
        %parallel_loop3A_183 = arith.addf %parallel_loop3A_176, %parallel_loop3A_182 : vector<16xf32>
        %parallel_loop3A_184 = math.exp %parallel_loop3A_183 : vector<16xf32>
        %parallel_loop3A_185 = arith.index_cast %parallel_loop3A_164 : i32 to index
        %parallel_loop3A_186 = arith.constant 0 : index
        %parallel_loop3A_187 = tpu.vector_load %arg11[%parallel_loop3A_185, %parallel_loop3A_186] {strides = array<i32>} : memref<128x80xf32, #tpu.memory_space<vmem>>, vector<1x16xf32>,
        %parallel_loop3A_188 = vector.shape_cast %parallel_loop3A_187 : vector<1x16xf32> to vector<16xf32>
        %parallel_loop3A_189 = arith.mulf %parallel_loop3A_188, %parallel_loop3A_184 : vector<16xf32>
        %parallel_loop3A_190 = arith.index_cast %parallel_loop3A_164 : i32 to index
        %parallel_loop3A_191 = arith.constant 0 : index
        %parallel_loop3A_192 = tpu.vector_load %arg15[%parallel_loop3A_190, %parallel_loop3A_191] {strides = array<i32>} : memref<128x80xf32, #tpu.memory_space<vmem>>, vector<1x16xf32>,
        %parallel_loop3A_193 = vector.shape_cast %parallel_loop3A_192 : vector<1x16xf32> to vector<16xf32>
        %parallel_loop3A_194 = vector.shape_cast %parallel_loop3A_189 : vector<16xf32> to vector<1x16xf32>
        tpu.vector_store %arg15[%parallel_loop3A_190, %parallel_loop3A_191], %parallel_loop3A_194 {strides = array<i32>} : memref<128x80xf32, #tpu.memory_space<vmem>>, vector<1x16xf32>,
        %parallel_loop3A_195 = arith.index_cast %parallel_loop3A_164 : i32 to index
        %parallel_loop3A_196 = arith.constant 16 : index
        %parallel_loop3A_197 = tpu.vector_load %arg11[%parallel_loop3A_195, %parallel_loop3A_196] {strides = array<i32>} : memref<128x80xf32, #tpu.memory_space<vmem>>, vector<1x16xf32>,
        %parallel_loop3A_198 = vector.shape_cast %parallel_loop3A_197 : vector<1x16xf32> to vector<16xf32>
        %parallel_loop3A_199 = arith.mulf %parallel_loop3A_198, %parallel_loop3A_184 : vector<16xf32>
        %parallel_loop3A_200 = arith.index_cast %parallel_loop3A_164 : i32 to index
        %parallel_loop3A_201 = arith.constant 16 : index
        %parallel_loop3A_202 = tpu.vector_load %arg15[%parallel_loop3A_200, %parallel_loop3A_201] {strides = array<i32>} : memref<128x80xf32, #tpu.memory_space<vmem>>, vector<1x16xf32>,
        %parallel_loop3A_203 = vector.shape_cast %parallel_loop3A_202 : vector<1x16xf32> to vector<16xf32>
        %parallel_loop3A_204 = vector.shape_cast %parallel_loop3A_199 : vector<16xf32> to vector<1x16xf32>
        tpu.vector_store %arg15[%parallel_loop3A_200, %parallel_loop3A_201], %parallel_loop3A_204 {strides = array<i32>} : memref<128x80xf32, #tpu.memory_space<vmem>>, vector<1x16xf32>,
        %parallel_loop3A_205 = arith.index_cast %parallel_loop3A_164 : i32 to index
        %parallel_loop3A_206 = arith.constant 32 : index
        %parallel_loop3A_207 = tpu.vector_load %arg11[%parallel_loop3A_205, %parallel_loop3A_206] {strides = array<i32>} : memref<128x80xf32, #tpu.memory_space<vmem>>, vector<1x16xf32>,
        %parallel_loop3A_208 = vector.shape_cast %parallel_loop3A_207 : vector<1x16xf32> to vector<16xf32>
        %parallel_loop3A_209 = arith.mulf %parallel_loop3A_208, %parallel_loop3A_184 : vector<16xf32>
        %parallel_loop3A_210 = arith.index_cast %parallel_loop3A_164 : i32 to index
        %parallel_loop3A_211 = arith.constant 32 : index
        %parallel_loop3A_212 = tpu.vector_load %arg15[%parallel_loop3A_210, %parallel_loop3A_211] {strides = array<i32>} : memref<128x80xf32, #tpu.memory_space<vmem>>, vector<1x16xf32>,
        %parallel_loop3A_213 = vector.shape_cast %parallel_loop3A_212 : vector<1x16xf32> to vector<16xf32>
        %parallel_loop3A_214 = vector.shape_cast %parallel_loop3A_209 : vector<16xf32> to vector<1x16xf32>
        tpu.vector_store %arg15[%parallel_loop3A_210, %parallel_loop3A_211], %parallel_loop3A_214 {strides = array<i32>} : memref<128x80xf32, #tpu.memory_space<vmem>>, vector<1x16xf32>,
        %parallel_loop3A_215 = arith.index_cast %parallel_loop3A_164 : i32 to index
        %parallel_loop3A_216 = arith.constant 48 : index
        %parallel_loop3A_217 = tpu.vector_load %arg11[%parallel_loop3A_215, %parallel_loop3A_216] {strides = array<i32>} : memref<128x80xf32, #tpu.memory_space<vmem>>, vector<1x16xf32>,
        %parallel_loop3A_218 = vector.shape_cast %parallel_loop3A_217 : vector<1x16xf32> to vector<16xf32>
        %parallel_loop3A_219 = arith.mulf %parallel_loop3A_218, %parallel_loop3A_184 : vector<16xf32>
        %parallel_loop3A_220 = arith.index_cast %parallel_loop3A_164 : i32 to index
        %parallel_loop3A_221 = arith.constant 48 : index
        %parallel_loop3A_222 = tpu.vector_load %arg15[%parallel_loop3A_220, %parallel_loop3A_221] {strides = array<i32>} : memref<128x80xf32, #tpu.memory_space<vmem>>, vector<1x16xf32>,
        %parallel_loop3A_223 = vector.shape_cast %parallel_loop3A_222 : vector<1x16xf32> to vector<16xf32>
        %parallel_loop3A_224 = vector.shape_cast %parallel_loop3A_219 : vector<16xf32> to vector<1x16xf32>
        tpu.vector_store %arg15[%parallel_loop3A_220, %parallel_loop3A_221], %parallel_loop3A_224 {strides = array<i32>} : memref<128x80xf32, #tpu.memory_space<vmem>>, vector<1x16xf32>,
        %parallel_loop3A_225 = arith.index_cast %parallel_loop3A_164 : i32 to index
        %parallel_loop3A_226 = arith.constant 64 : index
        %parallel_loop3A_227 = tpu.vector_load %arg15[%parallel_loop3A_225, %parallel_loop3A_226] {strides = array<i32>} : memref<128x80xf32, #tpu.memory_space<vmem>>, vector<1x16xf32>,
        %parallel_loop3A_228 = vector.shape_cast %parallel_loop3A_227 : vector<1x16xf32> to vector<16xf32>
        %parallel_loop3A_229 = vector.shape_cast %parallel_loop3A_184 : vector<16xf32> to vector<1x16xf32>
        tpu.vector_store %arg15[%parallel_loop3A_225, %parallel_loop3A_226], %parallel_loop3A_229 {strides = array<i32>} : memref<128x80xf32, #tpu.memory_space<vmem>>, vector<1x16xf32>,
      } {sc.loop_unroll_factor = 4 : i64, sc.parallel_access}
      %add3A_157 = arith.addi %sub3A_36, %add3A_128 : i32
      %dma_start3A_158 = arith.constant 0 : i32
      %dma_start3A_159 = tpu.memref_slice %arg9[%add3A_157, %dma_start3A_158] : memref<89x128xi32, #tpu.memory_space<vmem>> -> memref<1x128xi32, #tpu.memory_space<vmem>>
      %dma_start3A_160 = tpu.memref_squeeze %dma_start3A_159 : memref<1x128xi32, #tpu.memory_space<vmem>> -> memref<128xi32, #tpu.memory_space<vmem>>
      %dma_start3A_161 = arith.constant 0 : i32
      %dma_start3A_162 = arith.constant 0 : i32
      %dma_start3A_163 = tpu.memref_slice %arg16[%dma_start3A_161, %dma_start3A_162] : memref<10240x80xf32, #tpu.memory_space<vmem_shared>> -> memref<10240x80xf32, #tpu.memory_space<vmem_shared>>
      tpu.enqueue_indirect_dma source(%arg15 : memref<128x80xf32, #tpu.memory_space<vmem>>) target(%dma_start3A_163 : memref<10240x80xf32, #tpu.memory_space<vmem_shared>>) offsets(%dma_start3A_160 : memref<128xi32, #tpu.memory_space<vmem>>) semaphore(%arg22 : memref<!tpu.dma_semaphore, #tpu.memory_space<semaphore_mem>>) {add = true}
    }
    %sub3A_70 = arith.constant 2 : i32
    %sub3A_71 = arith.subi %select_n3A_15, %sub3A_70 : i32
    %add3A_72 = arith.addi %sub3A_36, %sub3A_71 : i32
    %dma_wait3A = arith.constant 0 : i32
    %dma_wait3A_73 = tpu.memref_slice %arg9[%add3A_72, %dma_wait3A] : memref<89x128xi32, #tpu.memory_space<vmem>> -> memref<1x128xi32, #tpu.memory_space<vmem>>
    %dma_wait3A_74 = tpu.memref_squeeze %dma_wait3A_73 : memref<1x128xi32, #tpu.memory_space<vmem>> -> memref<128xi32, #tpu.memory_space<vmem>>
    %dma_wait3A_75 = arith.constant 0 : i32
    %dma_wait3A_76 = arith.constant 0 : i32
    %dma_wait3A_77 = tpu.memref_slice %arg16[%dma_wait3A_75, %dma_wait3A_76] : memref<10240x80xf32, #tpu.memory_space<vmem_shared>> -> memref<10240x80xf32, #tpu.memory_space<vmem_shared>>
    tpu.wait_indirect_dma semaphore(%arg21 : memref<!tpu.dma_semaphore, #tpu.memory_space<semaphore_mem>>) src(%arg14 : memref<128x80xf32, #tpu.memory_space<vmem>>) dst(%dma_wait3A_77 : memref<10240x80xf32, #tpu.memory_space<vmem_shared>>)
    %sub3A_78 = arith.constant 1 : i32
    %sub3A_79 = arith.subi %select_n3A_15, %sub3A_78 : i32
    %add3A_80 = arith.addi %sub3A_36, %sub3A_79 : i32
    %dma_wait3A_81 = arith.constant 0 : i32
    %dma_wait3A_82 = tpu.memref_slice %arg9[%add3A_80, %dma_wait3A_81] : memref<89x128xi32, #tpu.memory_space<vmem>> -> memref<1x128xi32, #tpu.memory_space<vmem>>
    %dma_wait3A_83 = tpu.memref_squeeze %dma_wait3A_82 : memref<1x128xi32, #tpu.memory_space<vmem>> -> memref<128xi32, #tpu.memory_space<vmem>>
    %dma_wait3A_84 = arith.constant 0 : i32
    %dma_wait3A_85 = arith.constant 0 : i32
    %dma_wait3A_86 = tpu.memref_slice %arg16[%dma_wait3A_84, %dma_wait3A_85] : memref<10240x80xf32, #tpu.memory_space<vmem_shared>> -> memref<10240x80xf32, #tpu.memory_space<vmem_shared>>
    tpu.wait_indirect_dma semaphore(%arg22 : memref<!tpu.dma_semaphore, #tpu.memory_space<semaphore_mem>>) src(%arg15 : memref<128x80xf32, #tpu.memory_space<vmem>>) dst(%dma_wait3A_86 : memref<10240x80xf32, #tpu.memory_space<vmem_shared>>)
    %barrier3A_87 = arith.constant 0 : index
    tpu.barrier barrier_id(%barrier3A_87)
    %mul3A_88 = arith.constant 640 : i32
    %mul3A_89 = arith.muli %arg1, %mul3A_88 : i32
    %mul3A_90 = arith.constant 640 : i32
    %mul3A_91 = arith.muli %arg1, %mul3A_90 : i32
    "tpu.region"() ({
      %run_scoped3A = tpu.sem_alloc : memref<!tpu.dma_semaphore, #tpu.memory_space<semaphore_mem>>
      %dma_start3A_92 = arith.constant 0 : i32
      %dma_start3A_93 = arith.constant 0 : i32
      %dma_start3A_94 = tpu.memref_slice %arg7[%arg0, %dma_start3A_92, %dma_start3A_93] : memref<2x10240x80xf32, #tpu.memory_space<hbm>> -> memref<1x10240x80xf32, #tpu.memory_space<hbm>>
      %dma_start3A_95 = tpu.memref_squeeze %dma_start3A_94 : memref<1x10240x80xf32, #tpu.memory_space<hbm>> -> memref<10240x80xf32, #tpu.memory_space<hbm>>
      %dma_start3A_96 = arith.constant 0 : i32
      %dma_start3A_97 = tpu.memref_slice %dma_start3A_95[%mul3A_91, %dma_start3A_96] : memref<10240x80xf32, #tpu.memory_space<hbm>> -> memref<640x80xf32, #tpu.memory_space<hbm>>
      %dma_start3A_98 = arith.constant 0 : i32
      %dma_start3A_99 = tpu.memref_slice %arg16[%mul3A_89, %dma_start3A_98] : memref<10240x80xf32, #tpu.memory_space<vmem_shared>> -> memref<640x80xf32, #tpu.memory_space<vmem_shared>>
      tpu.enqueue_dma source(%dma_start3A_99 : memref<640x80xf32, #tpu.memory_space<vmem_shared>>) target(%dma_start3A_97 : memref<640x80xf32, #tpu.memory_space<hbm>>) target_semaphore(%run_scoped3A : memref<!tpu.dma_semaphore, #tpu.memory_space<semaphore_mem>>)
      %dma_wait3A_100 = arith.constant 0 : i32
      %dma_wait3A_101 = arith.constant 0 : i32
      %dma_wait3A_102 = tpu.memref_slice %arg7[%arg0, %dma_wait3A_100, %dma_wait3A_101] : memref<2x10240x80xf32, #tpu.memory_space<hbm>> -> memref<1x10240x80xf32, #tpu.memory_space<hbm>>
      %dma_wait3A_103 = tpu.memref_squeeze %dma_wait3A_102 : memref<1x10240x80xf32, #tpu.memory_space<hbm>> -> memref<10240x80xf32, #tpu.memory_space<hbm>>
      %dma_wait3A_104 = arith.constant 0 : i32
      %dma_wait3A_105 = tpu.memref_slice %dma_wait3A_103[%mul3A_91, %dma_wait3A_104] : memref<10240x80xf32, #tpu.memory_space<hbm>> -> memref<640x80xf32, #tpu.memory_space<hbm>>
      %dma_wait3A_106 = arith.constant 0 : i32
      %dma_wait3A_107 = tpu.memref_slice %arg16[%mul3A_89, %dma_wait3A_106] : memref<10240x80xf32, #tpu.memory_space<vmem_shared>> -> memref<640x80xf32, #tpu.memory_space<vmem_shared>>
      tpu.wait_dma2 semaphore(%run_scoped3A : memref<!tpu.dma_semaphore, #tpu.memory_space<semaphore_mem>>) src(%dma_wait3A_107 : memref<640x80xf32, #tpu.memory_space<vmem_shared>>) dst(%dma_wait3A_105 : memref<640x80xf32, #tpu.memory_space<hbm>>)
      tpu.yield
    }) : () -> ()
    return
  }
}

#map = affine_map<(d0, d1) -> (0, 0)>
#map1 = affine_map<(d0, d1) -> (0, 0, 0)>
module attributes {stable_mosaic.version = 14 : i64} {
  func.func @kern(%arg0: i32, %arg1: i32, %arg2: memref<10240x64xf32, #tpu.memory_space<hbm>>, %arg3: memref<10240x16xf32, #tpu.memory_space<hbm>>, %arg4: memref<2752x128xi32, #tpu.memory_space<hbm>>, %arg5: memref<2752x128xi32, #tpu.memory_space<hbm>>, %arg6: memref<10240x64xf32, #tpu.memory_space<hbm>>, %arg7: memref<2x10240x64xf32, #tpu.memory_space<hbm>>, %arg8: memref<89x128xi32, #tpu.memory_space<vmem>>, %arg9: memref<89x128xi32, #tpu.memory_space<vmem>>, %arg10: memref<128x64xf32, #tpu.memory_space<vmem>>, %arg11: memref<128x64xf32, #tpu.memory_space<vmem>>, %arg12: memref<128x16xf32, #tpu.memory_space<vmem>>, %arg13: memref<128x16xf32, #tpu.memory_space<vmem>>, %arg14: memref<128x64xf32, #tpu.memory_space<vmem>>, %arg15: memref<128x64xf32, #tpu.memory_space<vmem>>, %arg16: memref<10240x64xf32, #tpu.memory_space<vmem_shared>>, %arg17: memref<!tpu.dma_semaphore, #tpu.memory_space<semaphore_mem>>, %arg18: memref<!tpu.dma_semaphore, #tpu.memory_space<semaphore_mem>>, %arg19: memref<!tpu.dma_semaphore, #tpu.memory_space<semaphore_mem>>, %arg20: memref<!tpu.dma_semaphore, #tpu.memory_space<semaphore_mem>>, %arg21: memref<!tpu.dma_semaphore, #tpu.memory_space<semaphore_mem>>, %arg22: memref<!tpu.dma_semaphore, #tpu.memory_space<semaphore_mem>>) attributes {dimension_semantics = [#tpu.dimension_semantics<core_parallel>, #tpu.dimension_semantics<subcore_parallel>], iteration_bounds = array<i64: 2, 16>, scalar_prefetch = 0 : i64, scratch_operands = 15 : i64, tpu.core_type = #tpu.core_type<sc_vector_subcore>, window_params = [{transform_indices = #map}, {transform_indices = #map}, {transform_indices = #map}, {transform_indices = #map}, {transform_indices = #map}, {transform_indices = #map1}]} {
    %mul3A = arith.constant 16 : i32
    %mul3A_0 = arith.muli %arg0, %mul3A : i32
    %add3A = arith.addi %mul3A_0, %arg1 : i32
    %mul3A_1 = arith.constant 640 : i32
    %mul3A_2 = arith.muli %arg1, %mul3A_1 : i32
    %mul3A_3 = arith.constant 640 : i32
    %mul3A_4 = arith.muli %arg1, %mul3A_3 : i32
    "tpu.region"() ({
      %run_scoped3A = tpu.sem_alloc : memref<!tpu.dma_semaphore, #tpu.memory_space<semaphore_mem>>
      %dma_start3A_92 = arith.constant 0 : i32
      %dma_start3A_93 = tpu.memref_slice %arg16[%mul3A_4, %dma_start3A_92] : memref<10240x64xf32, #tpu.memory_space<vmem_shared>> -> memref<640x64xf32, #tpu.memory_space<vmem_shared>>
      %dma_start3A_94 = arith.constant 0 : i32
      %dma_start3A_95 = tpu.memref_slice %arg6[%mul3A_2, %dma_start3A_94] : memref<10240x64xf32, #tpu.memory_space<hbm>> -> memref<640x64xf32, #tpu.memory_space<hbm>>
      tpu.enqueue_dma source(%dma_start3A_95 : memref<640x64xf32, #tpu.memory_space<hbm>>) target(%dma_start3A_93 : memref<640x64xf32, #tpu.memory_space<vmem_shared>>) target_semaphore(%run_scoped3A : memref<!tpu.dma_semaphore, #tpu.memory_space<semaphore_mem>>)
      %dma_wait3A_96 = arith.constant 0 : i32
      %dma_wait3A_97 = tpu.memref_slice %arg16[%mul3A_4, %dma_wait3A_96] : memref<10240x64xf32, #tpu.memory_space<vmem_shared>> -> memref<640x64xf32, #tpu.memory_space<vmem_shared>>
      %dma_wait3A_98 = arith.constant 0 : i32
      %dma_wait3A_99 = tpu.memref_slice %arg6[%mul3A_2, %dma_wait3A_98] : memref<10240x64xf32, #tpu.memory_space<hbm>> -> memref<640x64xf32, #tpu.memory_space<hbm>>
      tpu.wait_dma2 semaphore(%run_scoped3A : memref<!tpu.dma_semaphore, #tpu.memory_space<semaphore_mem>>) src(%dma_wait3A_99 : memref<640x64xf32, #tpu.memory_space<hbm>>) dst(%dma_wait3A_97 : memref<640x64xf32, #tpu.memory_space<vmem_shared>>)
      tpu.yield
    }) : () -> ()
    %eq3A = arith.constant 0 : i32
    %eq3A_5 = arith.cmpi eq, %arg0, %eq3A : i32
    %mul3A_6 = arith.constant 82 : i32
    %mul3A_7 = arith.muli %arg1, %mul3A_6 : i32
    %mul3A_8 = arith.constant 82 : i32
    %mul3A_9 = arith.muli %arg1, %mul3A_8 : i32
    %add3A_10 = arith.constant 1312 : i32
    %add3A_11 = arith.addi %add3A_10, %mul3A_9 : i32
    %select_n3A = arith.select %eq3A_5, %mul3A_7, %add3A_11 : i32
    %eq3A_12 = arith.constant 0 : i32
    %eq3A_13 = arith.cmpi eq, %arg0, %eq3A_12 : i32
    %jit3A = arith.constant 82 : i32
    %jit3A_14 = arith.constant 82 : i32
    %select_n3A_15 = arith.select %eq3A_13, %jit3A, %jit3A_14 : i32
    %jit3A_16 = arith.constant 8 : i32
    %div3A = arith.divsi %select_n3A, %jit3A_16 : i32
    %sign3A = arith.constant 0 : i32
    %sign3A_17 = arith.cmpi sgt, %select_n3A, %sign3A : i32
    %sign3A_18 = arith.extui %sign3A_17 : i1 to i32
    %sign3A_19 = arith.constant 0 : i32
    %sign3A_20 = arith.cmpi slt, %select_n3A, %sign3A_19 : i32
    %sign3A_21 = arith.extui %sign3A_20 : i1 to i32
    %sign3A_22 = arith.subi %sign3A_18, %sign3A_21 : i32
    %sign3A_23 = arith.constant 0 : i32
    %sign3A_24 = arith.cmpi sgt, %jit3A_16, %sign3A_23 : i32
    %sign3A_25 = arith.extui %sign3A_24 : i1 to i32
    %sign3A_26 = arith.constant 0 : i32
    %sign3A_27 = arith.cmpi slt, %jit3A_16, %sign3A_26 : i32
    %sign3A_28 = arith.extui %sign3A_27 : i1 to i32
    %sign3A_29 = arith.subi %sign3A_25, %sign3A_28 : i32
    %ne3A = arith.cmpi ne, %sign3A_22, %sign3A_29 : i32
    %rem3A = arith.remsi %select_n3A, %jit3A_16 : i32
    %ne3A_30 = arith.constant 0 : i32
    %ne3A_31 = arith.cmpi ne, %rem3A, %ne3A_30 : i32
    %and3A = arith.andi %ne3A, %ne3A_31 : i1
    %sub3A = arith.constant 1 : i32
    %sub3A_32 = arith.subi %div3A, %sub3A : i32
    %select_n3A_33 = arith.select %and3A, %sub3A_32, %div3A : i32
    %mul3A_34 = arith.constant 8 : i32
    %mul3A_35 = arith.muli %select_n3A_33, %mul3A_34 : i32
    %sub3A_36 = arith.subi %select_n3A, %mul3A_35 : i32
    "tpu.region"() ({
      %run_scoped3A = tpu.sem_alloc : memref<!tpu.dma_semaphore, #tpu.memory_space<semaphore_mem>>
      %dma_start3A_92 = arith.constant 0 : i32
      %dma_start3A_93 = tpu.memref_slice %arg4[%mul3A_35, %dma_start3A_92] : memref<2752x128xi32, #tpu.memory_space<hbm>> -> memref<89x128xi32, #tpu.memory_space<hbm>>
      %dma_start3A_94 = arith.constant 0 : i32
      %dma_start3A_95 = tpu.memref_slice %arg4[%mul3A_35, %dma_start3A_94] : memref<2752x128xi32, #tpu.memory_space<hbm>> -> memref<89x128xi32, #tpu.memory_space<hbm>>
      tpu.enqueue_dma source(%dma_start3A_95 : memref<89x128xi32, #tpu.memory_space<hbm>>) target(%arg8 : memref<89x128xi32, #tpu.memory_space<vmem>>) target_semaphore(%run_scoped3A : memref<!tpu.dma_semaphore, #tpu.memory_space<semaphore_mem>>)
      %dma_wait3A_96 = arith.constant 0 : i32
      %dma_wait3A_97 = tpu.memref_slice %arg4[%mul3A_35, %dma_wait3A_96] : memref<2752x128xi32, #tpu.memory_space<hbm>> -> memref<89x128xi32, #tpu.memory_space<hbm>>
      %dma_wait3A_98 = arith.constant 0 : i32
      %dma_wait3A_99 = tpu.memref_slice %arg4[%mul3A_35, %dma_wait3A_98] : memref<2752x128xi32, #tpu.memory_space<hbm>> -> memref<89x128xi32, #tpu.memory_space<hbm>>
      tpu.wait_dma2 semaphore(%run_scoped3A : memref<!tpu.dma_semaphore, #tpu.memory_space<semaphore_mem>>) src(%dma_wait3A_99 : memref<89x128xi32, #tpu.memory_space<hbm>>) dst(%arg8 : memref<89x128xi32, #tpu.memory_space<vmem>>)
      tpu.yield
    }) : () -> ()
    "tpu.region"() ({
      %run_scoped3A = tpu.sem_alloc : memref<!tpu.dma_semaphore, #tpu.memory_space<semaphore_mem>>
      %dma_start3A_92 = arith.constant 0 : i32
      %dma_start3A_93 = tpu.memref_slice %arg5[%mul3A_35, %dma_start3A_92] : memref<2752x128xi32, #tpu.memory_space<hbm>> -> memref<89x128xi32, #tpu.memory_space<hbm>>
      %dma_start3A_94 = arith.constant 0 : i32
      %dma_start3A_95 = tpu.memref_slice %arg5[%mul3A_35, %dma_start3A_94] : memref<2752x128xi32, #tpu.memory_space<hbm>> -> memref<89x128xi32, #tpu.memory_space<hbm>>
      tpu.enqueue_dma source(%dma_start3A_95 : memref<89x128xi32, #tpu.memory_space<hbm>>) target(%arg9 : memref<89x128xi32, #tpu.memory_space<vmem>>) target_semaphore(%run_scoped3A : memref<!tpu.dma_semaphore, #tpu.memory_space<semaphore_mem>>)
      %dma_wait3A_96 = arith.constant 0 : i32
      %dma_wait3A_97 = tpu.memref_slice %arg5[%mul3A_35, %dma_wait3A_96] : memref<2752x128xi32, #tpu.memory_space<hbm>> -> memref<89x128xi32, #tpu.memory_space<hbm>>
      %dma_wait3A_98 = arith.constant 0 : i32
      %dma_wait3A_99 = tpu.memref_slice %arg5[%mul3A_35, %dma_wait3A_98] : memref<2752x128xi32, #tpu.memory_space<hbm>> -> memref<89x128xi32, #tpu.memory_space<hbm>>
      tpu.wait_dma2 semaphore(%run_scoped3A : memref<!tpu.dma_semaphore, #tpu.memory_space<semaphore_mem>>) src(%dma_wait3A_99 : memref<89x128xi32, #tpu.memory_space<hbm>>) dst(%arg9 : memref<89x128xi32, #tpu.memory_space<vmem>>)
      tpu.yield
    }) : () -> ()
    %barrier3A = arith.constant 0 : index
    tpu.barrier barrier_id(%barrier3A)
    %add3A_37 = arith.constant 0 : i32
    %add3A_38 = arith.addi %sub3A_36, %add3A_37 : i32
    %dma_start3A = arith.constant 0 : i32
    %dma_start3A_39 = tpu.memref_slice %arg8[%add3A_38, %dma_start3A] : memref<89x128xi32, #tpu.memory_space<vmem>> -> memref<1x128xi32, #tpu.memory_space<vmem>>
    %dma_start3A_40 = tpu.memref_squeeze %dma_start3A_39 : memref<1x128xi32, #tpu.memory_space<vmem>> -> memref<128xi32, #tpu.memory_space<vmem>>
    %dma_start3A_41 = arith.constant 0 : i32
    %dma_start3A_42 = arith.constant 0 : i32
    %dma_start3A_43 = tpu.memref_slice %arg2[%dma_start3A_41, %dma_start3A_42] : memref<10240x64xf32, #tpu.memory_space<hbm>> -> memref<10240x64xf32, #tpu.memory_space<hbm>>
    tpu.enqueue_indirect_dma source(%dma_start3A_43 : memref<10240x64xf32, #tpu.memory_space<hbm>>) target(%arg10 : memref<128x64xf32, #tpu.memory_space<vmem>>) offsets(%dma_start3A_40 : memref<128xi32, #tpu.memory_space<vmem>>) semaphore(%arg17 : memref<!tpu.dma_semaphore, #tpu.memory_space<semaphore_mem>>)
    %add3A_44 = arith.constant 0 : i32
    %add3A_45 = arith.addi %sub3A_36, %add3A_44 : i32
    %dma_start3A_46 = arith.constant 0 : i32
    %dma_start3A_47 = tpu.memref_slice %arg9[%add3A_45, %dma_start3A_46] : memref<89x128xi32, #tpu.memory_space<vmem>> -> memref<1x128xi32, #tpu.memory_space<vmem>>
    %dma_start3A_48 = tpu.memref_squeeze %dma_start3A_47 : memref<1x128xi32, #tpu.memory_space<vmem>> -> memref<128xi32, #tpu.memory_space<vmem>>
    %dma_start3A_49 = arith.constant 0 : i32
    %dma_start3A_50 = arith.constant 0 : i32
    %dma_start3A_51 = tpu.memref_slice %arg3[%dma_start3A_49, %dma_start3A_50] : memref<10240x16xf32, #tpu.memory_space<hbm>> -> memref<10240x16xf32, #tpu.memory_space<hbm>>
    tpu.enqueue_indirect_dma source(%dma_start3A_51 : memref<10240x16xf32, #tpu.memory_space<hbm>>) target(%arg12 : memref<128x16xf32, #tpu.memory_space<vmem>>) offsets(%dma_start3A_48 : memref<128xi32, #tpu.memory_space<vmem>>) semaphore(%arg19 : memref<!tpu.dma_semaphore, #tpu.memory_space<semaphore_mem>>)
    %sub3A_52 = arith.constant 0 : i32
    %sub3A_53 = arith.subi %select_n3A_15, %sub3A_52 : i32
    %sub3A_54 = arith.constant 2 : i32
    %sub3A_55 = arith.constant 1 : i32
    %sub3A_56 = arith.subi %sub3A_54, %sub3A_55 : i32
    %add3A_57 = arith.addi %sub3A_53, %sub3A_56 : i32
    %div3A_58 = arith.constant 2 : i32
    %div3A_59 = arith.divsi %add3A_57, %div3A_58 : i32
    %while3A = arith.constant 2 : i32
    %while3A_60 = arith.constant 0 : i32
    %while3A_61 = arith.constant 0 : i32
    %while3A_62 = arith.subi %div3A_59, %while3A_61 : i32
    %while3A_63 = arith.addi %while3A_61, %while3A_62 : i32
    %while3A_64 = arith.constant 1 : i32
    %while3A_65 = arith.divsi %while3A_62, %while3A_64 : i32
    %while3A_66 = arith.muli %while3A_65, %while3A_64 : i32
    %while3A_67 = arith.addi %while3A_61, %while3A_66 : i32
    %while3A_68 = arith.constant 1 : i32
    scf.for %while3A_92 = %while3A_61 to %while3A_67 step %while3A_68  : i32 {
      %mul3A_93 = arith.muli %while3A_92, %while3A : i32
      %add3A_94 = arith.addi %while3A_60, %mul3A_93 : i32
      %add3A_95 = arith.constant 0 : i32
      %add3A_96 = arith.addi %add3A_94, %add3A_95 : i32
      %add3A_97 = arith.constant 1 : i32
      %add3A_98 = arith.addi %add3A_96, %add3A_97 : i32
      %lt3A = arith.cmpi slt, %add3A_98, %select_n3A_15 : i32
      %convert_element_type3A = arith.extui %lt3A : i1 to i32
      %cond3A = arith.constant 0 : i32
      %cond3A_99 = arith.cmpi ne, %convert_element_type3A, %cond3A : i32
      scf.if %cond3A_99 {
        %add3A_164 = arith.constant 1 : i32
        %add3A_165 = arith.addi %add3A_96, %add3A_164 : i32
        %add3A_166 = arith.addi %sub3A_36, %add3A_165 : i32
        %dma_start3A_167 = arith.constant 0 : i32
        %dma_start3A_168 = tpu.memref_slice %arg8[%add3A_166, %dma_start3A_167] : memref<89x128xi32, #tpu.memory_space<vmem>> -> memref<1x128xi32, #tpu.memory_space<vmem>>
        %dma_start3A_169 = tpu.memref_squeeze %dma_start3A_168 : memref<1x128xi32, #tpu.memory_space<vmem>> -> memref<128xi32, #tpu.memory_space<vmem>>
        %dma_start3A_170 = arith.constant 0 : i32
        %dma_start3A_171 = arith.constant 0 : i32
        %dma_start3A_172 = tpu.memref_slice %arg2[%dma_start3A_170, %dma_start3A_171] : memref<10240x64xf32, #tpu.memory_space<hbm>> -> memref<10240x64xf32, #tpu.memory_space<hbm>>
        tpu.enqueue_indirect_dma source(%dma_start3A_172 : memref<10240x64xf32, #tpu.memory_space<hbm>>) target(%arg11 : memref<128x64xf32, #tpu.memory_space<vmem>>) offsets(%dma_start3A_169 : memref<128xi32, #tpu.memory_space<vmem>>) semaphore(%arg18 : memref<!tpu.dma_semaphore, #tpu.memory_space<semaphore_mem>>)
        %add3A_173 = arith.addi %sub3A_36, %add3A_165 : i32
        %dma_start3A_174 = arith.constant 0 : i32
        %dma_start3A_175 = tpu.memref_slice %arg9[%add3A_173, %dma_start3A_174] : memref<89x128xi32, #tpu.memory_space<vmem>> -> memref<1x128xi32, #tpu.memory_space<vmem>>
        %dma_start3A_176 = tpu.memref_squeeze %dma_start3A_175 : memref<1x128xi32, #tpu.memory_space<vmem>> -> memref<128xi32, #tpu.memory_space<vmem>>
        %dma_start3A_177 = arith.constant 0 : i32
        %dma_start3A_178 = arith.constant 0 : i32
        %dma_start3A_179 = tpu.memref_slice %arg3[%dma_start3A_177, %dma_start3A_178] : memref<10240x16xf32, #tpu.memory_space<hbm>> -> memref<10240x16xf32, #tpu.memory_space<hbm>>
        tpu.enqueue_indirect_dma source(%dma_start3A_179 : memref<10240x16xf32, #tpu.memory_space<hbm>>) target(%arg13 : memref<128x16xf32, #tpu.memory_space<vmem>>) offsets(%dma_start3A_176 : memref<128xi32, #tpu.memory_space<vmem>>) semaphore(%arg20 : memref<!tpu.dma_semaphore, #tpu.memory_space<semaphore_mem>>)
      } else {
      }
      %add3A_100 = arith.addi %sub3A_36, %add3A_96 : i32
      %dma_wait3A_101 = arith.constant 0 : i32
      %dma_wait3A_102 = tpu.memref_slice %arg8[%add3A_100, %dma_wait3A_101] : memref<89x128xi32, #tpu.memory_space<vmem>> -> memref<1x128xi32, #tpu.memory_space<vmem>>
      %dma_wait3A_103 = tpu.memref_squeeze %dma_wait3A_102 : memref<1x128xi32, #tpu.memory_space<vmem>> -> memref<128xi32, #tpu.memory_space<vmem>>
      %dma_wait3A_104 = arith.constant 0 : i32
      %dma_wait3A_105 = arith.constant 0 : i32
      %dma_wait3A_106 = tpu.memref_slice %arg2[%dma_wait3A_104, %dma_wait3A_105] : memref<10240x64xf32, #tpu.memory_space<hbm>> -> memref<10240x64xf32, #tpu.memory_space<hbm>>
      tpu.wait_indirect_dma semaphore(%arg17 : memref<!tpu.dma_semaphore, #tpu.memory_space<semaphore_mem>>) src(%dma_wait3A_106 : memref<10240x64xf32, #tpu.memory_space<hbm>>) dst(%arg10 : memref<128x64xf32, #tpu.memory_space<vmem>>)
      %add3A_107 = arith.addi %sub3A_36, %add3A_96 : i32
      %dma_wait3A_108 = arith.constant 0 : i32
      %dma_wait3A_109 = tpu.memref_slice %arg9[%add3A_107, %dma_wait3A_108] : memref<89x128xi32, #tpu.memory_space<vmem>> -> memref<1x128xi32, #tpu.memory_space<vmem>>
      %dma_wait3A_110 = tpu.memref_squeeze %dma_wait3A_109 : memref<1x128xi32, #tpu.memory_space<vmem>> -> memref<128xi32, #tpu.memory_space<vmem>>
      %dma_wait3A_111 = arith.constant 0 : i32
      %dma_wait3A_112 = arith.constant 0 : i32
      %dma_wait3A_113 = tpu.memref_slice %arg3[%dma_wait3A_111, %dma_wait3A_112] : memref<10240x16xf32, #tpu.memory_space<hbm>> -> memref<10240x16xf32, #tpu.memory_space<hbm>>
      tpu.wait_indirect_dma semaphore(%arg19 : memref<!tpu.dma_semaphore, #tpu.memory_space<semaphore_mem>>) src(%dma_wait3A_113 : memref<10240x16xf32, #tpu.memory_space<hbm>>) dst(%arg12 : memref<128x16xf32, #tpu.memory_space<vmem>>)
      %ge3A = arith.constant 2 : i32
      %ge3A_114 = arith.cmpi sge, %add3A_96, %ge3A : i32
      %convert_element_type3A_115 = arith.extui %ge3A_114 : i1 to i32
      %cond3A_116 = arith.constant 0 : i32
      %cond3A_117 = arith.cmpi ne, %convert_element_type3A_115, %cond3A_116 : i32
      scf.if %cond3A_117 {
        %sub3A_164 = arith.constant 2 : i32
        %sub3A_165 = arith.subi %add3A_96, %sub3A_164 : i32
        %add3A_166 = arith.addi %sub3A_36, %sub3A_165 : i32
        %dma_wait3A_167 = arith.constant 0 : i32
        %dma_wait3A_168 = tpu.memref_slice %arg9[%add3A_166, %dma_wait3A_167] : memref<89x128xi32, #tpu.memory_space<vmem>> -> memref<1x128xi32, #tpu.memory_space<vmem>>
        %dma_wait3A_169 = tpu.memref_squeeze %dma_wait3A_168 : memref<1x128xi32, #tpu.memory_space<vmem>> -> memref<128xi32, #tpu.memory_space<vmem>>
        %dma_wait3A_170 = arith.constant 0 : i32
        %dma_wait3A_171 = arith.constant 0 : i32
        %dma_wait3A_172 = tpu.memref_slice %arg16[%dma_wait3A_170, %dma_wait3A_171] : memref<10240x64xf32, #tpu.memory_space<vmem_shared>> -> memref<10240x64xf32, #tpu.memory_space<vmem_shared>>
        tpu.wait_indirect_dma semaphore(%arg21 : memref<!tpu.dma_semaphore, #tpu.memory_space<semaphore_mem>>) src(%arg14 : memref<128x64xf32, #tpu.memory_space<vmem>>) dst(%dma_wait3A_172 : memref<10240x64xf32, #tpu.memory_space<vmem_shared>>)
      } else {
      }
      %parallel_loop3A = arith.constant 0 : i32
      %parallel_loop3A_118 = arith.constant 128 : i32
      %parallel_loop3A_119 = arith.constant 1 : i32
      scf.for %parallel_loop3A_164 = %parallel_loop3A to %parallel_loop3A_118 step %parallel_loop3A_119  : i32 {
        %parallel_loop3A_165 = arith.index_cast %parallel_loop3A_164 : i32 to index
        %parallel_loop3A_166 = arith.constant 48 : index
        %parallel_loop3A_167 = tpu.vector_load %arg10[%parallel_loop3A_165, %parallel_loop3A_166] {strides = array<i32>} : memref<128x64xf32, #tpu.memory_space<vmem>>, vector<1x16xf32>,
        %parallel_loop3A_168 = vector.shape_cast %parallel_loop3A_167 : vector<1x16xf32> to vector<16xf32>
        %parallel_loop3A_169 = arith.index_cast %parallel_loop3A_164 : i32 to index
        %parallel_loop3A_170 = arith.constant 0 : index
        %parallel_loop3A_171 = tpu.vector_load %arg12[%parallel_loop3A_169, %parallel_loop3A_170] {strides = array<i32>} : memref<128x16xf32, #tpu.memory_space<vmem>>, vector<1x16xf32>,
        %parallel_loop3A_172 = vector.shape_cast %parallel_loop3A_171 : vector<1x16xf32> to vector<16xf32>
        %parallel_loop3A_173 = arith.addf %parallel_loop3A_168, %parallel_loop3A_172 : vector<16xf32>
        %parallel_loop3A_174 = arith.constant 0.000000e+00 : f32
        %parallel_loop3A_175 = vector.broadcast %parallel_loop3A_174 : f32 to vector<16xf32>
        %parallel_loop3A_176 = arith.maximumf %parallel_loop3A_173, %parallel_loop3A_175 : vector<16xf32>
        %parallel_loop3A_177 = arith.constant 0.000000e+00 : f32
        %parallel_loop3A_178 = vector.broadcast %parallel_loop3A_177 : f32 to vector<16xf32>
        %parallel_loop3A_179 = arith.minimumf %parallel_loop3A_173, %parallel_loop3A_178 : vector<16xf32>
        %parallel_loop3A_180 = arith.constant 2.000000e-01 : f32
        %parallel_loop3A_181 = vector.broadcast %parallel_loop3A_180 : f32 to vector<16xf32>
        %parallel_loop3A_182 = arith.mulf %parallel_loop3A_181, %parallel_loop3A_179 : vector<16xf32>
        %parallel_loop3A_183 = arith.addf %parallel_loop3A_176, %parallel_loop3A_182 : vector<16xf32>
        %parallel_loop3A_184 = math.exp %parallel_loop3A_183 : vector<16xf32>
        %parallel_loop3A_185 = arith.index_cast %parallel_loop3A_164 : i32 to index
        %parallel_loop3A_186 = arith.constant 0 : index
        %parallel_loop3A_187 = tpu.vector_load %arg10[%parallel_loop3A_185, %parallel_loop3A_186] {strides = array<i32>} : memref<128x64xf32, #tpu.memory_space<vmem>>, vector<1x16xf32>,
        %parallel_loop3A_188 = vector.shape_cast %parallel_loop3A_187 : vector<1x16xf32> to vector<16xf32>
        %parallel_loop3A_189 = arith.mulf %parallel_loop3A_188, %parallel_loop3A_184 : vector<16xf32>
        %parallel_loop3A_190 = arith.index_cast %parallel_loop3A_164 : i32 to index
        %parallel_loop3A_191 = arith.constant 0 : index
        %parallel_loop3A_192 = tpu.vector_load %arg14[%parallel_loop3A_190, %parallel_loop3A_191] {strides = array<i32>} : memref<128x64xf32, #tpu.memory_space<vmem>>, vector<1x16xf32>,
        %parallel_loop3A_193 = vector.shape_cast %parallel_loop3A_192 : vector<1x16xf32> to vector<16xf32>
        %parallel_loop3A_194 = vector.shape_cast %parallel_loop3A_189 : vector<16xf32> to vector<1x16xf32>
        tpu.vector_store %arg14[%parallel_loop3A_190, %parallel_loop3A_191], %parallel_loop3A_194 {strides = array<i32>} : memref<128x64xf32, #tpu.memory_space<vmem>>, vector<1x16xf32>,
        %parallel_loop3A_195 = arith.index_cast %parallel_loop3A_164 : i32 to index
        %parallel_loop3A_196 = arith.constant 16 : index
        %parallel_loop3A_197 = tpu.vector_load %arg10[%parallel_loop3A_195, %parallel_loop3A_196] {strides = array<i32>} : memref<128x64xf32, #tpu.memory_space<vmem>>, vector<1x16xf32>,
        %parallel_loop3A_198 = vector.shape_cast %parallel_loop3A_197 : vector<1x16xf32> to vector<16xf32>
        %parallel_loop3A_199 = arith.mulf %parallel_loop3A_198, %parallel_loop3A_184 : vector<16xf32>
        %parallel_loop3A_200 = arith.index_cast %parallel_loop3A_164 : i32 to index
        %parallel_loop3A_201 = arith.constant 16 : index
        %parallel_loop3A_202 = tpu.vector_load %arg14[%parallel_loop3A_200, %parallel_loop3A_201] {strides = array<i32>} : memref<128x64xf32, #tpu.memory_space<vmem>>, vector<1x16xf32>,
        %parallel_loop3A_203 = vector.shape_cast %parallel_loop3A_202 : vector<1x16xf32> to vector<16xf32>
        %parallel_loop3A_204 = vector.shape_cast %parallel_loop3A_199 : vector<16xf32> to vector<1x16xf32>
        tpu.vector_store %arg14[%parallel_loop3A_200, %parallel_loop3A_201], %parallel_loop3A_204 {strides = array<i32>} : memref<128x64xf32, #tpu.memory_space<vmem>>, vector<1x16xf32>,
        %parallel_loop3A_205 = arith.index_cast %parallel_loop3A_164 : i32 to index
        %parallel_loop3A_206 = arith.constant 32 : index
        %parallel_loop3A_207 = tpu.vector_load %arg10[%parallel_loop3A_205, %parallel_loop3A_206] {strides = array<i32>} : memref<128x64xf32, #tpu.memory_space<vmem>>, vector<1x16xf32>,
        %parallel_loop3A_208 = vector.shape_cast %parallel_loop3A_207 : vector<1x16xf32> to vector<16xf32>
        %parallel_loop3A_209 = arith.mulf %parallel_loop3A_208, %parallel_loop3A_184 : vector<16xf32>
        %parallel_loop3A_210 = arith.index_cast %parallel_loop3A_164 : i32 to index
        %parallel_loop3A_211 = arith.constant 32 : index
        %parallel_loop3A_212 = tpu.vector_load %arg14[%parallel_loop3A_210, %parallel_loop3A_211] {strides = array<i32>} : memref<128x64xf32, #tpu.memory_space<vmem>>, vector<1x16xf32>,
        %parallel_loop3A_213 = vector.shape_cast %parallel_loop3A_212 : vector<1x16xf32> to vector<16xf32>
        %parallel_loop3A_214 = vector.shape_cast %parallel_loop3A_209 : vector<16xf32> to vector<1x16xf32>
        tpu.vector_store %arg14[%parallel_loop3A_210, %parallel_loop3A_211], %parallel_loop3A_214 {strides = array<i32>} : memref<128x64xf32, #tpu.memory_space<vmem>>, vector<1x16xf32>,
        %parallel_loop3A_215 = arith.index_cast %parallel_loop3A_164 : i32 to index
        %parallel_loop3A_216 = arith.constant 48 : index
        %parallel_loop3A_217 = tpu.vector_load %arg14[%parallel_loop3A_215, %parallel_loop3A_216] {strides = array<i32>} : memref<128x64xf32, #tpu.memory_space<vmem>>, vector<1x16xf32>,
        %parallel_loop3A_218 = vector.shape_cast %parallel_loop3A_217 : vector<1x16xf32> to vector<16xf32>
        %parallel_loop3A_219 = vector.shape_cast %parallel_loop3A_184 : vector<16xf32> to vector<1x16xf32>
        tpu.vector_store %arg14[%parallel_loop3A_215, %parallel_loop3A_216], %parallel_loop3A_219 {strides = array<i32>} : memref<128x64xf32, #tpu.memory_space<vmem>>, vector<1x16xf32>,
      } {sc.loop_unroll_factor = 4 : i64, sc.parallel_access}
      %add3A_120 = arith.addi %sub3A_36, %add3A_96 : i32
      %dma_start3A_121 = arith.constant 0 : i32
      %dma_start3A_122 = tpu.memref_slice %arg9[%add3A_120, %dma_start3A_121] : memref<89x128xi32, #tpu.memory_space<vmem>> -> memref<1x128xi32, #tpu.memory_space<vmem>>
      %dma_start3A_123 = tpu.memref_squeeze %dma_start3A_122 : memref<1x128xi32, #tpu.memory_space<vmem>> -> memref<128xi32, #tpu.memory_space<vmem>>
      %dma_start3A_124 = arith.constant 0 : i32
      %dma_start3A_125 = arith.constant 0 : i32
      %dma_start3A_126 = tpu.memref_slice %arg16[%dma_start3A_124, %dma_start3A_125] : memref<10240x64xf32, #tpu.memory_space<vmem_shared>> -> memref<10240x64xf32, #tpu.memory_space<vmem_shared>>
      tpu.enqueue_indirect_dma source(%arg14 : memref<128x64xf32, #tpu.memory_space<vmem>>) target(%dma_start3A_126 : memref<10240x64xf32, #tpu.memory_space<vmem_shared>>) offsets(%dma_start3A_123 : memref<128xi32, #tpu.memory_space<vmem>>) semaphore(%arg21 : memref<!tpu.dma_semaphore, #tpu.memory_space<semaphore_mem>>) {add = true}
      %add3A_127 = arith.constant 1 : i32
      %add3A_128 = arith.addi %add3A_94, %add3A_127 : i32
      %add3A_129 = arith.constant 1 : i32
      %add3A_130 = arith.addi %add3A_128, %add3A_129 : i32
      %lt3A_131 = arith.cmpi slt, %add3A_130, %select_n3A_15 : i32
      %convert_element_type3A_132 = arith.extui %lt3A_131 : i1 to i32
      %cond3A_133 = arith.constant 0 : i32
      %cond3A_134 = arith.cmpi ne, %convert_element_type3A_132, %cond3A_133 : i32
      scf.if %cond3A_134 {
        %add3A_164 = arith.constant 1 : i32
        %add3A_165 = arith.addi %add3A_128, %add3A_164 : i32
        %add3A_166 = arith.addi %sub3A_36, %add3A_165 : i32
        %dma_start3A_167 = arith.constant 0 : i32
        %dma_start3A_168 = tpu.memref_slice %arg8[%add3A_166, %dma_start3A_167] : memref<89x128xi32, #tpu.memory_space<vmem>> -> memref<1x128xi32, #tpu.memory_space<vmem>>
        %dma_start3A_169 = tpu.memref_squeeze %dma_start3A_168 : memref<1x128xi32, #tpu.memory_space<vmem>> -> memref<128xi32, #tpu.memory_space<vmem>>
        %dma_start3A_170 = arith.constant 0 : i32
        %dma_start3A_171 = arith.constant 0 : i32
        %dma_start3A_172 = tpu.memref_slice %arg2[%dma_start3A_170, %dma_start3A_171] : memref<10240x64xf32, #tpu.memory_space<hbm>> -> memref<10240x64xf32, #tpu.memory_space<hbm>>
        tpu.enqueue_indirect_dma source(%dma_start3A_172 : memref<10240x64xf32, #tpu.memory_space<hbm>>) target(%arg10 : memref<128x64xf32, #tpu.memory_space<vmem>>) offsets(%dma_start3A_169 : memref<128xi32, #tpu.memory_space<vmem>>) semaphore(%arg17 : memref<!tpu.dma_semaphore, #tpu.memory_space<semaphore_mem>>)
        %add3A_173 = arith.addi %sub3A_36, %add3A_165 : i32
        %dma_start3A_174 = arith.constant 0 : i32
        %dma_start3A_175 = tpu.memref_slice %arg9[%add3A_173, %dma_start3A_174] : memref<89x128xi32, #tpu.memory_space<vmem>> -> memref<1x128xi32, #tpu.memory_space<vmem>>
        %dma_start3A_176 = tpu.memref_squeeze %dma_start3A_175 : memref<1x128xi32, #tpu.memory_space<vmem>> -> memref<128xi32, #tpu.memory_space<vmem>>
        %dma_start3A_177 = arith.constant 0 : i32
        %dma_start3A_178 = arith.constant 0 : i32
        %dma_start3A_179 = tpu.memref_slice %arg3[%dma_start3A_177, %dma_start3A_178] : memref<10240x16xf32, #tpu.memory_space<hbm>> -> memref<10240x16xf32, #tpu.memory_space<hbm>>
        tpu.enqueue_indirect_dma source(%dma_start3A_179 : memref<10240x16xf32, #tpu.memory_space<hbm>>) target(%arg12 : memref<128x16xf32, #tpu.memory_space<vmem>>) offsets(%dma_start3A_176 : memref<128xi32, #tpu.memory_space<vmem>>) semaphore(%arg19 : memref<!tpu.dma_semaphore, #tpu.memory_space<semaphore_mem>>)
      } else {
      }
      %add3A_135 = arith.addi %sub3A_36, %add3A_128 : i32
      %dma_wait3A_136 = arith.constant 0 : i32
      %dma_wait3A_137 = tpu.memref_slice %arg8[%add3A_135, %dma_wait3A_136] : memref<89x128xi32, #tpu.memory_space<vmem>> -> memref<1x128xi32, #tpu.memory_space<vmem>>
      %dma_wait3A_138 = tpu.memref_squeeze %dma_wait3A_137 : memref<1x128xi32, #tpu.memory_space<vmem>> -> memref<128xi32, #tpu.memory_space<vmem>>
      %dma_wait3A_139 = arith.constant 0 : i32
      %dma_wait3A_140 = arith.constant 0 : i32
      %dma_wait3A_141 = tpu.memref_slice %arg2[%dma_wait3A_139, %dma_wait3A_140] : memref<10240x64xf32, #tpu.memory_space<hbm>> -> memref<10240x64xf32, #tpu.memory_space<hbm>>
      tpu.wait_indirect_dma semaphore(%arg18 : memref<!tpu.dma_semaphore, #tpu.memory_space<semaphore_mem>>) src(%dma_wait3A_141 : memref<10240x64xf32, #tpu.memory_space<hbm>>) dst(%arg11 : memref<128x64xf32, #tpu.memory_space<vmem>>)
      %add3A_142 = arith.addi %sub3A_36, %add3A_128 : i32
      %dma_wait3A_143 = arith.constant 0 : i32
      %dma_wait3A_144 = tpu.memref_slice %arg9[%add3A_142, %dma_wait3A_143] : memref<89x128xi32, #tpu.memory_space<vmem>> -> memref<1x128xi32, #tpu.memory_space<vmem>>
      %dma_wait3A_145 = tpu.memref_squeeze %dma_wait3A_144 : memref<1x128xi32, #tpu.memory_space<vmem>> -> memref<128xi32, #tpu.memory_space<vmem>>
      %dma_wait3A_146 = arith.constant 0 : i32
      %dma_wait3A_147 = arith.constant 0 : i32
      %dma_wait3A_148 = tpu.memref_slice %arg3[%dma_wait3A_146, %dma_wait3A_147] : memref<10240x16xf32, #tpu.memory_space<hbm>> -> memref<10240x16xf32, #tpu.memory_space<hbm>>
      tpu.wait_indirect_dma semaphore(%arg20 : memref<!tpu.dma_semaphore, #tpu.memory_space<semaphore_mem>>) src(%dma_wait3A_148 : memref<10240x16xf32, #tpu.memory_space<hbm>>) dst(%arg13 : memref<128x16xf32, #tpu.memory_space<vmem>>)
      %ge3A_149 = arith.constant 2 : i32
      %ge3A_150 = arith.cmpi sge, %add3A_128, %ge3A_149 : i32
      %convert_element_type3A_151 = arith.extui %ge3A_150 : i1 to i32
      %cond3A_152 = arith.constant 0 : i32
      %cond3A_153 = arith.cmpi ne, %convert_element_type3A_151, %cond3A_152 : i32
      scf.if %cond3A_153 {
        %sub3A_164 = arith.constant 2 : i32
        %sub3A_165 = arith.subi %add3A_128, %sub3A_164 : i32
        %add3A_166 = arith.addi %sub3A_36, %sub3A_165 : i32
        %dma_wait3A_167 = arith.constant 0 : i32
        %dma_wait3A_168 = tpu.memref_slice %arg9[%add3A_166, %dma_wait3A_167] : memref<89x128xi32, #tpu.memory_space<vmem>> -> memref<1x128xi32, #tpu.memory_space<vmem>>
        %dma_wait3A_169 = tpu.memref_squeeze %dma_wait3A_168 : memref<1x128xi32, #tpu.memory_space<vmem>> -> memref<128xi32, #tpu.memory_space<vmem>>
        %dma_wait3A_170 = arith.constant 0 : i32
        %dma_wait3A_171 = arith.constant 0 : i32
        %dma_wait3A_172 = tpu.memref_slice %arg16[%dma_wait3A_170, %dma_wait3A_171] : memref<10240x64xf32, #tpu.memory_space<vmem_shared>> -> memref<10240x64xf32, #tpu.memory_space<vmem_shared>>
        tpu.wait_indirect_dma semaphore(%arg22 : memref<!tpu.dma_semaphore, #tpu.memory_space<semaphore_mem>>) src(%arg15 : memref<128x64xf32, #tpu.memory_space<vmem>>) dst(%dma_wait3A_172 : memref<10240x64xf32, #tpu.memory_space<vmem_shared>>)
      } else {
      }
      %parallel_loop3A_154 = arith.constant 0 : i32
      %parallel_loop3A_155 = arith.constant 128 : i32
      %parallel_loop3A_156 = arith.constant 1 : i32
      scf.for %parallel_loop3A_164 = %parallel_loop3A_154 to %parallel_loop3A_155 step %parallel_loop3A_156  : i32 {
        %parallel_loop3A_165 = arith.index_cast %parallel_loop3A_164 : i32 to index
        %parallel_loop3A_166 = arith.constant 48 : index
        %parallel_loop3A_167 = tpu.vector_load %arg11[%parallel_loop3A_165, %parallel_loop3A_166] {strides = array<i32>} : memref<128x64xf32, #tpu.memory_space<vmem>>, vector<1x16xf32>,
        %parallel_loop3A_168 = vector.shape_cast %parallel_loop3A_167 : vector<1x16xf32> to vector<16xf32>
        %parallel_loop3A_169 = arith.index_cast %parallel_loop3A_164 : i32 to index
        %parallel_loop3A_170 = arith.constant 0 : index
        %parallel_loop3A_171 = tpu.vector_load %arg13[%parallel_loop3A_169, %parallel_loop3A_170] {strides = array<i32>} : memref<128x16xf32, #tpu.memory_space<vmem>>, vector<1x16xf32>,
        %parallel_loop3A_172 = vector.shape_cast %parallel_loop3A_171 : vector<1x16xf32> to vector<16xf32>
        %parallel_loop3A_173 = arith.addf %parallel_loop3A_168, %parallel_loop3A_172 : vector<16xf32>
        %parallel_loop3A_174 = arith.constant 0.000000e+00 : f32
        %parallel_loop3A_175 = vector.broadcast %parallel_loop3A_174 : f32 to vector<16xf32>
        %parallel_loop3A_176 = arith.maximumf %parallel_loop3A_173, %parallel_loop3A_175 : vector<16xf32>
        %parallel_loop3A_177 = arith.constant 0.000000e+00 : f32
        %parallel_loop3A_178 = vector.broadcast %parallel_loop3A_177 : f32 to vector<16xf32>
        %parallel_loop3A_179 = arith.minimumf %parallel_loop3A_173, %parallel_loop3A_178 : vector<16xf32>
        %parallel_loop3A_180 = arith.constant 2.000000e-01 : f32
        %parallel_loop3A_181 = vector.broadcast %parallel_loop3A_180 : f32 to vector<16xf32>
        %parallel_loop3A_182 = arith.mulf %parallel_loop3A_181, %parallel_loop3A_179 : vector<16xf32>
        %parallel_loop3A_183 = arith.addf %parallel_loop3A_176, %parallel_loop3A_182 : vector<16xf32>
        %parallel_loop3A_184 = math.exp %parallel_loop3A_183 : vector<16xf32>
        %parallel_loop3A_185 = arith.index_cast %parallel_loop3A_164 : i32 to index
        %parallel_loop3A_186 = arith.constant 0 : index
        %parallel_loop3A_187 = tpu.vector_load %arg11[%parallel_loop3A_185, %parallel_loop3A_186] {strides = array<i32>} : memref<128x64xf32, #tpu.memory_space<vmem>>, vector<1x16xf32>,
        %parallel_loop3A_188 = vector.shape_cast %parallel_loop3A_187 : vector<1x16xf32> to vector<16xf32>
        %parallel_loop3A_189 = arith.mulf %parallel_loop3A_188, %parallel_loop3A_184 : vector<16xf32>
        %parallel_loop3A_190 = arith.index_cast %parallel_loop3A_164 : i32 to index
        %parallel_loop3A_191 = arith.constant 0 : index
        %parallel_loop3A_192 = tpu.vector_load %arg15[%parallel_loop3A_190, %parallel_loop3A_191] {strides = array<i32>} : memref<128x64xf32, #tpu.memory_space<vmem>>, vector<1x16xf32>,
        %parallel_loop3A_193 = vector.shape_cast %parallel_loop3A_192 : vector<1x16xf32> to vector<16xf32>
        %parallel_loop3A_194 = vector.shape_cast %parallel_loop3A_189 : vector<16xf32> to vector<1x16xf32>
        tpu.vector_store %arg15[%parallel_loop3A_190, %parallel_loop3A_191], %parallel_loop3A_194 {strides = array<i32>} : memref<128x64xf32, #tpu.memory_space<vmem>>, vector<1x16xf32>,
        %parallel_loop3A_195 = arith.index_cast %parallel_loop3A_164 : i32 to index
        %parallel_loop3A_196 = arith.constant 16 : index
        %parallel_loop3A_197 = tpu.vector_load %arg11[%parallel_loop3A_195, %parallel_loop3A_196] {strides = array<i32>} : memref<128x64xf32, #tpu.memory_space<vmem>>, vector<1x16xf32>,
        %parallel_loop3A_198 = vector.shape_cast %parallel_loop3A_197 : vector<1x16xf32> to vector<16xf32>
        %parallel_loop3A_199 = arith.mulf %parallel_loop3A_198, %parallel_loop3A_184 : vector<16xf32>
        %parallel_loop3A_200 = arith.index_cast %parallel_loop3A_164 : i32 to index
        %parallel_loop3A_201 = arith.constant 16 : index
        %parallel_loop3A_202 = tpu.vector_load %arg15[%parallel_loop3A_200, %parallel_loop3A_201] {strides = array<i32>} : memref<128x64xf32, #tpu.memory_space<vmem>>, vector<1x16xf32>,
        %parallel_loop3A_203 = vector.shape_cast %parallel_loop3A_202 : vector<1x16xf32> to vector<16xf32>
        %parallel_loop3A_204 = vector.shape_cast %parallel_loop3A_199 : vector<16xf32> to vector<1x16xf32>
        tpu.vector_store %arg15[%parallel_loop3A_200, %parallel_loop3A_201], %parallel_loop3A_204 {strides = array<i32>} : memref<128x64xf32, #tpu.memory_space<vmem>>, vector<1x16xf32>,
        %parallel_loop3A_205 = arith.index_cast %parallel_loop3A_164 : i32 to index
        %parallel_loop3A_206 = arith.constant 32 : index
        %parallel_loop3A_207 = tpu.vector_load %arg11[%parallel_loop3A_205, %parallel_loop3A_206] {strides = array<i32>} : memref<128x64xf32, #tpu.memory_space<vmem>>, vector<1x16xf32>,
        %parallel_loop3A_208 = vector.shape_cast %parallel_loop3A_207 : vector<1x16xf32> to vector<16xf32>
        %parallel_loop3A_209 = arith.mulf %parallel_loop3A_208, %parallel_loop3A_184 : vector<16xf32>
        %parallel_loop3A_210 = arith.index_cast %parallel_loop3A_164 : i32 to index
        %parallel_loop3A_211 = arith.constant 32 : index
        %parallel_loop3A_212 = tpu.vector_load %arg15[%parallel_loop3A_210, %parallel_loop3A_211] {strides = array<i32>} : memref<128x64xf32, #tpu.memory_space<vmem>>, vector<1x16xf32>,
        %parallel_loop3A_213 = vector.shape_cast %parallel_loop3A_212 : vector<1x16xf32> to vector<16xf32>
        %parallel_loop3A_214 = vector.shape_cast %parallel_loop3A_209 : vector<16xf32> to vector<1x16xf32>
        tpu.vector_store %arg15[%parallel_loop3A_210, %parallel_loop3A_211], %parallel_loop3A_214 {strides = array<i32>} : memref<128x64xf32, #tpu.memory_space<vmem>>, vector<1x16xf32>,
        %parallel_loop3A_215 = arith.index_cast %parallel_loop3A_164 : i32 to index
        %parallel_loop3A_216 = arith.constant 48 : index
        %parallel_loop3A_217 = tpu.vector_load %arg15[%parallel_loop3A_215, %parallel_loop3A_216] {strides = array<i32>} : memref<128x64xf32, #tpu.memory_space<vmem>>, vector<1x16xf32>,
        %parallel_loop3A_218 = vector.shape_cast %parallel_loop3A_217 : vector<1x16xf32> to vector<16xf32>
        %parallel_loop3A_219 = vector.shape_cast %parallel_loop3A_184 : vector<16xf32> to vector<1x16xf32>
        tpu.vector_store %arg15[%parallel_loop3A_215, %parallel_loop3A_216], %parallel_loop3A_219 {strides = array<i32>} : memref<128x64xf32, #tpu.memory_space<vmem>>, vector<1x16xf32>,
      } {sc.loop_unroll_factor = 4 : i64, sc.parallel_access}
      %add3A_157 = arith.addi %sub3A_36, %add3A_128 : i32
      %dma_start3A_158 = arith.constant 0 : i32
      %dma_start3A_159 = tpu.memref_slice %arg9[%add3A_157, %dma_start3A_158] : memref<89x128xi32, #tpu.memory_space<vmem>> -> memref<1x128xi32, #tpu.memory_space<vmem>>
      %dma_start3A_160 = tpu.memref_squeeze %dma_start3A_159 : memref<1x128xi32, #tpu.memory_space<vmem>> -> memref<128xi32, #tpu.memory_space<vmem>>
      %dma_start3A_161 = arith.constant 0 : i32
      %dma_start3A_162 = arith.constant 0 : i32
      %dma_start3A_163 = tpu.memref_slice %arg16[%dma_start3A_161, %dma_start3A_162] : memref<10240x64xf32, #tpu.memory_space<vmem_shared>> -> memref<10240x64xf32, #tpu.memory_space<vmem_shared>>
      tpu.enqueue_indirect_dma source(%arg15 : memref<128x64xf32, #tpu.memory_space<vmem>>) target(%dma_start3A_163 : memref<10240x64xf32, #tpu.memory_space<vmem_shared>>) offsets(%dma_start3A_160 : memref<128xi32, #tpu.memory_space<vmem>>) semaphore(%arg22 : memref<!tpu.dma_semaphore, #tpu.memory_space<semaphore_mem>>) {add = true}
    }
    %while3A_69 = arith.constant 1 : i32
    scf.for %while3A_92 = %while3A_67 to %while3A_63 step %while3A_69  : i32 {
      %mul3A_93 = arith.muli %while3A_92, %while3A : i32
      %add3A_94 = arith.addi %while3A_60, %mul3A_93 : i32
      %add3A_95 = arith.constant 0 : i32
      %add3A_96 = arith.addi %add3A_94, %add3A_95 : i32
      %add3A_97 = arith.constant 1 : i32
      %add3A_98 = arith.addi %add3A_96, %add3A_97 : i32
      %lt3A = arith.cmpi slt, %add3A_98, %select_n3A_15 : i32
      %convert_element_type3A = arith.extui %lt3A : i1 to i32
      %cond3A = arith.constant 0 : i32
      %cond3A_99 = arith.cmpi ne, %convert_element_type3A, %cond3A : i32
      scf.if %cond3A_99 {
        %add3A_164 = arith.constant 1 : i32
        %add3A_165 = arith.addi %add3A_96, %add3A_164 : i32
        %add3A_166 = arith.addi %sub3A_36, %add3A_165 : i32
        %dma_start3A_167 = arith.constant 0 : i32
        %dma_start3A_168 = tpu.memref_slice %arg8[%add3A_166, %dma_start3A_167] : memref<89x128xi32, #tpu.memory_space<vmem>> -> memref<1x128xi32, #tpu.memory_space<vmem>>
        %dma_start3A_169 = tpu.memref_squeeze %dma_start3A_168 : memref<1x128xi32, #tpu.memory_space<vmem>> -> memref<128xi32, #tpu.memory_space<vmem>>
        %dma_start3A_170 = arith.constant 0 : i32
        %dma_start3A_171 = arith.constant 0 : i32
        %dma_start3A_172 = tpu.memref_slice %arg2[%dma_start3A_170, %dma_start3A_171] : memref<10240x64xf32, #tpu.memory_space<hbm>> -> memref<10240x64xf32, #tpu.memory_space<hbm>>
        tpu.enqueue_indirect_dma source(%dma_start3A_172 : memref<10240x64xf32, #tpu.memory_space<hbm>>) target(%arg11 : memref<128x64xf32, #tpu.memory_space<vmem>>) offsets(%dma_start3A_169 : memref<128xi32, #tpu.memory_space<vmem>>) semaphore(%arg18 : memref<!tpu.dma_semaphore, #tpu.memory_space<semaphore_mem>>)
        %add3A_173 = arith.addi %sub3A_36, %add3A_165 : i32
        %dma_start3A_174 = arith.constant 0 : i32
        %dma_start3A_175 = tpu.memref_slice %arg9[%add3A_173, %dma_start3A_174] : memref<89x128xi32, #tpu.memory_space<vmem>> -> memref<1x128xi32, #tpu.memory_space<vmem>>
        %dma_start3A_176 = tpu.memref_squeeze %dma_start3A_175 : memref<1x128xi32, #tpu.memory_space<vmem>> -> memref<128xi32, #tpu.memory_space<vmem>>
        %dma_start3A_177 = arith.constant 0 : i32
        %dma_start3A_178 = arith.constant 0 : i32
        %dma_start3A_179 = tpu.memref_slice %arg3[%dma_start3A_177, %dma_start3A_178] : memref<10240x16xf32, #tpu.memory_space<hbm>> -> memref<10240x16xf32, #tpu.memory_space<hbm>>
        tpu.enqueue_indirect_dma source(%dma_start3A_179 : memref<10240x16xf32, #tpu.memory_space<hbm>>) target(%arg13 : memref<128x16xf32, #tpu.memory_space<vmem>>) offsets(%dma_start3A_176 : memref<128xi32, #tpu.memory_space<vmem>>) semaphore(%arg20 : memref<!tpu.dma_semaphore, #tpu.memory_space<semaphore_mem>>)
      } else {
      }
      %add3A_100 = arith.addi %sub3A_36, %add3A_96 : i32
      %dma_wait3A_101 = arith.constant 0 : i32
      %dma_wait3A_102 = tpu.memref_slice %arg8[%add3A_100, %dma_wait3A_101] : memref<89x128xi32, #tpu.memory_space<vmem>> -> memref<1x128xi32, #tpu.memory_space<vmem>>
      %dma_wait3A_103 = tpu.memref_squeeze %dma_wait3A_102 : memref<1x128xi32, #tpu.memory_space<vmem>> -> memref<128xi32, #tpu.memory_space<vmem>>
      %dma_wait3A_104 = arith.constant 0 : i32
      %dma_wait3A_105 = arith.constant 0 : i32
      %dma_wait3A_106 = tpu.memref_slice %arg2[%dma_wait3A_104, %dma_wait3A_105] : memref<10240x64xf32, #tpu.memory_space<hbm>> -> memref<10240x64xf32, #tpu.memory_space<hbm>>
      tpu.wait_indirect_dma semaphore(%arg17 : memref<!tpu.dma_semaphore, #tpu.memory_space<semaphore_mem>>) src(%dma_wait3A_106 : memref<10240x64xf32, #tpu.memory_space<hbm>>) dst(%arg10 : memref<128x64xf32, #tpu.memory_space<vmem>>)
      %add3A_107 = arith.addi %sub3A_36, %add3A_96 : i32
      %dma_wait3A_108 = arith.constant 0 : i32
      %dma_wait3A_109 = tpu.memref_slice %arg9[%add3A_107, %dma_wait3A_108] : memref<89x128xi32, #tpu.memory_space<vmem>> -> memref<1x128xi32, #tpu.memory_space<vmem>>
      %dma_wait3A_110 = tpu.memref_squeeze %dma_wait3A_109 : memref<1x128xi32, #tpu.memory_space<vmem>> -> memref<128xi32, #tpu.memory_space<vmem>>
      %dma_wait3A_111 = arith.constant 0 : i32
      %dma_wait3A_112 = arith.constant 0 : i32
      %dma_wait3A_113 = tpu.memref_slice %arg3[%dma_wait3A_111, %dma_wait3A_112] : memref<10240x16xf32, #tpu.memory_space<hbm>> -> memref<10240x16xf32, #tpu.memory_space<hbm>>
      tpu.wait_indirect_dma semaphore(%arg19 : memref<!tpu.dma_semaphore, #tpu.memory_space<semaphore_mem>>) src(%dma_wait3A_113 : memref<10240x16xf32, #tpu.memory_space<hbm>>) dst(%arg12 : memref<128x16xf32, #tpu.memory_space<vmem>>)
      %ge3A = arith.constant 2 : i32
      %ge3A_114 = arith.cmpi sge, %add3A_96, %ge3A : i32
      %convert_element_type3A_115 = arith.extui %ge3A_114 : i1 to i32
      %cond3A_116 = arith.constant 0 : i32
      %cond3A_117 = arith.cmpi ne, %convert_element_type3A_115, %cond3A_116 : i32
      scf.if %cond3A_117 {
        %sub3A_164 = arith.constant 2 : i32
        %sub3A_165 = arith.subi %add3A_96, %sub3A_164 : i32
        %add3A_166 = arith.addi %sub3A_36, %sub3A_165 : i32
        %dma_wait3A_167 = arith.constant 0 : i32
        %dma_wait3A_168 = tpu.memref_slice %arg9[%add3A_166, %dma_wait3A_167] : memref<89x128xi32, #tpu.memory_space<vmem>> -> memref<1x128xi32, #tpu.memory_space<vmem>>
        %dma_wait3A_169 = tpu.memref_squeeze %dma_wait3A_168 : memref<1x128xi32, #tpu.memory_space<vmem>> -> memref<128xi32, #tpu.memory_space<vmem>>
        %dma_wait3A_170 = arith.constant 0 : i32
        %dma_wait3A_171 = arith.constant 0 : i32
        %dma_wait3A_172 = tpu.memref_slice %arg16[%dma_wait3A_170, %dma_wait3A_171] : memref<10240x64xf32, #tpu.memory_space<vmem_shared>> -> memref<10240x64xf32, #tpu.memory_space<vmem_shared>>
        tpu.wait_indirect_dma semaphore(%arg21 : memref<!tpu.dma_semaphore, #tpu.memory_space<semaphore_mem>>) src(%arg14 : memref<128x64xf32, #tpu.memory_space<vmem>>) dst(%dma_wait3A_172 : memref<10240x64xf32, #tpu.memory_space<vmem_shared>>)
      } else {
      }
      %parallel_loop3A = arith.constant 0 : i32
      %parallel_loop3A_118 = arith.constant 128 : i32
      %parallel_loop3A_119 = arith.constant 1 : i32
      scf.for %parallel_loop3A_164 = %parallel_loop3A to %parallel_loop3A_118 step %parallel_loop3A_119  : i32 {
        %parallel_loop3A_165 = arith.index_cast %parallel_loop3A_164 : i32 to index
        %parallel_loop3A_166 = arith.constant 48 : index
        %parallel_loop3A_167 = tpu.vector_load %arg10[%parallel_loop3A_165, %parallel_loop3A_166] {strides = array<i32>} : memref<128x64xf32, #tpu.memory_space<vmem>>, vector<1x16xf32>,
        %parallel_loop3A_168 = vector.shape_cast %parallel_loop3A_167 : vector<1x16xf32> to vector<16xf32>
        %parallel_loop3A_169 = arith.index_cast %parallel_loop3A_164 : i32 to index
        %parallel_loop3A_170 = arith.constant 0 : index
        %parallel_loop3A_171 = tpu.vector_load %arg12[%parallel_loop3A_169, %parallel_loop3A_170] {strides = array<i32>} : memref<128x16xf32, #tpu.memory_space<vmem>>, vector<1x16xf32>,
        %parallel_loop3A_172 = vector.shape_cast %parallel_loop3A_171 : vector<1x16xf32> to vector<16xf32>
        %parallel_loop3A_173 = arith.addf %parallel_loop3A_168, %parallel_loop3A_172 : vector<16xf32>
        %parallel_loop3A_174 = arith.constant 0.000000e+00 : f32
        %parallel_loop3A_175 = vector.broadcast %parallel_loop3A_174 : f32 to vector<16xf32>
        %parallel_loop3A_176 = arith.maximumf %parallel_loop3A_173, %parallel_loop3A_175 : vector<16xf32>
        %parallel_loop3A_177 = arith.constant 0.000000e+00 : f32
        %parallel_loop3A_178 = vector.broadcast %parallel_loop3A_177 : f32 to vector<16xf32>
        %parallel_loop3A_179 = arith.minimumf %parallel_loop3A_173, %parallel_loop3A_178 : vector<16xf32>
        %parallel_loop3A_180 = arith.constant 2.000000e-01 : f32
        %parallel_loop3A_181 = vector.broadcast %parallel_loop3A_180 : f32 to vector<16xf32>
        %parallel_loop3A_182 = arith.mulf %parallel_loop3A_181, %parallel_loop3A_179 : vector<16xf32>
        %parallel_loop3A_183 = arith.addf %parallel_loop3A_176, %parallel_loop3A_182 : vector<16xf32>
        %parallel_loop3A_184 = math.exp %parallel_loop3A_183 : vector<16xf32>
        %parallel_loop3A_185 = arith.index_cast %parallel_loop3A_164 : i32 to index
        %parallel_loop3A_186 = arith.constant 0 : index
        %parallel_loop3A_187 = tpu.vector_load %arg10[%parallel_loop3A_185, %parallel_loop3A_186] {strides = array<i32>} : memref<128x64xf32, #tpu.memory_space<vmem>>, vector<1x16xf32>,
        %parallel_loop3A_188 = vector.shape_cast %parallel_loop3A_187 : vector<1x16xf32> to vector<16xf32>
        %parallel_loop3A_189 = arith.mulf %parallel_loop3A_188, %parallel_loop3A_184 : vector<16xf32>
        %parallel_loop3A_190 = arith.index_cast %parallel_loop3A_164 : i32 to index
        %parallel_loop3A_191 = arith.constant 0 : index
        %parallel_loop3A_192 = tpu.vector_load %arg14[%parallel_loop3A_190, %parallel_loop3A_191] {strides = array<i32>} : memref<128x64xf32, #tpu.memory_space<vmem>>, vector<1x16xf32>,
        %parallel_loop3A_193 = vector.shape_cast %parallel_loop3A_192 : vector<1x16xf32> to vector<16xf32>
        %parallel_loop3A_194 = vector.shape_cast %parallel_loop3A_189 : vector<16xf32> to vector<1x16xf32>
        tpu.vector_store %arg14[%parallel_loop3A_190, %parallel_loop3A_191], %parallel_loop3A_194 {strides = array<i32>} : memref<128x64xf32, #tpu.memory_space<vmem>>, vector<1x16xf32>,
        %parallel_loop3A_195 = arith.index_cast %parallel_loop3A_164 : i32 to index
        %parallel_loop3A_196 = arith.constant 16 : index
        %parallel_loop3A_197 = tpu.vector_load %arg10[%parallel_loop3A_195, %parallel_loop3A_196] {strides = array<i32>} : memref<128x64xf32, #tpu.memory_space<vmem>>, vector<1x16xf32>,
        %parallel_loop3A_198 = vector.shape_cast %parallel_loop3A_197 : vector<1x16xf32> to vector<16xf32>
        %parallel_loop3A_199 = arith.mulf %parallel_loop3A_198, %parallel_loop3A_184 : vector<16xf32>
        %parallel_loop3A_200 = arith.index_cast %parallel_loop3A_164 : i32 to index
        %parallel_loop3A_201 = arith.constant 16 : index
        %parallel_loop3A_202 = tpu.vector_load %arg14[%parallel_loop3A_200, %parallel_loop3A_201] {strides = array<i32>} : memref<128x64xf32, #tpu.memory_space<vmem>>, vector<1x16xf32>,
        %parallel_loop3A_203 = vector.shape_cast %parallel_loop3A_202 : vector<1x16xf32> to vector<16xf32>
        %parallel_loop3A_204 = vector.shape_cast %parallel_loop3A_199 : vector<16xf32> to vector<1x16xf32>
        tpu.vector_store %arg14[%parallel_loop3A_200, %parallel_loop3A_201], %parallel_loop3A_204 {strides = array<i32>} : memref<128x64xf32, #tpu.memory_space<vmem>>, vector<1x16xf32>,
        %parallel_loop3A_205 = arith.index_cast %parallel_loop3A_164 : i32 to index
        %parallel_loop3A_206 = arith.constant 32 : index
        %parallel_loop3A_207 = tpu.vector_load %arg10[%parallel_loop3A_205, %parallel_loop3A_206] {strides = array<i32>} : memref<128x64xf32, #tpu.memory_space<vmem>>, vector<1x16xf32>,
        %parallel_loop3A_208 = vector.shape_cast %parallel_loop3A_207 : vector<1x16xf32> to vector<16xf32>
        %parallel_loop3A_209 = arith.mulf %parallel_loop3A_208, %parallel_loop3A_184 : vector<16xf32>
        %parallel_loop3A_210 = arith.index_cast %parallel_loop3A_164 : i32 to index
        %parallel_loop3A_211 = arith.constant 32 : index
        %parallel_loop3A_212 = tpu.vector_load %arg14[%parallel_loop3A_210, %parallel_loop3A_211] {strides = array<i32>} : memref<128x64xf32, #tpu.memory_space<vmem>>, vector<1x16xf32>,
        %parallel_loop3A_213 = vector.shape_cast %parallel_loop3A_212 : vector<1x16xf32> to vector<16xf32>
        %parallel_loop3A_214 = vector.shape_cast %parallel_loop3A_209 : vector<16xf32> to vector<1x16xf32>
        tpu.vector_store %arg14[%parallel_loop3A_210, %parallel_loop3A_211], %parallel_loop3A_214 {strides = array<i32>} : memref<128x64xf32, #tpu.memory_space<vmem>>, vector<1x16xf32>,
        %parallel_loop3A_215 = arith.index_cast %parallel_loop3A_164 : i32 to index
        %parallel_loop3A_216 = arith.constant 48 : index
        %parallel_loop3A_217 = tpu.vector_load %arg14[%parallel_loop3A_215, %parallel_loop3A_216] {strides = array<i32>} : memref<128x64xf32, #tpu.memory_space<vmem>>, vector<1x16xf32>,
        %parallel_loop3A_218 = vector.shape_cast %parallel_loop3A_217 : vector<1x16xf32> to vector<16xf32>
        %parallel_loop3A_219 = vector.shape_cast %parallel_loop3A_184 : vector<16xf32> to vector<1x16xf32>
        tpu.vector_store %arg14[%parallel_loop3A_215, %parallel_loop3A_216], %parallel_loop3A_219 {strides = array<i32>} : memref<128x64xf32, #tpu.memory_space<vmem>>, vector<1x16xf32>,
      } {sc.loop_unroll_factor = 4 : i64, sc.parallel_access}
      %add3A_120 = arith.addi %sub3A_36, %add3A_96 : i32
      %dma_start3A_121 = arith.constant 0 : i32
      %dma_start3A_122 = tpu.memref_slice %arg9[%add3A_120, %dma_start3A_121] : memref<89x128xi32, #tpu.memory_space<vmem>> -> memref<1x128xi32, #tpu.memory_space<vmem>>
      %dma_start3A_123 = tpu.memref_squeeze %dma_start3A_122 : memref<1x128xi32, #tpu.memory_space<vmem>> -> memref<128xi32, #tpu.memory_space<vmem>>
      %dma_start3A_124 = arith.constant 0 : i32
      %dma_start3A_125 = arith.constant 0 : i32
      %dma_start3A_126 = tpu.memref_slice %arg16[%dma_start3A_124, %dma_start3A_125] : memref<10240x64xf32, #tpu.memory_space<vmem_shared>> -> memref<10240x64xf32, #tpu.memory_space<vmem_shared>>
      tpu.enqueue_indirect_dma source(%arg14 : memref<128x64xf32, #tpu.memory_space<vmem>>) target(%dma_start3A_126 : memref<10240x64xf32, #tpu.memory_space<vmem_shared>>) offsets(%dma_start3A_123 : memref<128xi32, #tpu.memory_space<vmem>>) semaphore(%arg21 : memref<!tpu.dma_semaphore, #tpu.memory_space<semaphore_mem>>) {add = true}
      %add3A_127 = arith.constant 1 : i32
      %add3A_128 = arith.addi %add3A_94, %add3A_127 : i32
      %add3A_129 = arith.constant 1 : i32
      %add3A_130 = arith.addi %add3A_128, %add3A_129 : i32
      %lt3A_131 = arith.cmpi slt, %add3A_130, %select_n3A_15 : i32
      %convert_element_type3A_132 = arith.extui %lt3A_131 : i1 to i32
      %cond3A_133 = arith.constant 0 : i32
      %cond3A_134 = arith.cmpi ne, %convert_element_type3A_132, %cond3A_133 : i32
      scf.if %cond3A_134 {
        %add3A_164 = arith.constant 1 : i32
        %add3A_165 = arith.addi %add3A_128, %add3A_164 : i32
        %add3A_166 = arith.addi %sub3A_36, %add3A_165 : i32
        %dma_start3A_167 = arith.constant 0 : i32
        %dma_start3A_168 = tpu.memref_slice %arg8[%add3A_166, %dma_start3A_167] : memref<89x128xi32, #tpu.memory_space<vmem>> -> memref<1x128xi32, #tpu.memory_space<vmem>>
        %dma_start3A_169 = tpu.memref_squeeze %dma_start3A_168 : memref<1x128xi32, #tpu.memory_space<vmem>> -> memref<128xi32, #tpu.memory_space<vmem>>
        %dma_start3A_170 = arith.constant 0 : i32
        %dma_start3A_171 = arith.constant 0 : i32
        %dma_start3A_172 = tpu.memref_slice %arg2[%dma_start3A_170, %dma_start3A_171] : memref<10240x64xf32, #tpu.memory_space<hbm>> -> memref<10240x64xf32, #tpu.memory_space<hbm>>
        tpu.enqueue_indirect_dma source(%dma_start3A_172 : memref<10240x64xf32, #tpu.memory_space<hbm>>) target(%arg10 : memref<128x64xf32, #tpu.memory_space<vmem>>) offsets(%dma_start3A_169 : memref<128xi32, #tpu.memory_space<vmem>>) semaphore(%arg17 : memref<!tpu.dma_semaphore, #tpu.memory_space<semaphore_mem>>)
        %add3A_173 = arith.addi %sub3A_36, %add3A_165 : i32
        %dma_start3A_174 = arith.constant 0 : i32
        %dma_start3A_175 = tpu.memref_slice %arg9[%add3A_173, %dma_start3A_174] : memref<89x128xi32, #tpu.memory_space<vmem>> -> memref<1x128xi32, #tpu.memory_space<vmem>>
        %dma_start3A_176 = tpu.memref_squeeze %dma_start3A_175 : memref<1x128xi32, #tpu.memory_space<vmem>> -> memref<128xi32, #tpu.memory_space<vmem>>
        %dma_start3A_177 = arith.constant 0 : i32
        %dma_start3A_178 = arith.constant 0 : i32
        %dma_start3A_179 = tpu.memref_slice %arg3[%dma_start3A_177, %dma_start3A_178] : memref<10240x16xf32, #tpu.memory_space<hbm>> -> memref<10240x16xf32, #tpu.memory_space<hbm>>
        tpu.enqueue_indirect_dma source(%dma_start3A_179 : memref<10240x16xf32, #tpu.memory_space<hbm>>) target(%arg12 : memref<128x16xf32, #tpu.memory_space<vmem>>) offsets(%dma_start3A_176 : memref<128xi32, #tpu.memory_space<vmem>>) semaphore(%arg19 : memref<!tpu.dma_semaphore, #tpu.memory_space<semaphore_mem>>)
      } else {
      }
      %add3A_135 = arith.addi %sub3A_36, %add3A_128 : i32
      %dma_wait3A_136 = arith.constant 0 : i32
      %dma_wait3A_137 = tpu.memref_slice %arg8[%add3A_135, %dma_wait3A_136] : memref<89x128xi32, #tpu.memory_space<vmem>> -> memref<1x128xi32, #tpu.memory_space<vmem>>
      %dma_wait3A_138 = tpu.memref_squeeze %dma_wait3A_137 : memref<1x128xi32, #tpu.memory_space<vmem>> -> memref<128xi32, #tpu.memory_space<vmem>>
      %dma_wait3A_139 = arith.constant 0 : i32
      %dma_wait3A_140 = arith.constant 0 : i32
      %dma_wait3A_141 = tpu.memref_slice %arg2[%dma_wait3A_139, %dma_wait3A_140] : memref<10240x64xf32, #tpu.memory_space<hbm>> -> memref<10240x64xf32, #tpu.memory_space<hbm>>
      tpu.wait_indirect_dma semaphore(%arg18 : memref<!tpu.dma_semaphore, #tpu.memory_space<semaphore_mem>>) src(%dma_wait3A_141 : memref<10240x64xf32, #tpu.memory_space<hbm>>) dst(%arg11 : memref<128x64xf32, #tpu.memory_space<vmem>>)
      %add3A_142 = arith.addi %sub3A_36, %add3A_128 : i32
      %dma_wait3A_143 = arith.constant 0 : i32
      %dma_wait3A_144 = tpu.memref_slice %arg9[%add3A_142, %dma_wait3A_143] : memref<89x128xi32, #tpu.memory_space<vmem>> -> memref<1x128xi32, #tpu.memory_space<vmem>>
      %dma_wait3A_145 = tpu.memref_squeeze %dma_wait3A_144 : memref<1x128xi32, #tpu.memory_space<vmem>> -> memref<128xi32, #tpu.memory_space<vmem>>
      %dma_wait3A_146 = arith.constant 0 : i32
      %dma_wait3A_147 = arith.constant 0 : i32
      %dma_wait3A_148 = tpu.memref_slice %arg3[%dma_wait3A_146, %dma_wait3A_147] : memref<10240x16xf32, #tpu.memory_space<hbm>> -> memref<10240x16xf32, #tpu.memory_space<hbm>>
      tpu.wait_indirect_dma semaphore(%arg20 : memref<!tpu.dma_semaphore, #tpu.memory_space<semaphore_mem>>) src(%dma_wait3A_148 : memref<10240x16xf32, #tpu.memory_space<hbm>>) dst(%arg13 : memref<128x16xf32, #tpu.memory_space<vmem>>)
      %ge3A_149 = arith.constant 2 : i32
      %ge3A_150 = arith.cmpi sge, %add3A_128, %ge3A_149 : i32
      %convert_element_type3A_151 = arith.extui %ge3A_150 : i1 to i32
      %cond3A_152 = arith.constant 0 : i32
      %cond3A_153 = arith.cmpi ne, %convert_element_type3A_151, %cond3A_152 : i32
      scf.if %cond3A_153 {
        %sub3A_164 = arith.constant 2 : i32
        %sub3A_165 = arith.subi %add3A_128, %sub3A_164 : i32
        %add3A_166 = arith.addi %sub3A_36, %sub3A_165 : i32
        %dma_wait3A_167 = arith.constant 0 : i32
        %dma_wait3A_168 = tpu.memref_slice %arg9[%add3A_166, %dma_wait3A_167] : memref<89x128xi32, #tpu.memory_space<vmem>> -> memref<1x128xi32, #tpu.memory_space<vmem>>
        %dma_wait3A_169 = tpu.memref_squeeze %dma_wait3A_168 : memref<1x128xi32, #tpu.memory_space<vmem>> -> memref<128xi32, #tpu.memory_space<vmem>>
        %dma_wait3A_170 = arith.constant 0 : i32
        %dma_wait3A_171 = arith.constant 0 : i32
        %dma_wait3A_172 = tpu.memref_slice %arg16[%dma_wait3A_170, %dma_wait3A_171] : memref<10240x64xf32, #tpu.memory_space<vmem_shared>> -> memref<10240x64xf32, #tpu.memory_space<vmem_shared>>
        tpu.wait_indirect_dma semaphore(%arg22 : memref<!tpu.dma_semaphore, #tpu.memory_space<semaphore_mem>>) src(%arg15 : memref<128x64xf32, #tpu.memory_space<vmem>>) dst(%dma_wait3A_172 : memref<10240x64xf32, #tpu.memory_space<vmem_shared>>)
      } else {
      }
      %parallel_loop3A_154 = arith.constant 0 : i32
      %parallel_loop3A_155 = arith.constant 128 : i32
      %parallel_loop3A_156 = arith.constant 1 : i32
      scf.for %parallel_loop3A_164 = %parallel_loop3A_154 to %parallel_loop3A_155 step %parallel_loop3A_156  : i32 {
        %parallel_loop3A_165 = arith.index_cast %parallel_loop3A_164 : i32 to index
        %parallel_loop3A_166 = arith.constant 48 : index
        %parallel_loop3A_167 = tpu.vector_load %arg11[%parallel_loop3A_165, %parallel_loop3A_166] {strides = array<i32>} : memref<128x64xf32, #tpu.memory_space<vmem>>, vector<1x16xf32>,
        %parallel_loop3A_168 = vector.shape_cast %parallel_loop3A_167 : vector<1x16xf32> to vector<16xf32>
        %parallel_loop3A_169 = arith.index_cast %parallel_loop3A_164 : i32 to index
        %parallel_loop3A_170 = arith.constant 0 : index
        %parallel_loop3A_171 = tpu.vector_load %arg13[%parallel_loop3A_169, %parallel_loop3A_170] {strides = array<i32>} : memref<128x16xf32, #tpu.memory_space<vmem>>, vector<1x16xf32>,
        %parallel_loop3A_172 = vector.shape_cast %parallel_loop3A_171 : vector<1x16xf32> to vector<16xf32>
        %parallel_loop3A_173 = arith.addf %parallel_loop3A_168, %parallel_loop3A_172 : vector<16xf32>
        %parallel_loop3A_174 = arith.constant 0.000000e+00 : f32
        %parallel_loop3A_175 = vector.broadcast %parallel_loop3A_174 : f32 to vector<16xf32>
        %parallel_loop3A_176 = arith.maximumf %parallel_loop3A_173, %parallel_loop3A_175 : vector<16xf32>
        %parallel_loop3A_177 = arith.constant 0.000000e+00 : f32
        %parallel_loop3A_178 = vector.broadcast %parallel_loop3A_177 : f32 to vector<16xf32>
        %parallel_loop3A_179 = arith.minimumf %parallel_loop3A_173, %parallel_loop3A_178 : vector<16xf32>
        %parallel_loop3A_180 = arith.constant 2.000000e-01 : f32
        %parallel_loop3A_181 = vector.broadcast %parallel_loop3A_180 : f32 to vector<16xf32>
        %parallel_loop3A_182 = arith.mulf %parallel_loop3A_181, %parallel_loop3A_179 : vector<16xf32>
        %parallel_loop3A_183 = arith.addf %parallel_loop3A_176, %parallel_loop3A_182 : vector<16xf32>
        %parallel_loop3A_184 = math.exp %parallel_loop3A_183 : vector<16xf32>
        %parallel_loop3A_185 = arith.index_cast %parallel_loop3A_164 : i32 to index
        %parallel_loop3A_186 = arith.constant 0 : index
        %parallel_loop3A_187 = tpu.vector_load %arg11[%parallel_loop3A_185, %parallel_loop3A_186] {strides = array<i32>} : memref<128x64xf32, #tpu.memory_space<vmem>>, vector<1x16xf32>,
        %parallel_loop3A_188 = vector.shape_cast %parallel_loop3A_187 : vector<1x16xf32> to vector<16xf32>
        %parallel_loop3A_189 = arith.mulf %parallel_loop3A_188, %parallel_loop3A_184 : vector<16xf32>
        %parallel_loop3A_190 = arith.index_cast %parallel_loop3A_164 : i32 to index
        %parallel_loop3A_191 = arith.constant 0 : index
        %parallel_loop3A_192 = tpu.vector_load %arg15[%parallel_loop3A_190, %parallel_loop3A_191] {strides = array<i32>} : memref<128x64xf32, #tpu.memory_space<vmem>>, vector<1x16xf32>,
        %parallel_loop3A_193 = vector.shape_cast %parallel_loop3A_192 : vector<1x16xf32> to vector<16xf32>
        %parallel_loop3A_194 = vector.shape_cast %parallel_loop3A_189 : vector<16xf32> to vector<1x16xf32>
        tpu.vector_store %arg15[%parallel_loop3A_190, %parallel_loop3A_191], %parallel_loop3A_194 {strides = array<i32>} : memref<128x64xf32, #tpu.memory_space<vmem>>, vector<1x16xf32>,
        %parallel_loop3A_195 = arith.index_cast %parallel_loop3A_164 : i32 to index
        %parallel_loop3A_196 = arith.constant 16 : index
        %parallel_loop3A_197 = tpu.vector_load %arg11[%parallel_loop3A_195, %parallel_loop3A_196] {strides = array<i32>} : memref<128x64xf32, #tpu.memory_space<vmem>>, vector<1x16xf32>,
        %parallel_loop3A_198 = vector.shape_cast %parallel_loop3A_197 : vector<1x16xf32> to vector<16xf32>
        %parallel_loop3A_199 = arith.mulf %parallel_loop3A_198, %parallel_loop3A_184 : vector<16xf32>
        %parallel_loop3A_200 = arith.index_cast %parallel_loop3A_164 : i32 to index
        %parallel_loop3A_201 = arith.constant 16 : index
        %parallel_loop3A_202 = tpu.vector_load %arg15[%parallel_loop3A_200, %parallel_loop3A_201] {strides = array<i32>} : memref<128x64xf32, #tpu.memory_space<vmem>>, vector<1x16xf32>,
        %parallel_loop3A_203 = vector.shape_cast %parallel_loop3A_202 : vector<1x16xf32> to vector<16xf32>
        %parallel_loop3A_204 = vector.shape_cast %parallel_loop3A_199 : vector<16xf32> to vector<1x16xf32>
        tpu.vector_store %arg15[%parallel_loop3A_200, %parallel_loop3A_201], %parallel_loop3A_204 {strides = array<i32>} : memref<128x64xf32, #tpu.memory_space<vmem>>, vector<1x16xf32>,
        %parallel_loop3A_205 = arith.index_cast %parallel_loop3A_164 : i32 to index
        %parallel_loop3A_206 = arith.constant 32 : index
        %parallel_loop3A_207 = tpu.vector_load %arg11[%parallel_loop3A_205, %parallel_loop3A_206] {strides = array<i32>} : memref<128x64xf32, #tpu.memory_space<vmem>>, vector<1x16xf32>,
        %parallel_loop3A_208 = vector.shape_cast %parallel_loop3A_207 : vector<1x16xf32> to vector<16xf32>
        %parallel_loop3A_209 = arith.mulf %parallel_loop3A_208, %parallel_loop3A_184 : vector<16xf32>
        %parallel_loop3A_210 = arith.index_cast %parallel_loop3A_164 : i32 to index
        %parallel_loop3A_211 = arith.constant 32 : index
        %parallel_loop3A_212 = tpu.vector_load %arg15[%parallel_loop3A_210, %parallel_loop3A_211] {strides = array<i32>} : memref<128x64xf32, #tpu.memory_space<vmem>>, vector<1x16xf32>,
        %parallel_loop3A_213 = vector.shape_cast %parallel_loop3A_212 : vector<1x16xf32> to vector<16xf32>
        %parallel_loop3A_214 = vector.shape_cast %parallel_loop3A_209 : vector<16xf32> to vector<1x16xf32>
        tpu.vector_store %arg15[%parallel_loop3A_210, %parallel_loop3A_211], %parallel_loop3A_214 {strides = array<i32>} : memref<128x64xf32, #tpu.memory_space<vmem>>, vector<1x16xf32>,
        %parallel_loop3A_215 = arith.index_cast %parallel_loop3A_164 : i32 to index
        %parallel_loop3A_216 = arith.constant 48 : index
        %parallel_loop3A_217 = tpu.vector_load %arg15[%parallel_loop3A_215, %parallel_loop3A_216] {strides = array<i32>} : memref<128x64xf32, #tpu.memory_space<vmem>>, vector<1x16xf32>,
        %parallel_loop3A_218 = vector.shape_cast %parallel_loop3A_217 : vector<1x16xf32> to vector<16xf32>
        %parallel_loop3A_219 = vector.shape_cast %parallel_loop3A_184 : vector<16xf32> to vector<1x16xf32>
        tpu.vector_store %arg15[%parallel_loop3A_215, %parallel_loop3A_216], %parallel_loop3A_219 {strides = array<i32>} : memref<128x64xf32, #tpu.memory_space<vmem>>, vector<1x16xf32>,
      } {sc.loop_unroll_factor = 4 : i64, sc.parallel_access}
      %add3A_157 = arith.addi %sub3A_36, %add3A_128 : i32
      %dma_start3A_158 = arith.constant 0 : i32
      %dma_start3A_159 = tpu.memref_slice %arg9[%add3A_157, %dma_start3A_158] : memref<89x128xi32, #tpu.memory_space<vmem>> -> memref<1x128xi32, #tpu.memory_space<vmem>>
      %dma_start3A_160 = tpu.memref_squeeze %dma_start3A_159 : memref<1x128xi32, #tpu.memory_space<vmem>> -> memref<128xi32, #tpu.memory_space<vmem>>
      %dma_start3A_161 = arith.constant 0 : i32
      %dma_start3A_162 = arith.constant 0 : i32
      %dma_start3A_163 = tpu.memref_slice %arg16[%dma_start3A_161, %dma_start3A_162] : memref<10240x64xf32, #tpu.memory_space<vmem_shared>> -> memref<10240x64xf32, #tpu.memory_space<vmem_shared>>
      tpu.enqueue_indirect_dma source(%arg15 : memref<128x64xf32, #tpu.memory_space<vmem>>) target(%dma_start3A_163 : memref<10240x64xf32, #tpu.memory_space<vmem_shared>>) offsets(%dma_start3A_160 : memref<128xi32, #tpu.memory_space<vmem>>) semaphore(%arg22 : memref<!tpu.dma_semaphore, #tpu.memory_space<semaphore_mem>>) {add = true}
    }
    %sub3A_70 = arith.constant 2 : i32
    %sub3A_71 = arith.subi %select_n3A_15, %sub3A_70 : i32
    %add3A_72 = arith.addi %sub3A_36, %sub3A_71 : i32
    %dma_wait3A = arith.constant 0 : i32
    %dma_wait3A_73 = tpu.memref_slice %arg9[%add3A_72, %dma_wait3A] : memref<89x128xi32, #tpu.memory_space<vmem>> -> memref<1x128xi32, #tpu.memory_space<vmem>>
    %dma_wait3A_74 = tpu.memref_squeeze %dma_wait3A_73 : memref<1x128xi32, #tpu.memory_space<vmem>> -> memref<128xi32, #tpu.memory_space<vmem>>
    %dma_wait3A_75 = arith.constant 0 : i32
    %dma_wait3A_76 = arith.constant 0 : i32
    %dma_wait3A_77 = tpu.memref_slice %arg16[%dma_wait3A_75, %dma_wait3A_76] : memref<10240x64xf32, #tpu.memory_space<vmem_shared>> -> memref<10240x64xf32, #tpu.memory_space<vmem_shared>>
    tpu.wait_indirect_dma semaphore(%arg21 : memref<!tpu.dma_semaphore, #tpu.memory_space<semaphore_mem>>) src(%arg14 : memref<128x64xf32, #tpu.memory_space<vmem>>) dst(%dma_wait3A_77 : memref<10240x64xf32, #tpu.memory_space<vmem_shared>>)
    %sub3A_78 = arith.constant 1 : i32
    %sub3A_79 = arith.subi %select_n3A_15, %sub3A_78 : i32
    %add3A_80 = arith.addi %sub3A_36, %sub3A_79 : i32
    %dma_wait3A_81 = arith.constant 0 : i32
    %dma_wait3A_82 = tpu.memref_slice %arg9[%add3A_80, %dma_wait3A_81] : memref<89x128xi32, #tpu.memory_space<vmem>> -> memref<1x128xi32, #tpu.memory_space<vmem>>
    %dma_wait3A_83 = tpu.memref_squeeze %dma_wait3A_82 : memref<1x128xi32, #tpu.memory_space<vmem>> -> memref<128xi32, #tpu.memory_space<vmem>>
    %dma_wait3A_84 = arith.constant 0 : i32
    %dma_wait3A_85 = arith.constant 0 : i32
    %dma_wait3A_86 = tpu.memref_slice %arg16[%dma_wait3A_84, %dma_wait3A_85] : memref<10240x64xf32, #tpu.memory_space<vmem_shared>> -> memref<10240x64xf32, #tpu.memory_space<vmem_shared>>
    tpu.wait_indirect_dma semaphore(%arg22 : memref<!tpu.dma_semaphore, #tpu.memory_space<semaphore_mem>>) src(%arg15 : memref<128x64xf32, #tpu.memory_space<vmem>>) dst(%dma_wait3A_86 : memref<10240x64xf32, #tpu.memory_space<vmem_shared>>)
    %barrier3A_87 = arith.constant 0 : index
    tpu.barrier barrier_id(%barrier3A_87)
    %mul3A_88 = arith.constant 640 : i32
    %mul3A_89 = arith.muli %arg1, %mul3A_88 : i32
    %mul3A_90 = arith.constant 640 : i32
    %mul3A_91 = arith.muli %arg1, %mul3A_90 : i32
    "tpu.region"() ({
      %run_scoped3A = tpu.sem_alloc : memref<!tpu.dma_semaphore, #tpu.memory_space<semaphore_mem>>
      %dma_start3A_92 = arith.constant 0 : i32
      %dma_start3A_93 = arith.constant 0 : i32
      %dma_start3A_94 = tpu.memref_slice %arg7[%arg0, %dma_start3A_92, %dma_start3A_93] : memref<2x10240x64xf32, #tpu.memory_space<hbm>> -> memref<1x10240x64xf32, #tpu.memory_space<hbm>>
      %dma_start3A_95 = tpu.memref_squeeze %dma_start3A_94 : memref<1x10240x64xf32, #tpu.memory_space<hbm>> -> memref<10240x64xf32, #tpu.memory_space<hbm>>
      %dma_start3A_96 = arith.constant 0 : i32
      %dma_start3A_97 = tpu.memref_slice %dma_start3A_95[%mul3A_91, %dma_start3A_96] : memref<10240x64xf32, #tpu.memory_space<hbm>> -> memref<640x64xf32, #tpu.memory_space<hbm>>
      %dma_start3A_98 = arith.constant 0 : i32
      %dma_start3A_99 = tpu.memref_slice %arg16[%mul3A_89, %dma_start3A_98] : memref<10240x64xf32, #tpu.memory_space<vmem_shared>> -> memref<640x64xf32, #tpu.memory_space<vmem_shared>>
      tpu.enqueue_dma source(%dma_start3A_99 : memref<640x64xf32, #tpu.memory_space<vmem_shared>>) target(%dma_start3A_97 : memref<640x64xf32, #tpu.memory_space<hbm>>) target_semaphore(%run_scoped3A : memref<!tpu.dma_semaphore, #tpu.memory_space<semaphore_mem>>)
      %dma_wait3A_100 = arith.constant 0 : i32
      %dma_wait3A_101 = arith.constant 0 : i32
      %dma_wait3A_102 = tpu.memref_slice %arg7[%arg0, %dma_wait3A_100, %dma_wait3A_101] : memref<2x10240x64xf32, #tpu.memory_space<hbm>> -> memref<1x10240x64xf32, #tpu.memory_space<hbm>>
      %dma_wait3A_103 = tpu.memref_squeeze %dma_wait3A_102 : memref<1x10240x64xf32, #tpu.memory_space<hbm>> -> memref<10240x64xf32, #tpu.memory_space<hbm>>
      %dma_wait3A_104 = arith.constant 0 : i32
      %dma_wait3A_105 = tpu.memref_slice %dma_wait3A_103[%mul3A_91, %dma_wait3A_104] : memref<10240x64xf32, #tpu.memory_space<hbm>> -> memref<640x64xf32, #tpu.memory_space<hbm>>
      %dma_wait3A_106 = arith.constant 0 : i32
      %dma_wait3A_107 = tpu.memref_slice %arg16[%mul3A_89, %dma_wait3A_106] : memref<10240x64xf32, #tpu.memory_space<vmem_shared>> -> memref<640x64xf32, #tpu.memory_space<vmem_shared>>
      tpu.wait_dma2 semaphore(%run_scoped3A : memref<!tpu.dma_semaphore, #tpu.memory_space<semaphore_mem>>) src(%dma_wait3A_107 : memref<640x64xf32, #tpu.memory_space<vmem_shared>>) dst(%dma_wait3A_105 : memref<640x64xf32, #tpu.memory_space<hbm>>)
      tpu.yield
    }) : () -> ()
    return
  }
}

module attributes {stable_mosaic.version = 14 : i64} {
  func.func @_tc_proj1(%arg0: i32, %arg1: memref<1280x128xf32, #tpu.memory_space<vmem>>, %arg2: memref<128x64xf32, #tpu.memory_space<vmem>>, %arg3: memref<64x64xf32, #tpu.memory_space<vmem>>, %arg4: memref<64x8xf32, #tpu.memory_space<vmem>>, %arg5: memref<64x8xf32, #tpu.memory_space<vmem>>, %arg6: memref<1280x80xf32, #tpu.memory_space<vmem>>, %arg7: memref<1280x16xf32, #tpu.memory_space<vmem>>) attributes {dimension_semantics = [#tpu.dimension_semantics<arbitrary>], iteration_bounds = array<i64: 8>, scalar_prefetch = 0 : i64, scratch_operands = 0 : i64, tpu.core_type = #tpu.core_type<tc>, window_params = [{transform_indices = @transform_0, window_bounds = array<i64: 1280, 128>}, {pipeline_mode = #tpu.pipeline_mode<synchronous>, transform_indices = @transform_1, window_bounds = array<i64: 128, 64>}, {pipeline_mode = #tpu.pipeline_mode<synchronous>, transform_indices = @transform_2, window_bounds = array<i64: 64, 64>}, {pipeline_mode = #tpu.pipeline_mode<synchronous>, transform_indices = @transform_3, window_bounds = array<i64: 64, 8>}, {pipeline_mode = #tpu.pipeline_mode<synchronous>, transform_indices = @transform_4, window_bounds = array<i64: 64, 8>}, {transform_indices = @transform_5, window_bounds = array<i64: 1280, 80>}, {transform_indices = @transform_6, window_bounds = array<i64: 1280, 16>}]} {
    %get3A = arith.constant 0 : index
    %get3A_0 = arith.constant 0 : index
    %get3A_1 = vector.load %arg1[%get3A, %get3A_0] : memref<1280x128xf32, #tpu.memory_space<vmem>>, vector<1280x128xf32>
    %get3A_2 = arith.constant 0 : index
    %get3A_3 = arith.constant 0 : index
    %get3A_4 = vector.load %arg2[%get3A_2, %get3A_3] : memref<128x64xf32, #tpu.memory_space<vmem>>, vector<128x64xf32>
    %dot_general3A = arith.constant dense<0.000000e+00> : vector<1280x64xf32>
    %dot_general3A_5 = tpu.matmul %get3A_1, %get3A_4, %dot_general3A {dimension_numbers = #tpu.dot_dimension_numbers<[1], [0], [0], [1], [0, 0, 1, 1], [], []>, transpose_lhs_hint = false} : vector<1280x128xf32>, vector<128x64xf32>, vector<1280x64xf32> -> vector<1280x64xf32>
    %get3A_6 = arith.constant 0 : index
    %get3A_7 = arith.constant 0 : index
    %get3A_8 = vector.load %arg3[%get3A_6, %get3A_7] : memref<64x64xf32, #tpu.memory_space<vmem>>, vector<64x64xf32>
    %dot_general3A_9 = arith.constant dense<0.000000e+00> : vector<1280x64xf32>
    %dot_general3A_10 = tpu.matmul %dot_general3A_5, %get3A_8, %dot_general3A_9 {dimension_numbers = #tpu.dot_dimension_numbers<[1], [0], [0], [1], [0, 0, 1, 1], [], []>, transpose_lhs_hint = false} : vector<1280x64xf32>, vector<64x64xf32>, vector<1280x64xf32> -> vector<1280x64xf32>
    %get3A_11 = arith.constant 0 : index
    %get3A_12 = arith.constant 0 : index
    %get3A_13 = vector.load %arg4[%get3A_11, %get3A_12] : memref<64x8xf32, #tpu.memory_space<vmem>>, vector<64x8xf32>
    %dot_general3A_14 = arith.constant dense<0.000000e+00> : vector<1280x8xf32>
    %dot_general3A_15 = tpu.matmul %dot_general3A_5, %get3A_13, %dot_general3A_14 {dimension_numbers = #tpu.dot_dimension_numbers<[1], [0], [0], [1], [0, 0, 1, 1], [], []>, transpose_lhs_hint = false} : vector<1280x64xf32>, vector<64x8xf32>, vector<1280x8xf32> -> vector<1280x8xf32>
    %get3A_16 = arith.constant 0 : index
    %get3A_17 = arith.constant 0 : index
    %get3A_18 = vector.load %arg5[%get3A_16, %get3A_17] : memref<64x8xf32, #tpu.memory_space<vmem>>, vector<64x8xf32>
    %dot_general3A_19 = arith.constant dense<0.000000e+00> : vector<1280x8xf32>
    %dot_general3A_20 = tpu.matmul %dot_general3A_5, %get3A_18, %dot_general3A_19 {dimension_numbers = #tpu.dot_dimension_numbers<[1], [0], [0], [1], [0, 0, 1, 1], [], []>, transpose_lhs_hint = false} : vector<1280x64xf32>, vector<64x8xf32>, vector<1280x8xf32> -> vector<1280x8xf32>
    %swap3A = arith.constant 0 : index
    %swap3A_21 = arith.constant 0 : index
    %swap3A_22 = vector.load %arg6[%swap3A, %swap3A_21] : memref<1280x80xf32, #tpu.memory_space<vmem>>, vector<1280x64xf32>
    tpu.vector_store %arg6[%swap3A, %swap3A_21], %dot_general3A_10 {strides = array<i32>} : memref<1280x80xf32, #tpu.memory_space<vmem>>, vector<1280x64xf32>,
    %swap3A_23 = arith.constant 0 : index
    %swap3A_24 = arith.constant 64 : index
    %swap3A_25 = vector.load %arg6[%swap3A_23, %swap3A_24] : memref<1280x80xf32, #tpu.memory_space<vmem>>, vector<1280x8xf32>
    tpu.vector_store %arg6[%swap3A_23, %swap3A_24], %dot_general3A_15 {strides = array<i32>} : memref<1280x80xf32, #tpu.memory_space<vmem>>, vector<1280x8xf32>,
    %swap3A_26 = arith.constant 0 : index
    %swap3A_27 = arith.constant 72 : index
    %swap3A_28 = vector.load %arg6[%swap3A_26, %swap3A_27] : memref<1280x80xf32, #tpu.memory_space<vmem>>, vector<1280x8xf32>
    tpu.vector_store %arg6[%swap3A_26, %swap3A_27], %dot_general3A_15 {strides = array<i32>} : memref<1280x80xf32, #tpu.memory_space<vmem>>, vector<1280x8xf32>,
    %swap3A_29 = arith.constant 0 : index
    %swap3A_30 = arith.constant 0 : index
    %swap3A_31 = vector.load %arg7[%swap3A_29, %swap3A_30] : memref<1280x16xf32, #tpu.memory_space<vmem>>, vector<1280x8xf32>
    tpu.vector_store %arg7[%swap3A_29, %swap3A_30], %dot_general3A_20 {strides = array<i32>} : memref<1280x16xf32, #tpu.memory_space<vmem>>, vector<1280x8xf32>,
    %swap3A_32 = arith.constant 0 : index
    %swap3A_33 = arith.constant 8 : index
    %swap3A_34 = vector.load %arg7[%swap3A_32, %swap3A_33] : memref<1280x16xf32, #tpu.memory_space<vmem>>, vector<1280x8xf32>
    tpu.vector_store %arg7[%swap3A_32, %swap3A_33], %dot_general3A_20 {strides = array<i32>} : memref<1280x16xf32, #tpu.memory_space<vmem>>, vector<1280x8xf32>,
    return
  }
  func.func @transform_0(%arg0: i32) -> (i32, i32) {
    %c0_i32 = arith.constant 0 : i32
    %c0_i32_0 = arith.constant 0 : i32
    return %arg0, %c0_i32 : i32, i32
  }
  func.func @transform_1(%arg0: i32) -> (i32, i32) {
    %c0_i32 = arith.constant 0 : i32
    %c0_i32_0 = arith.constant 0 : i32
    %c0_i32_1 = arith.constant 0 : i32
    return %c0_i32, %c0_i32_0 : i32, i32
  }
  func.func @transform_2(%arg0: i32) -> (i32, i32) {
    %c0_i32 = arith.constant 0 : i32
    %c0_i32_0 = arith.constant 0 : i32
    %c0_i32_1 = arith.constant 0 : i32
    return %c0_i32, %c0_i32_0 : i32, i32
  }
  func.func @transform_3(%arg0: i32) -> (i32, i32) {
    %c0_i32 = arith.constant 0 : i32
    %c0_i32_0 = arith.constant 0 : i32
    %c0_i32_1 = arith.constant 0 : i32
    return %c0_i32, %c0_i32_0 : i32, i32
  }
  func.func @transform_4(%arg0: i32) -> (i32, i32) {
    %c0_i32 = arith.constant 0 : i32
    %c0_i32_0 = arith.constant 0 : i32
    %c0_i32_1 = arith.constant 0 : i32
    return %c0_i32, %c0_i32_0 : i32, i32
  }
  func.func @transform_5(%arg0: i32) -> (i32, i32) {
    %c0_i32 = arith.constant 0 : i32
    %c0_i32_0 = arith.constant 0 : i32
    return %arg0, %c0_i32 : i32, i32
  }
  func.func @transform_6(%arg0: i32) -> (i32, i32) {
    %c0_i32 = arith.constant 0 : i32
    %c0_i32_0 = arith.constant 0 : i32
    return %arg0, %c0_i32 : i32, i32
  }
}

module attributes {stable_mosaic.version = 14 : i64} {
  func.func @_tc_mid(%arg0: i32, %arg1: memref<2x1280x80xf32, #tpu.memory_space<vmem>>, %arg2: memref<64x40xf32, #tpu.memory_space<vmem>>, %arg3: memref<40x1xf32, #tpu.memory_space<vmem>>, %arg4: memref<40x1xf32, #tpu.memory_space<vmem>>, %arg5: memref<1x64xf32, #tpu.memory_space<vmem>>, %arg6: memref<1280x64xf32, #tpu.memory_space<vmem>>, %arg7: memref<1280x16xf32, #tpu.memory_space<vmem>>) attributes {dimension_semantics = [#tpu.dimension_semantics<arbitrary>], iteration_bounds = array<i64: 8>, scalar_prefetch = 0 : i64, scratch_operands = 0 : i64, tpu.core_type = #tpu.core_type<tc>, window_params = [{transform_indices = @transform_0, window_bounds = array<i64: 2, 1280, 80>}, {pipeline_mode = #tpu.pipeline_mode<synchronous>, transform_indices = @transform_1, window_bounds = array<i64: 64, 40>}, {pipeline_mode = #tpu.pipeline_mode<synchronous>, transform_indices = @transform_2, window_bounds = array<i64: 40, 1>}, {pipeline_mode = #tpu.pipeline_mode<synchronous>, transform_indices = @transform_3, window_bounds = array<i64: 40, 1>}, {pipeline_mode = #tpu.pipeline_mode<synchronous>, transform_indices = @transform_4, window_bounds = array<i64: 1, 64>}, {transform_indices = @transform_5, window_bounds = array<i64: 1280, 64>}, {transform_indices = @transform_6, window_bounds = array<i64: 1280, 16>}]} {
    %get3A = arith.constant 0 : index
    %get3A_0 = arith.constant 0 : index
    %get3A_1 = arith.constant 0 : index
    %get3A_2 = vector.load %arg1[%get3A, %get3A_0, %get3A_1] : memref<2x1280x80xf32, #tpu.memory_space<vmem>>, vector<1x1280x80xf32>
    %get3A_3 = vector.shape_cast %get3A_2 : vector<1x1280x80xf32> to vector<1280x80xf32>
    %get3A_4 = arith.constant 1 : index
    %get3A_5 = arith.constant 0 : index
    %get3A_6 = arith.constant 0 : index
    %get3A_7 = vector.load %arg1[%get3A_4, %get3A_5, %get3A_6] : memref<2x1280x80xf32, #tpu.memory_space<vmem>>, vector<1x1280x80xf32>
    %get3A_8 = vector.shape_cast %get3A_7 : vector<1x1280x80xf32> to vector<1280x80xf32>
    %add3A = arith.addf %get3A_3, %get3A_8 : vector<1280x80xf32>
    %slice3A = vector.extract_strided_slice %add3A {offsets = [0, 64], sizes = [1280, 8], strides = [1, 1]} : vector<1280x80xf32> to vector<1280x8xf32>
    %tile3A = tpu.concatenate %slice3A, %slice3A, %slice3A, %slice3A, %slice3A, %slice3A, %slice3A, %slice3A in 1 : vector<1280x8xf32>, vector<1280x8xf32>, vector<1280x8xf32>, vector<1280x8xf32>, vector<1280x8xf32>, vector<1280x8xf32>, vector<1280x8xf32>, vector<1280x8xf32> -> vector<1280x64xf32>
    %add3A_9 = arith.constant 1.000000e-16 : f32
    %add3A_10 = vector.broadcast %add3A_9 : f32 to vector<1280x64xf32>
    %add3A_11 = arith.addf %tile3A, %add3A_10 : vector<1280x64xf32>
    %slice3A_12 = vector.extract_strided_slice %add3A {offsets = [0, 0], sizes = [1280, 64], strides = [1, 1]} : vector<1280x80xf32> to vector<1280x64xf32>
    %div3A = arith.divf %slice3A_12, %add3A_11 : vector<1280x64xf32>
    %get3A_13 = arith.constant 0 : index
    %get3A_14 = arith.constant 0 : index
    %get3A_15 = vector.load %arg5[%get3A_13, %get3A_14] : memref<1x64xf32, #tpu.memory_space<vmem>>, vector<1x64xf32>
    %add3A_16 = vector.broadcast %get3A_15 : vector<1x64xf32> to vector<1280x64xf32>
    %add3A_17 = arith.addf %div3A, %add3A_16 : vector<1280x64xf32>
    %max3A = arith.constant 0.000000e+00 : f32
    %max3A_18 = vector.broadcast %max3A : f32 to vector<1280x64xf32>
    %max3A_19 = arith.maximumf %add3A_17, %max3A_18 : vector<1280x64xf32>
    %get3A_20 = arith.constant 0 : index
    %get3A_21 = arith.constant 0 : index
    %get3A_22 = vector.load %arg2[%get3A_20, %get3A_21] : memref<64x40xf32, #tpu.memory_space<vmem>>, vector<64x40xf32>
    %dot_general3A = arith.constant dense<0.000000e+00> : vector<1280x40xf32>
    %dot_general3A_23 = tpu.matmul %max3A_19, %get3A_22, %dot_general3A {dimension_numbers = #tpu.dot_dimension_numbers<[1], [0], [0], [1], [0, 0, 1, 1], [], []>, transpose_lhs_hint = false} : vector<1280x64xf32>, vector<64x40xf32>, vector<1280x40xf32> -> vector<1280x40xf32>
    %get3A_24 = arith.constant 0 : index
    %get3A_25 = arith.constant 0 : index
    %get3A_26 = vector.load %arg3[%get3A_24, %get3A_25] : memref<40x1xf32, #tpu.memory_space<vmem>>, vector<40x1xf32>
    %dot_general3A_27 = arith.constant dense<0.000000e+00> : vector<1280x1xf32>
    %dot_general3A_28 = tpu.matmul %dot_general3A_23, %get3A_26, %dot_general3A_27 {dimension_numbers = #tpu.dot_dimension_numbers<[1], [0], [0], [1], [0, 0, 1, 1], [], []>, transpose_lhs_hint = false} : vector<1280x40xf32>, vector<40x1xf32>, vector<1280x1xf32> -> vector<1280x1xf32>
    %get3A_29 = arith.constant 0 : index
    %get3A_30 = arith.constant 0 : index
    %get3A_31 = vector.load %arg4[%get3A_29, %get3A_30] : memref<40x1xf32, #tpu.memory_space<vmem>>, vector<40x1xf32>
    %dot_general3A_32 = arith.constant dense<0.000000e+00> : vector<1280x1xf32>
    %dot_general3A_33 = tpu.matmul %dot_general3A_23, %get3A_31, %dot_general3A_32 {dimension_numbers = #tpu.dot_dimension_numbers<[1], [0], [0], [1], [0, 0, 1, 1], [], []>, transpose_lhs_hint = false} : vector<1280x40xf32>, vector<40x1xf32>, vector<1280x1xf32> -> vector<1280x1xf32>
    %swap3A = arith.constant 0 : index
    %swap3A_34 = arith.constant 0 : index
    %swap3A_35 = vector.load %arg6[%swap3A, %swap3A_34] : memref<1280x64xf32, #tpu.memory_space<vmem>>, vector<1280x40xf32>
    tpu.vector_store %arg6[%swap3A, %swap3A_34], %dot_general3A_23 {strides = array<i32>} : memref<1280x64xf32, #tpu.memory_space<vmem>>, vector<1280x40xf32>,
    %broadcast_in_dim3A = arith.constant 0.000000e+00 : f32
    %broadcast_in_dim3A_36 = vector.broadcast %broadcast_in_dim3A : f32 to vector<1280x8xf32>
    %swap3A_37 = arith.constant 0 : index
    %swap3A_38 = arith.constant 40 : index
    %swap3A_39 = vector.load %arg6[%swap3A_37, %swap3A_38] : memref<1280x64xf32, #tpu.memory_space<vmem>>, vector<1280x8xf32>
    tpu.vector_store %arg6[%swap3A_37, %swap3A_38], %broadcast_in_dim3A_36 {strides = array<i32>} : memref<1280x64xf32, #tpu.memory_space<vmem>>, vector<1280x8xf32>,
    %broadcast_in_dim3A_40 = vector.shape_cast %dot_general3A_28 : vector<1280x1xf32> to vector<1280x1xf32>
    %broadcast_in_dim3A_41 = vector.broadcast %broadcast_in_dim3A_40 : vector<1280x1xf32> to vector<1280x16xf32>
    %swap3A_42 = arith.constant 0 : index
    %swap3A_43 = arith.constant 48 : index
    %swap3A_44 = vector.load %arg6[%swap3A_42, %swap3A_43] : memref<1280x64xf32, #tpu.memory_space<vmem>>, vector<1280x16xf32>
    tpu.vector_store %arg6[%swap3A_42, %swap3A_43], %broadcast_in_dim3A_41 {strides = array<i32>} : memref<1280x64xf32, #tpu.memory_space<vmem>>, vector<1280x16xf32>,
    %broadcast_in_dim3A_45 = vector.shape_cast %dot_general3A_33 : vector<1280x1xf32> to vector<1280x1xf32>
    %broadcast_in_dim3A_46 = vector.broadcast %broadcast_in_dim3A_45 : vector<1280x1xf32> to vector<1280x16xf32>
    %swap3A_47 = arith.constant 0 : index
    %swap3A_48 = arith.constant 0 : index
    %swap3A_49 = vector.load %arg7[%swap3A_47, %swap3A_48] : memref<1280x16xf32, #tpu.memory_space<vmem>>, vector<1280x16xf32>
    tpu.vector_store %arg7[%swap3A_47, %swap3A_48], %broadcast_in_dim3A_46 {strides = array<i32>} : memref<1280x16xf32, #tpu.memory_space<vmem>>, vector<1280x16xf32>,
    return
  }
  func.func @transform_0(%arg0: i32) -> (i32, i32, i32) {
    %c0_i32 = arith.constant 0 : i32
    %c0_i32_0 = arith.constant 0 : i32
    %c0_i32_1 = arith.constant 0 : i32
    return %c0_i32, %arg0, %c0_i32_0 : i32, i32, i32
  }
  func.func @transform_1(%arg0: i32) -> (i32, i32) {
    %c0_i32 = arith.constant 0 : i32
    %c0_i32_0 = arith.constant 0 : i32
    %c0_i32_1 = arith.constant 0 : i32
    return %c0_i32, %c0_i32_0 : i32, i32
  }
  func.func @transform_2(%arg0: i32) -> (i32, i32) {
    %c0_i32 = arith.constant 0 : i32
    %c0_i32_0 = arith.constant 0 : i32
    %c0_i32_1 = arith.constant 0 : i32
    return %c0_i32, %c0_i32_0 : i32, i32
  }
  func.func @transform_3(%arg0: i32) -> (i32, i32) {
    %c0_i32 = arith.constant 0 : i32
    %c0_i32_0 = arith.constant 0 : i32
    %c0_i32_1 = arith.constant 0 : i32
    return %c0_i32, %c0_i32_0 : i32, i32
  }
  func.func @transform_4(%arg0: i32) -> (i32, i32) {
    %c0_i32 = arith.constant 0 : i32
    %c0_i32_0 = arith.constant 0 : i32
    %c0_i32_1 = arith.constant 0 : i32
    return %c0_i32, %c0_i32_0 : i32, i32
  }
  func.func @transform_5(%arg0: i32) -> (i32, i32) {
    %c0_i32 = arith.constant 0 : i32
    %c0_i32_0 = arith.constant 0 : i32
    return %arg0, %c0_i32 : i32, i32
  }
  func.func @transform_6(%arg0: i32) -> (i32, i32) {
    %c0_i32 = arith.constant 0 : i32
    %c0_i32_0 = arith.constant 0 : i32
    return %arg0, %c0_i32 : i32, i32
  }
}

module attributes {stable_mosaic.version = 14 : i64} {
  func.func @_tc_out(%arg0: i32, %arg1: memref<2x1280x64xf32, #tpu.memory_space<vmem>>, %arg2: memref<1x40xf32, #tpu.memory_space<vmem>>, %arg3: memref<1280x40xf32, #tpu.memory_space<vmem>>) attributes {dimension_semantics = [#tpu.dimension_semantics<arbitrary>], iteration_bounds = array<i64: 8>, scalar_prefetch = 0 : i64, scratch_operands = 0 : i64, tpu.core_type = #tpu.core_type<tc>, window_params = [{transform_indices = @transform_0, window_bounds = array<i64: 2, 1280, 64>}, {pipeline_mode = #tpu.pipeline_mode<synchronous>, transform_indices = @transform_1, window_bounds = array<i64: 1, 40>}, {transform_indices = @transform_2, window_bounds = array<i64: 1280, 40>}]} {
    %get3A = arith.constant 0 : index
    %get3A_0 = arith.constant 0 : index
    %get3A_1 = arith.constant 0 : index
    %get3A_2 = vector.load %arg1[%get3A, %get3A_0, %get3A_1] : memref<2x1280x64xf32, #tpu.memory_space<vmem>>, vector<1x1280x64xf32>
    %get3A_3 = vector.shape_cast %get3A_2 : vector<1x1280x64xf32> to vector<1280x64xf32>
    %get3A_4 = arith.constant 1 : index
    %get3A_5 = arith.constant 0 : index
    %get3A_6 = arith.constant 0 : index
    %get3A_7 = vector.load %arg1[%get3A_4, %get3A_5, %get3A_6] : memref<2x1280x64xf32, #tpu.memory_space<vmem>>, vector<1x1280x64xf32>
    %get3A_8 = vector.shape_cast %get3A_7 : vector<1x1280x64xf32> to vector<1280x64xf32>
    %add3A = arith.addf %get3A_3, %get3A_8 : vector<1280x64xf32>
    %slice3A = vector.extract_strided_slice %add3A {offsets = [0, 48], sizes = [1280, 1], strides = [1, 1]} : vector<1280x64xf32> to vector<1280x1xf32>
    %add3A_9 = arith.constant 1.000000e-16 : f32
    %add3A_10 = vector.broadcast %add3A_9 : f32 to vector<1280x1xf32>
    %add3A_11 = arith.addf %slice3A, %add3A_10 : vector<1280x1xf32>
    %slice3A_12 = vector.extract_strided_slice %add3A {offsets = [0, 0], sizes = [1280, 40], strides = [1, 1]} : vector<1280x64xf32> to vector<1280x40xf32>
    %div3A = vector.broadcast %add3A_11 : vector<1280x1xf32> to vector<1280x40xf32>
    %div3A_13 = arith.divf %slice3A_12, %div3A : vector<1280x40xf32>
    %get3A_14 = arith.constant 0 : index
    %get3A_15 = arith.constant 0 : index
    %get3A_16 = vector.load %arg2[%get3A_14, %get3A_15] : memref<1x40xf32, #tpu.memory_space<vmem>>, vector<1x40xf32>
    %add3A_17 = vector.broadcast %get3A_16 : vector<1x40xf32> to vector<1280x40xf32>
    %add3A_18 = arith.addf %div3A_13, %add3A_17 : vector<1280x40xf32>
    %reduce_max3A = arith.constant dense<0xFF800000> : vector<1280xf32>
    %reduce_max3A_19 = vector.multi_reduction <maximumf>, %add3A_18, %reduce_max3A [1] : vector<1280x40xf32> to vector<1280xf32>
    %broadcast_in_dim3A = vector.shape_cast %reduce_max3A_19 : vector<1280xf32> to vector<1280x1xf32>
    %sub3A = vector.broadcast %broadcast_in_dim3A : vector<1280x1xf32> to vector<1280x40xf32>
    %sub3A_20 = arith.subf %add3A_18, %sub3A : vector<1280x40xf32>
    %exp3A = math.exp %sub3A_20 : vector<1280x40xf32>
    %reduce_sum3A = arith.constant dense<0.000000e+00> : vector<1280xf32>
    %reduce_sum3A_21 = vector.multi_reduction <add>, %exp3A, %reduce_sum3A [1] : vector<1280x40xf32> to vector<1280xf32>
    %broadcast_in_dim3A_22 = vector.shape_cast %reduce_sum3A_21 : vector<1280xf32> to vector<1280x1xf32>
    %log3A = math.log %broadcast_in_dim3A_22 : vector<1280x1xf32>
    %sub3A_23 = vector.broadcast %broadcast_in_dim3A : vector<1280x1xf32> to vector<1280x40xf32>
    %sub3A_24 = arith.subf %add3A_18, %sub3A_23 : vector<1280x40xf32>
    %sub3A_25 = vector.broadcast %log3A : vector<1280x1xf32> to vector<1280x40xf32>
    %sub3A_26 = arith.subf %sub3A_24, %sub3A_25 : vector<1280x40xf32>
    %swap3A = arith.constant 0 : index
    %swap3A_27 = arith.constant 0 : index
    %swap3A_28 = vector.load %arg3[%swap3A, %swap3A_27] : memref<1280x40xf32, #tpu.memory_space<vmem>>, vector<1280x40xf32>
    tpu.vector_store %arg3[%swap3A, %swap3A_27], %sub3A_26 {strides = array<i32>} : memref<1280x40xf32, #tpu.memory_space<vmem>>, vector<1280x40xf32>,
    return
  }
  func.func @transform_0(%arg0: i32) -> (i32, i32, i32) {
    %c0_i32 = arith.constant 0 : i32
    %c0_i32_0 = arith.constant 0 : i32
    %c0_i32_1 = arith.constant 0 : i32
    return %c0_i32, %arg0, %c0_i32_0 : i32, i32, i32
  }
  func.func @transform_1(%arg0: i32) -> (i32, i32) {
    %c0_i32 = arith.constant 0 : i32
    %c0_i32_0 = arith.constant 0 : i32
    %c0_i32_1 = arith.constant 0 : i32
    return %c0_i32, %c0_i32_0 : i32, i32
  }
  func.func @transform_2(%arg0: i32) -> (i32, i32) {
    %c0_i32 = arith.constant 0 : i32
    %c0_i32_0 = arith.constant 0 : i32
    return %arg0, %c0_i32 : i32, i32
  }
}

</mosaic_0001>

<sc_bundles>
// kernel: kernel.10.cloned.1.call-start
scs
__scs_entry_jumppad:
0x0: {  	(pc) =	sbr.rel $0x88, $3  }
0x1: {  	(tag) =	ssettag $0x0;
	lr =	simm.s32 $0x1  }
0x2: {  	[smem:$0x3F97] =	sst lr;
	_ =	strace $0xD0000000  }
0x3: {  	_ = 	snop  }
0x4: {  	_ = 	snop  }
0x5: {  	_ = 	snop  }
0x6: {  	_ = 	snop  }
0x7: {  	_ = 	snop  }
__scs_overlays_trampoline_lowered:
0x8: {  	[smem:$0x3FA6] =	sst s0  }
0x9: {  	[smem:$0x3FA7] =	sst s1  }
0xa: {  	[smem:$0x3FA8] =	sst s2  }
0xb: {  	[smem:$0x3FA9] =	sst s3  }
0xc: {  	[smem:$0x3FAA] =	sst s4  }
0xd: {  	[smem:$0x3FAB] =	sst s5  }
0xe: {  	[smem:$0x3FAC] =	sst s6  }
0xf: {  	[smem:$0x3FAD] =	sst s7  }
0x10: {  	[smem:$0x3FAE] =	sst s8  }
0x11: {  	[smem:$0x3FAF] =	sst s9;
	s0 =	simm.s32 @!p0 $0x0  }
0x12: {  	s1 =	sld [smem:$0x3F95];
	s0 =	simm.s32 @p0 $0x1  }
0x13: {  	[smem:$0x3FB0] =	sst s0;
	s0 =	simm.s32 @!p1 $0x0  }
0x14: {  	s2 =	sld [smem:$0x3F94];
	s0 =	simm.s32 @p1 $0x1  }
0x15: {  	[smem:$0x3FB1] =	sst s0;
	s0 =	simm.s32 @!p2 $0x0  }
0x16: {  	s3 =	sld [smem:$0x3FDB];
	s0 =	simm.s32 @p2 $0x1  }
0x17: {  	s4 =	simm.s32 $0x1BF5;
	[smem:$0x3FB3] =	sst s0  }
0x18: {  	s0 =	sld [smem:$0x3F96];
	_ =	swait.ge [sflag:s4], $0x0  }
0x19: {  	s7 =	sld [smem:$0x3F97]  }
0x1a: {  	s8 =	sadd.s32 $0xFFFFE003, lr  }
0x1b: {  	s9 =	sadd.s32 $0xFFFFFEF7, lr;
	s5 =	simm.s32 $0xFFFFFFFF;
	p2 =	slt.u32 s8, $0xFFFFF086  }
0x1c: {  	p1 =	slt.u32 s9, $0xF7A;
	s5 =	simm.s32 @!p2 $0x0  }
0x1d: {  	s5 =	simm.s32 @p1 $0x1;
	p0 =	seq.s32 s7, s2  }
0x1e: {  	s7 =	smul.u32 @!p0 $0xF7A, s2;
	p2 =	seq.s32 @!p0 s5, $0x0  }
0x1f: {  	s9 =	smul.u32 $0xF7A, s1;
	s8 =	simm.s32 @!p0 $0x1BF5;
	p2 =	por !p2, p0  }
0x20: {  	[sflag:s8] =	ssyncset.s32 @!p0 $0xFFFFF086;
	s6 =	sadd.s32 @!p0 s3, s7;
	s7 =	simm.s32 @!p0 $0x108  }
0x21: {  	s3 =	sadd.s32 s3, s9;
	s6 =	sadd.s32 @!p0 $0x88, s6;
	s7 =	simm.s32 @p2 $0x1082  }
0x22: {  	[simem:s7], [sflag:s8] =	dma.local @!p0 [hbm:s6], $0xF7A  }
0x23: {  	s9 =	sor.u32 $0xD0000000, s2;
	s6 =	simm.s32 $0x108;
	_ =	swait.ge @!p0 [sflag:s8], $0x0  }
0x24: {  	s3 =	sadd.s32 $0x88, s3;
	s6 =	simm.s32 @!p1 $0x1082;
	[sflag:s4] =	ssyncset.s32 $0xFFFFF086  }
0x25: {  	[simem:s6], [sflag:s4] =	dma.local [hbm:s3], $0xF7A  }
0x26: {  	[smem:$0x3F97] =	sst s1;
	(tag) =	ssettag s2;
	_ =	strace s9  }
0x27: {  	s1 =	sld [smem:$0x3FA7]  }
0x28: {  	s2 =	sld [smem:$0x3FA8]  }
0x29: {  	s4 =	sld [smem:$0x3FAA]  }
0x2a: {  	p0 =	seq.s32 s5, $0x0;
	s5 =	sld [smem:$0x3FAB]  }
0x2b: {  	s6 =	sld [smem:$0x3FAC]  }
0x2c: {  	s7 =	sld [smem:$0x3FAD]  }
0x2d: {  	s3 =	simm.s32 $0x108;
	s8 =	sld [smem:$0x3FAE]  }
0x2e: {  	s3 =	simm.s32 @!p0 $0x1082;
	s9 =	sld [smem:$0x3FAF]  }
0x2f: {  	lr =	sadd.s32 s0, s3;
	s0 =	sld [smem:$0x3FA6]  }
0x30: {  	s3 =	sld [smem:$0x3FA9]  }
0x31: {  	[smem:$0x3FB2] =	sst s10  }
0x32: {  	s10 =	sld [smem:$0x3FB0];
	_ =	sdelay $0x3  }
0x33: {  	p0 =	seq.s32 s10, $0x1;
	s10 =	sld [smem:$0x3FB2];
	_ =	sdelay $0x3  }
0x34: {  	[smem:$0x3FB2] =	sst s10  }
0x35: {  	s10 =	sld [smem:$0x3FB1];
	_ =	sdelay $0x3  }
0x36: {  	p1 =	seq.s32 s10, $0x1;
	s10 =	sld [smem:$0x3FB2];
	_ =	sdelay $0x3  }
0x37: {  	[smem:$0x3FB2] =	sst s10  }
0x38: {  	s10 =	sld [smem:$0x3FB3]  }
0x39: {  	_ = 	snop;
	(pc) =	sbr.ind lr, $3  }
0x3a: {  	_ = 	snop  }
0x3b: {  	_ = 	snop  }
0x3c: {  	p2 =	seq.s32 s10, $0x1;
	s10 =	sld [smem:$0x3FB2]  }
0x3d: {  	_ =	shalt  }
0x3e: {  	_ =	shalt  }
0x3f: {  	_ =	shalt  }
0x40: {  	_ =	shalt  }
0x41: {  	_ =	shalt  }
0x42: {  	_ =	shalt  }
0x43: {  	_ =	shalt  }
0x44: {  	_ =	shalt  }
0x45: {  	_ =	shalt  }
0x46: {  	_ =	shalt  }
0x47: {  	_ =	shalt  }
0x48: {  	_ =	shalt  }
0x49: {  	_ =	shalt  }
0x4a: {  	_ =	shalt  }
0x4b: {  	_ =	shalt  }
0x4c: {  	_ =	shalt  }
0x4d: {  	_ =	shalt  }
0x4e: {  	_ =	shalt  }
0x4f: {  	_ =	shalt  }
0x50: {  	_ =	shalt  }
0x51: {  	_ =	shalt  }
0x52: {  	_ =	shalt  }
0x53: {  	_ =	shalt  }
0x54: {  	_ =	shalt  }
0x55: {  	_ =	shalt  }
0x56: {  	_ =	shalt  }
0x57: {  	_ =	shalt  }
0x58: {  	_ =	shalt  }
0x59: {  	_ =	shalt  }
0x5a: {  	_ =	shalt  }
0x5b: {  	_ =	shalt  }
0x5c: {  	_ =	shalt  }
0x5d: {  	_ =	shalt  }
0x5e: {  	_ =	shalt  }
0x5f: {  	_ =	shalt  }
0x60: {  	_ =	shalt  }
0x61: {  	_ =	shalt  }
0x62: {  	_ =	shalt  }
0x63: {  	_ =	shalt  }
0x64: {  	_ =	shalt  }
0x65: {  	_ =	shalt  }
0x66: {  	_ =	shalt  }
0x67: {  	_ =	shalt  }
0x68: {  	_ =	shalt  }
0x69: {  	_ =	shalt  }
0x6a: {  	_ =	shalt  }
0x6b: {  	_ =	shalt  }
0x6c: {  	_ =	shalt  }
0x6d: {  	_ =	shalt  }
0x6e: {  	_ =	shalt  }
0x6f: {  	_ =	shalt  }
0x70: {  	_ =	shalt  }
0x71: {  	_ =	shalt  }
0x72: {  	_ =	shalt  }
0x73: {  	_ =	shalt  }
0x74: {  	_ =	shalt  }
0x75: {  	_ =	shalt  }
0x76: {  	_ =	shalt  }
0x77: {  	_ =	shalt  }
0x78: {  	_ =	shalt  }
0x79: {  	_ =	shalt  }
0x7a: {  	_ =	shalt  }
0x7b: {  	_ =	shalt  }
0x7c: {  	_ =	shalt  }
0x7d: {  	_ =	shalt  }
0x7e: {  	_ =	shalt  }
0x7f: {  	_ =	shalt  }
0x80: {  	_ =	shalt  }
0x81: {  	_ =	shalt  }
0x82: {  	_ =	shalt  }
0x83: {  	_ =	shalt  }
0x84: {  	_ =	shalt  }
0x85: {  	_ =	shalt  }
0x86: {  	_ =	shalt  }
0x87: {  	_ =	shalt  }
.Lfunc_end0:
.L_simem_size_0:
called_computation.1_lowered:
.L_overlay_start_0:
0x88: {  	s2 =	sld [smem:$0x3FD9]  }
0x89: {  	s3 =	sld [smem:$0x3FFE];
	_ =	sdelay $0x1  }
0x8a: {  	s1 =	srdreg.scid  }
0x8b: {  	s0 =	sand.u32 $0x1, s1  }
0x8c: {  	s17 =	sshll.u32 s0, $0xA;
	s2 =	sadd.s32 s3, s2  }
0x8d: {  	s2 =	sadd.s32 s2, s17  }
0x8e: {  	[smem:$0x3FBE] =	sst s2  }
0x8f: {  	_ = 	snop  }
0x90: {  	s2 =	sld [smem:$0x3FD0];
	(tm) =	ssettm $0x1  }
0x91: {  	s18 =	sld [smem:$0x3FFB];
	_ =	sdelay $0x3  }
0x92: {  	_ =	strace s18  }
0x93: {  	s3 =	sld [smem:$0x3FFC];
	_ =	sdelay $0x3  }
0x94: {  	_ =	strace s3  }
0x95: {  	s3 =	sld [smem:$0x3FFD];
	_ =	sdelay $0x3  }
0x96: {  	_ =	strace s3  }
0x97: {  	_ =	strace $0x8FFFFFFF  }
0x98: {  	s19 =	sld [smem:$0x3FDB];
	_ =	sdelay $0x1  }
0x99: {  	s4 =	simm.s32 $_scs_section_size  }
0x9a: {  	s5 =	simm.s32 $_size__tile_overlayer_lowered;
	s6 =	simm.s32 $_tile_overlayer_lowered  }
0x9b: {  	s22 =	simm.s32 $0x1BFF;
	s21 =	sshll.u32 s6, $0x1;
	s3 =	sadd.s32 s4, s19  }
0x9c: {  	s7 =	simm.s32 $0x0;
	s20 =	sshll.u32 s5, $0x1;
	s5 =	sadd.s32 s21, s3  }
0x9d: {  	[timem:s7], [sflag:s22] =	dma.local [hbm:s5], s20  }
0x9e: {  	_ =	swait.ge [sflag:s22], s20  }
0x9f: {  	s4 =	ssub.s32 $0x0, s20;
	[sflag:s22] =	ssyncset.done $0x0  }
0xa0: {  	[sflag:s22] =	ssyncadd.s32 s4;
	_ =	sdelay $0x1  }
0xa1: {  	s23 =	simm.s32 $0x1B8B  }
0xa2: {  	_ =	swait.ge [sflag:s23], $0x1  }
0xa3: {  	[sflag:s23] =	ssyncset.done $0x0  }
0xa4: {  	s25 =	simm.s32 $0x1B8E;
	s24 =	sld [smem:$0x3FFE];
	[sflag:s23] =	ssyncadd.s32 $0xFFFFFFFF  }
0xa5: {  	s26 =	simm.s32 $execute0_lowered;
	[smem:$0x3FD2] =	sst s25  }
0xa6: {  	s5 =	sshll.u32 s26, $0x1;
	_ =	strace $0x80000049;
	[dreg:$0x1] =	wrdreg $0xFFFFFFFF  }
0xa7: {  	s28 =	simm.s32 $_size_execute0_lowered;
	s3 =	sadd.s32 s3, s5;
	[dreg:$0x0] =	wrdreg $0x0  }
0xa8: {  	s5 =	sshll.u32 s28, $0x1;
	[dreg:$0x2] =	wrdreg s3  }
0xa9: {  	[dreg:$0x3] =	wrdreg s5  }
0xaa: {  	[dreg:$0x4] =	wrdreg $0xC0  }
0xab: {  	_ =	task [dreg:s7], $0x5FFFF  }
0xac: {  	[dreg:$0x1] =	wrdreg $0xFFFFFFFF  }
0xad: {  	[dreg:$0x0] =	wrdreg $0x60  }
0xae: {  	[dreg:$0x2] =	wrdreg s24  }
0xaf: {  	[dreg:$0x3] =	wrdreg s2  }
0xb0: {  	[dreg:$0x4] =	wrdreg $0xE9000  }
0xb1: {  	[dreg:$0x5] =	wrdreg $0x9  }
0xb2: {  	_ =	task.clear_ibuf [dreg:s7], $0x6FFFF;
	_ =	strace $0x90000049  }
0xb3: {  	s29 =	simm.s32 $0x9;
	_ =	strace $0x8000004B  }
0xb4: {  	_ =	swait.ge [sflag:s29], $0x1  }
0xb5: {  	[sflag:s29] =	ssyncadd.s32 $0xFFFFFFFF  }
0xb6: {  	_ =	strace $0x9000004B  }
0xb7: {  	_ =	sfence  }
0xb8: {  	s30 =	sld [smem:$0x0];
	_ =	sdelay $0x2  }
0xb9: {  	s31 =	sshll.u32 s1, $0xD;
	s1 =	sshrl.u32 s1, $0x2  }
0xba: {  	s3 =	sand.u32 $0x4000, s31;
	s1 =	sadd.s32 s1, s30  }
0xbb: {  	s0 =	sor.u32 s3, s0;
	s1 =	sshll.u32 s1, $0x11  }
0xbc: {  	s0 =	sor.u32 s1, s0  }
0xbd: {  	s0 =	sadd.s32 $0x8F2B, s0  }
0xbe: {  	[sflag:s0] =	ssyncadd.remote.s32 $0x1  }
0xbf: {  	_ =	sfence.sel $0xFFFF  }
0xc0: {  	[dreg:$0x0] =	wrdreg $0xFFFFFFFF;
	(pc) =	sbr.abs _section_cstart, $3  }
0xc1: {  	[dreg:$0x1] =	wrdreg $0xFFFFFFFF  }
0xc2: {  	_ =	task.clear_ibuf [dreg:s7], $0x2FFFF;
	_ =	strace $0x9FFFFFFF  }
0xc3: {  	(tm) =	ssettm $0x7FFFFFFF  }
tec
execute0_lowered:
.L_overlay_start_1:
0x0: {  	(tag) =	ssettag $0x1  }
0x1: {  	s0 =	rddreg [dreg:$0x0]  }
0x2: {  	s1 =	rddreg [dreg:$0x1]  }
0x3: {  	s2 =	rddreg [dreg:$0x2];
	s14 =	stileid.u32  }
0x4: {  	s3 =	srdreg.scid;
	s4 =	simm.s32 $0x0;
	s16 =	simm.s32 $0x7  }
0x5: {  	s18 =	simm.s32 $0x80;
	s28 =	simm.s32 $0x2;
	s29 =	simm.s32 $0x4  }
0x6: {  	s30 =	simm.s32 $0xC900;
	s5 =	smul.u32 $0x52, s14;
	s3 =	sand.u32 $0x1, s3  }
0x7: {  	[smem:$0x7FF] =	sst s4;
	s4 =	sadd.s32 $0x1A00, s0;
	s8 =	smul.u32 $0xA000, s14  }
0x8: {  	s22 =	sshll.u32 s14, $0x6;
	p0 =	seq.s32 s3, $0x0;
	_ =	strace $0x8000004A  }
0x9: {  	s9 =	smul.u32 $0x14000, s3;
	s3 =	ssub.s32 $0x2, s3;
	s6 =	sadd.s32 $0x520, s5  }
0xa: {  	s11 =	sshrl.u32 s8, $0x3;
	s12 =	sshrl.u32 s3, $0x1;
	s21 =	sadd.s32 s8, s2  }
0xb: {  	s8 =	sor.u32 $0x1C07, s22;
	s22 =	simm.s32 $0xA100;
	s6 =	smov.u32 @p0 s5  }
0xc: {  	s5 =	sadd.s32 $0x15A00, s0;
	s13 =	sadd.s32 s11, s0;
	s3 =	ssub.s32 s3, s12  }
0xd: {  	s15 =	sshrl.u32 s21, $0x3;
	s21 =	simm.s32 $0x7900;
	s7 =	sshll.u32 s6, $0x4  }
0xe: {  	s6 =	sand.u32 $0x6, s6;
	s23 =	sadd.s32 $0x2A600, s13;
	s31 =	smax.u32 s3, $0x1  }
0xf: {  	s7 =	sand.u32 $0xFF80, s7;
	[dreg:$0x4] =	wrdreg s23;
	s24 =	sshll.u32 s6, $0x7  }
0x10: {  	s13 =	sadd.s32 $0x2, s6;
	[dreg:$0x9] =	wrdreg s31;
	s23 =	simm.s32 $0x1  }
0x11: {  	s10 =	sadd.s32 s7, s0;
	s1 =	sadd.s32 s1, s7;
	[dreg:$0x5] =	wrdreg s24  }
0x12: {  	s0 =	sadd.s32 s9, s0;
	s26 =	sor.u32 $0x2C80, s24;
	[dreg:$0x6] =	wrdreg s1  }
0x13: {  	s25 =	sadd.s32 $0x1FA00, s10;
	[dreg:$0x8] =	wrdreg s26;
	s0 =	sadd.s32 $0x3E600, s0  }
0x14: {  	s26 =	simm.s32 $0xA900;
	[dreg:$0x7] =	wrdreg s25;
	s0 =	sadd.s32 s11, s0  }
0x15: {  	s25 =	simm.s32 $0x3;
	[dreg:$0xa] =	wrdreg s0;
	s0 =	simm.s32 $0x0  }
.LBB2_1:
0x16: {  	s1 =	rddreg [dreg:$0x4]  }
0x17: {  	[spmem:s15], [sflag:s8] =	dma.local [hbm:s1], $0x1400  }
0x18: {  	_ =	swait.ge [sflag:s16], $0x1400  }
0x19: {  	[sflag:s16] =	ssyncset.done $0x0  }
0x1a: {  	s14 =	simm.s32 $0x0;
	s3 =	rddreg [dreg:$0x6];
	[sflag:s16] =	ssyncadd.s32 $0xFFFFEC00  }
0x1b: {  	[tilespmem:s14], [sflag:$0x7] =	stream.linear.gather [hbm4b:s3+s14], $0x2C80, $0x38;
	[tilespmem:$0x18900] =	vst v63  }
0x1c: {  	_ =	swait.ge [sflag:s16], $0x2C80  }
0x1d: {  	[sflag:s16] =	ssyncset.done $0x0  }
0x1e: {  	s7 =	simm.s32 $0x2C80;
	s17 =	rddreg [dreg:$0x7];
	[sflag:s16] =	ssyncadd.s32 $0xFFFFD380  }
0x1f: {  	[tilespmem:s7], [sflag:$0x7] =	stream.linear.gather [hbm4b:s17+s14], $0x2C80, $0x38;
	[tilespmem:$0x18900] =	vst v63  }
0x20: {  	_ =	swait.ge [sflag:s16], $0x2C80  }
0x21: {  	[sflag:s16] =	ssyncset.done $0x0  }
0x22: {  	[sflag:s16] =	ssyncadd.s32 $0xFFFFD380  }
0x23: {  	[bflag:$0x0] =	sbarrier.arrive $0xFFFF  }
0x24: {  	s20 =	simm.s32 $0x5900;
	s19 =	rddreg [dreg:$0x5]  }
0x25: {  	[tilespmem:s20], [sflag:$0x1] =	stream.indirect.gather [hbm4b:s4+s18], $0x40, s19, s18, $0xb8;
	[tilespmem:$0x18900] =	vst v63  }
0x26: {  	s31 =	simm.s32 $0x9900;
	s17 =	simm.s32 $0x0;
	s24 =	rddreg [dreg:$0x8]  }
0x27: {  	[tilespmem:s31], [sflag:$0x3] =	stream.indirect.gather [hbm4b:s5+s18], $0x10, s24, s18, $0xb8;
	[tilespmem:$0x18900] =	vst v63  }
.LBB2_2:
0x28: {  	s20 =	sshll.u32 s17, $0x1  }
0x29: {  	s1 =	sadd.s32 s20, s6  }
0x2a: {  	s1 =	sadd.s32 $0x1, s1  }
0x2b: {  	s19 =	sshll.u32 s1, $0x7  }
0x2c: {  	[tilespmem:s21], [sflag:$0x2] =	stream.indirect.gather [hbm4b:s4+s18], $0x40, s19, s18, $0xb8;
	[tilespmem:$0x18900] =	vst v63  }
0x2d: {  	s1 =	sadd.s32 $0x2C80, s19  }
0x2e: {  	[tilespmem:s22], [sflag:$0x4] =	stream.indirect.gather [hbm4b:s5+s18], $0x10, s1, s18, $0xb8;
	[tilespmem:$0x18900] =	vst v63  }
0x2f: {  	_ =	swait.ge [sflag:s23], $0x2000  }
0x30: {  	[sflag:s23] =	ssyncset.done $0x0  }
0x31: {  	[sflag:s23] =	ssyncadd.s32 $0xFFFFE000  }
0x32: {  	_ =	swait.ge [sflag:s25], $0x800  }
0x33: {  	p0 =	seq.s32 s17, $0x0;
	[sflag:s25] =	ssyncset.done $0x0  }
0x34: {  	s1 =	simm.s32 @!p0 $0x5;
	[sflag:s25] =	ssyncadd.s32 $0xFFFFF800  }
0x35: {  	_ =	swait.ge @!p0 [sflag:s1], $0x2000  }
0x36: {  	[sflag:s1] =	ssyncset.done @!p0 $0x0  }
0x37: {  	s14 =	simm.s32 $0x5980;
	[sflag:s1] =	ssyncadd.s32 @!p0 $0xFFFFE000  }
0x38: {  	s11 =	simm.s32 $0x9920;
	v0 =	vld [tilespmem:s14+$0x70]  }
0x39: {  	v1 =	vld [tilespmem:s11+$0x10];
	_ =	sdelay $0x4  }
0x3a: {  	v0 =	vadd.f32 v1, v0;
	_ =	sdelay $0x1  }
0x3b: {  	v2 =	vld [tilespmem:s11+$0xFFFFFFF0];
	v3 =	vmin.f32 v0, $0.0e+00  }
0x3c: {  	v1 =	vld [tilespmem:s14+$0xFFFFFFF0];
	v3 =	vmul.f32 $2.000000030e-01, v3  }
0x3d: {  	v0 =	vmax.f32 v0, $0.0e+00  }
0x3e: {  	v4 =	vld [tilespmem:s11+$0xFFFFFFE0];
	v0 =	vadd.f32 v3, v0  }
0x3f: {  	v6 =	vld [tilespmem:s14+$0xFFFFFFB0]  }
0x40: {  	v5 =	vld [tilespmem:s14+$0x30];
	v0 =	vmul.f32 $1.442695020e+00, v0  }
0x41: {  	s3 =	simm.s32 $0x5A80;
	v3 =	vld [tilespmem:s11+$0x0];
	v1 =	vadd.f32 v2, v1  }
0x42: {  	s12 =	simm.s32 $0x9960;
	v2 =	vld [tilespmem:s3+$0x70];
	(erf) = vpow2.f32 v0  }
0x43: {  	v7 =	vmin.f32 v1, $0.0e+00;
	v0 =	vld [tilespmem:s12+$0x10]  }
0x44: {  	v4 =	vadd.f32 v4, v6;
	v7 =	vmul.f32 $2.000000030e-01, v7  }
0x45: {  	v1 =	vmax.f32 v1, $0.0e+00  }
0x46: {  	v8 =	vld [tilespmem:s14+$0xFFFFFF80];
	v6 =	vmin.f32 v4, $0.0e+00;
	v1 =	vadd.f32 v7, v1;
	v3 =	vadd.f32 v3, v5  }
0x47: {  	v4 =	vmax.f32 v4, $0.0e+00;
	v6 =	vmul.f32 $2.000000030e-01, v6;
	v5 =	vld [tilespmem:s14+$0x40]  }
0x48: {  	v9 =	vld [tilespmem:s12+$0xFFFFFFF0];
	v1 =	vmul.f32 $1.442695020e+00, v1;
	v0 =	vadd.f32 v0, v2;
	v2 =	vmin.f32 v3, $0.0e+00  }
0x49: {  	v4 =	vadd.f32 v6, v4;
	v7 =	vld [tilespmem:s3+$0xFFFFFFF0];
	v2 =	vmul.f32 $2.000000030e-01, v2  }
0x4a: {  	v10 =	vld [tilespmem:s14+$0xFFFFFFC0];
	(erf) = vpow2.f32 v1;
	v3 =	vmax.f32 v3, $0.0e+00;
	v1 =	vmin.f32 v0, $0.0e+00  }
0x4b: {  	v11 =	vld [tilespmem:s14+$0x0];
	v1 =	vmul.f32 $2.000000030e-01, v1;
	v2 =	vadd.f32 v2, v3;
	v12 =	vpop (erf)  }
0x4c: {  	v13 =	vld [tilespmem:s3+$0x30];
	v4 =	vmul.f32 $1.442695020e+00, v4;
	v0 =	vmax.f32 v0, $0.0e+00;
	v5 =	vmul.f32 v12, v5  }
0x4d: {  	s10 =	simm.s32 $0xA980;
	s7 =	simm.s32 $0x5B80;
	v14 =	vld [tilespmem:s3+$0x0];
	v0 =	vadd.f32 v1, v0;
	v1 =	vmul.f32 $1.442695020e+00, v2  }
0x4e: {  	v15 =	vld [tilespmem:s7+$0x70];
	v6 =	vadd.f32 v9, v7;
	(erf) = vpow2.f32 v4;
	[tilespmem:s10+$0x40] =	vst v5  }
0x4f: {  	v0 =	vmul.f32 $1.442695020e+00, v0;
	(erf) = vpow2.f32 v1;
	v1 =	vld [tilespmem:s14+$0x50]  }
0x50: {  	v19 =	vld [tilespmem:s7+$0xFFFFFFF0];
	v5 =	vmin.f32 v6, $0.0e+00  }
0x51: {  	v3 =	vld [tilespmem:s12+$0xFFFFFFE0];
	v5 =	vmul.f32 $2.000000030e-01, v5;
	(erf) = vpow2.f32 v0  }
0x52: {  	v4 =	vld [tilespmem:s3+$0xFFFFFFB0];
	v0 =	vmax.f32 v6, $0.0e+00  }
0x53: {  	s24 =	simm.s32 $0x99A0;
	v2 =	vld [tilespmem:s12+$0x0];
	v6 =	vpop (erf);
	v0 =	vadd.f32 v5, v0  }
0x54: {  	v21 =	vld [tilespmem:s24+$0xFFFFFFF0];
	v5 =	vmul.f32 v6, v10;
	v1 =	vmul.f32 v12, v1  }
0x55: {  	v10 =	vld [tilespmem:s3+$0x40];
	v0 =	vmul.f32 $1.442695020e+00, v0  }
0x56: {  	[tilespmem:s10+$0xFFFFFFC0] =	vst v5;
	v5 =	vld [tilespmem:s24+$0x10]  }
0x57: {  	v23 =	vld [tilespmem:s7+$0xFFFFFFB0]  }
0x58: {  	v24 =	vld [tilespmem:s7+$0xFFFFFF80];
	v3 =	vadd.f32 v3, v4;
	v2 =	vadd.f32 v2, v13;
	[tilespmem:s10+$0x50] =	vst v1;
	v1 =	vpop (erf)  }
0x59: {  	v19 =	vadd.f32 v21, v19;
	v21 =	vld [tilespmem:s7+$0xFFFFFFC0];
	(erf) = vpow2.f32 v0;
	v0 =	vpop (erf)  }
0x5a: {  	v7 =	vld [tilespmem:s3+$0xFFFFFF80];
	v18 =	vmin.f32 v3, $0.0e+00;
	v17 =	vmin.f32 v2, $0.0e+00;
	v20 =	vpop (erf)  }
0x5b: {  	v9 =	vld [tilespmem:s3+$0xFFFFFFC0];
	v18 =	vmul.f32 $2.000000030e-01, v18;
	v5 =	vadd.f32 v5, v15;
	v10 =	vmul.f32 v20, v10  }
0x5c: {  	s11 =	simm.s32 $0xAA80;
	v13 =	vld [tilespmem:s24+$0xFFFFFFE0];
	v3 =	vmax.f32 v3, $0.0e+00;
	v15 =	vmul.f32 $2.000000030e-01, v17  }
0x5d: {  	v2 =	vmax.f32 v2, $0.0e+00;
	v16 =	vld [tilespmem:s14+$0xFFFFFFD0];
	v3 =	vadd.f32 v18, v3;
	[tilespmem:s11+$0x40] =	vst v10;
	v10 =	vmin.f32 v5, $0.0e+00  }
0x5e: {  	v18 =	vld [tilespmem:s24+$0x0];
	v2 =	vadd.f32 v15, v2;
	v10 =	vmul.f32 $2.000000030e-01, v10  }
0x5f: {  	v4 =	vld [tilespmem:s14+$0x60];
	v22 =	vmul.f32 $1.442695020e+00, v3;
	v5 =	vmax.f32 v5, $0.0e+00  }
0x60: {  	v17 =	vld [tilespmem:s7+$0x30];
	v8 =	vmul.f32 v1, v8;
	v2 =	vmul.f32 $1.442695020e+00, v2;
	v5 =	vadd.f32 v10, v5  }
0x61: {  	s24 =	simm.s32 $0x99E0;
	(erf) = vpow2.f32 v22;
	v11 =	vmul.f32 v0, v11;
	v15 =	vld [tilespmem:s3+$0x50]  }
0x62: {  	v25 =	vld [tilespmem:s24+$0x10];
	[tilespmem:s10+$0xFFFFFF80] =	vst v8;
	v3 =	vpop (erf);
	(erf) = vpow2.f32 v2;
	v2 =	vmin.f32 v19, $0.0e+00;
	v5 =	vmul.f32 $1.442695020e+00, v5  }
0x63: {  	v22 =	vld [tilespmem:s7+$0x0];
	[tilespmem:s10+$0x0] =	vst v11;
	v11 =	vmax.f32 v19, $0.0e+00;
	v2 =	vmul.f32 $2.000000030e-01, v2;
	v10 =	vmul.f32 v6, v16  }
0x64: {  	v8 =	vld [tilespmem:s14+$0xFFFFFF90];
	v9 =	vmul.f32 v3, v9;
	(erf) = vpow2.f32 v5;
	v5 =	vadd.f32 v13, v23  }
0x65: {  	v16 =	vld [tilespmem:s14+$0x10];
	v2 =	vadd.f32 v2, v11;
	[tilespmem:s10+$0xFFFFFFD0] =	vst v10;
	v10 =	vadd.f32 v18, v17  }
0x66: {  	[tilespmem:s11+$0xFFFFFFC0] =	vst v9;
	v17 =	vld [tilespmem:s7+$0x40];
	v9 =	vmul.f32 v20, v15;
	v13 =	vmul.f32 v12, v4;
	v4 =	vmin.f32 v5, $0.0e+00  }
0x67: {  	s12 =	simm.s32 $0x5C80;
	v15 =	vld [tilespmem:s3+$0xFFFFFFD0];
	v2 =	vmul.f32 $1.442695020e+00, v2;
	v19 =	vmul.f32 $2.000000030e-01, v4  }
0x68: {  	v23 =	vld [tilespmem:s12+$0x70];
	v5 =	vmax.f32 v5, $0.0e+00  }
0x69: {  	v11 =	vld [tilespmem:s14+$0xFFFFFFE0];
	v18 =	vmin.f32 v10, $0.0e+00;
	[tilespmem:s11+$0x50] =	vst v9;
	(erf) = vpow2.f32 v2;
	v5 =	vadd.f32 v19, v5  }
0x6a: {  	v18 =	vmul.f32 $2.000000030e-01, v18;
	v9 =	vld [tilespmem:s3+$0x60];
	v4 =	vpop (erf)  }
0x6b: {  	v10 =	vmax.f32 v10, $0.0e+00;
	[tilespmem:s10+$0x60] =	vst v13;
	v13 =	vld [tilespmem:s24+$0xFFFFFFE0];
	v7 =	vmul.f32 v4, v7  }
0x6c: {  	[tilespmem:s10+$0x70] =	vst v12;
	v8 =	vmul.f32 v1, v8;
	v10 =	vadd.f32 v18, v10;
	v18 =	vld [tilespmem:s24+$0xFFFFFFF0];
	v2 =	vpop (erf)  }
0x6d: {  	v23 =	vadd.f32 v25, v23;
	v12 =	vmul.f32 v2, v14;
	v14 =	vld [tilespmem:s12+$0xFFFFFFF0];
	[tilespmem:s11+$0xFFFFFF80] =	vst v7;
	v7 =	vmul.f32 $1.442695020e+00, v5;
	v5 =	vpop (erf)  }
0x6e: {  	[tilespmem:s10+$0xFFFFFF90] =	vst v8;
	v10 =	vmul.f32 $1.442695020e+00, v10;
	v19 =	vld [tilespmem:s24+$0x0];
	v17 =	vmul.f32 v5, v17  }
0x6f: {  	s9 =	simm.s32 $0xAB80;
	v8 =	vmin.f32 v23, $0.0e+00;
	v9 =	vmul.f32 v20, v9;
	[tilespmem:s11+$0x0] =	vst v12;
	v12 =	vld [tilespmem:s12+$0x30];
	(erf) = vpow2.f32 v7  }
0x70: {  	v7 =	vmul.f32 v3, v15;
	v15 =	vld [tilespmem:s12+$0xFFFFFFB0];
	(erf) = vpow2.f32 v10;
	[tilespmem:s9+$0x40] =	vst v17  }
0x71: {  	[tilespmem:s10+$0xFFFFFFF0] =	vst v6;
	v10 =	vmul.f32 v0, v16;
	v16 =	vld [tilespmem:s7+$0x50]  }
0x72: {  	[tilespmem:s11+$0x60] =	vst v9;
	v9 =	vld [tilespmem:s12+$0x0];
	v14 =	vadd.f32 v18, v14;
	v17 =	vmul.f32 $2.000000030e-01, v8;
	v8 =	vpop (erf)  }
0x73: {  	v6 =	vmul.f32 v6, v11;
	v11 =	vmax.f32 v23, $0.0e+00;
	[tilespmem:s11+$0xFFFFFFD0] =	vst v7;
	v7 =	vld [tilespmem:s12+$0xFFFFFF80];
	v18 =	vmul.f32 v8, v21  }
0x74: {  	[tilespmem:s10+$0x10] =	vst v10;
	v10 =	vld [tilespmem:s12+$0xFFFFFFC0];
	v21 =	vmin.f32 v14, $0.0e+00;
	v12 =	vadd.f32 v19, v12;
	v11 =	vadd.f32 v17, v11  }
0x75: {  	v14 =	vmax.f32 v14, $0.0e+00;
	v17 =	vld [tilespmem:s3+$0xFFFFFF90];
	v13 =	vadd.f32 v13, v15;
	v15 =	vmul.f32 $2.000000030e-01, v21;
	[tilespmem:s9+$0xFFFFFFC0] =	vst v18  }
0x76: {  	[tilespmem:s10+$0xFFFFFFE0] =	vst v6;
	v6 =	vmin.f32 v12, $0.0e+00;
	v18 =	vmul.f32 $1.442695020e+00, v11;
	v23 =	vld [tilespmem:s7+$0xFFFFFFD0];
	v16 =	vmul.f32 v5, v16  }
0x77: {  	[tilespmem:s11+$0x70] =	vst v20;
	v61 =	vmax.f32 v12, $0.0e+00;
	v12 =	vld [tilespmem:s14+$0xFFFFFFA0];
	v20 =	vmin.f32 v13, $0.0e+00;
	v21 =	vmul.f32 $2.000000030e-01, v6  }
0x78: {  	v19 =	vmax.f32 v13, $0.0e+00;
	v13 =	vld [tilespmem:s3+$0x10];
	v20 =	vmul.f32 $2.000000030e-01, v20;
	v11 =	vpop (erf);
	(erf) = vpow2.f32 v18;
	[tilespmem:s9+$0x50] =	vst v16  }
0x79: {  	[tilespmem:s10+$0xFFFFFFB0] =	vst v1;
	v15 =	vadd.f32 v15, v14;
	v18 =	vadd.f32 v21, v61;
	v6 =	vpop (erf);
	v21 =	vmul.f32 v11, v24;
	v16 =	vld [tilespmem:s7+$0x60]  }
0x7a: {  	v14 =	vld [tilespmem:s3+$0xFFFFFFE0];
	[tilespmem:s11+$0xFFFFFFF0] =	vst v3;
	v62 =	vadd.f32 v20, v19;
	v19 =	vmul.f32 v4, v17;
	v63 =	vmul.f32 v6, v22  }
0x7b: {  	v20 =	vmul.f32 $1.442695020e+00, v15;
	v15 =	vld [tilespmem:s14+$0x20];
	v17 =	vmul.f32 $1.442695020e+00, v18;
	[tilespmem:s9+$0xFFFFFF80] =	vst v21  }
0x7c: {  	s31 =	simm.s32 $0xC;
	s1 =	simm.s32 $0x5D80;
	s14 =	simm.s32 $0xAB80;
	v18 =	vld [tilespmem:s12+$0x40];
	v22 =	vmul.f32 v8, v23;
	v21 =	vmul.f32 $1.442695020e+00, v62;
	[tilespmem:s9+$0x0] =	vst v63  }
.LBB2_3:
0x7d: {  	v23 =	vld [tilespmem:s1+$0x70];
	s24 =	sadd.s32 $0x40, s24;
	(erf) = vpow2.f32 v20;
	[tilespmem:s11+$0xFFFFFF90] =	vst v19;
	v13 =	vmul.f32 v2, v13  }
0x7e: {  	s31 =	sadd.s32 $0x4, s31;
	v19 =	vld [tilespmem:s24+$0x10];
	(erf) = vpow2.f32 v21;
	[tilespmem:s9+$0xFFFFFFD0] =	vst v22;
	v16 =	vmul.f32 v5, v16  }
0x7f: {  	v12 =	vmul.f32 v1, v12;
	v1 =	vmovc v4;
	v4 =	vmov v11;
	p1 =	slt.u32 s31, $0x7C;
	v20 =	vld [tilespmem:s24+$0xFFFFFFE0];
	(erf) = vpow2.f32 v17;
	[tilespmem:s11+$0x10] =	vst v13  }
0x80: {  	v13 =	vmul.f32 v3, v14;
	v3 =	vmov v8;
	v11 =	vld [tilespmem:s1+$0xFFFFFFF0];
	[tilespmem:s9+$0x60] =	vst v16;
	v14 =	vmul.f32 v0, v15  }
0x81: {  	v8 =	vld [tilespmem:s24+$0xFFFFFFF0];
	v15 =	vpop (erf);
	[tilespmem:s10+$0xFFFFFFA0] =	vst v12  }
0x82: {  	v12 =	vld [tilespmem:s1+$0x30];
	v16 =	vmul.f32 v15, v18;
	[tilespmem:s11+$0xFFFFFFE0] =	vst v13  }
0x83: {  	s9 =	sadd.s32 $0x100, s9;
	v13 =	vld [tilespmem:s24+$0x0];
	v17 =	vadd.f32 v19, v23;
	[tilespmem:s10+$0x20] =	vst v14  }
0x84: {  	v14 =	vld [tilespmem:s1+$0xFFFFFFB0];
	[tilespmem:s9+$0x40] =	vst v16  }
0x85: {  	v16 =	vmin.f32 v17, $0.0e+00;
	v18 =	vld [tilespmem:s12+$0x50];
	[tilespmem:s10+$0x30] =	vst v0;
	v0 =	vmov v2;
	v2 =	vmov v6;
	s10 =	smov.u32 s11;
	s11 =	smov.u32 s14;
	s14 =	smov.u32 s9  }
0x86: {  	v21 =	vld [tilespmem:s1+$0xFFFFFF80];
	v19 =	vadd.f32 v8, v11;
	v23 =	vmul.f32 $2.000000030e-01, v16;
	v8 =	vpop (erf);
	[tilespmem:s11+$0x70] =	vst v5;
	v5 =	vmov v15  }
0x87: {  	v15 =	vmax.f32 v17, $0.0e+00;
	v16 =	vmul.f32 v8, v10;
	v10 =	vld [tilespmem:s1+$0xFFFFFFC0];
	v11 =	vpop (erf)  }
0x88: {  	v17 =	vmin.f32 v19, $0.0e+00;
	v12 =	vadd.f32 v13, v12;
	v22 =	vld [tilespmem:s1+$0x0];
	v13 =	vadd.f32 v23, v15;
	v6 =	vpop (erf)  }
0x89: {  	v15 =	vmax.f32 v19, $0.0e+00;
	v14 =	vadd.f32 v20, v14;
	v17 =	vmul.f32 $2.000000030e-01, v17;
	[tilespmem:s9+$0xFFFFFFC0] =	vst v16;
	v19 =	vld [tilespmem:s7+$0xFFFFFF90]  }
0x8a: {  	v16 =	vmin.f32 v12, $0.0e+00;
	v20 =	vmul.f32 $1.442695020e+00, v13;
	v23 =	vld [tilespmem:s12+$0xFFFFFFD0];
	v18 =	vmul.f32 v5, v18  }
0x8b: {  	v24 =	vmax.f32 v14, $0.0e+00;
	v14 =	vmin.f32 v14, $0.0e+00;
	v16 =	vmul.f32 $2.000000030e-01, v16;
	v13 =	vld [tilespmem:s7+$0x10]  }
.Ltmp0:
0x8c: {  	v25 =	vmax.f32 v12, $0.0e+00;
	v14 =	vmul.f32 $2.000000030e-01, v14;
	(erf) = vpow2.f32 v20;
	[tilespmem:s9+$0x50] =	vst v18;
	v12 =	vld [tilespmem:s3+$0xFFFFFFA0];
	(pc) =	sbr.rel @p1 .LBB2_3-.Ltmp0, $4  }
0x8d: {  	v15 =	vadd.f32 v17, v15;
	v17 =	vadd.f32 v16, v25;
	v25 =	vmul.f32 v11, v7;
	v16 =	vld [tilespmem:s12+$0x60];
	[tilespmem:s10+$0xFFFFFFB0] =	vst v1  }
0x8e: {  	v18 =	vadd.f32 v14, v24;
	v24 =	vmul.f32 v6, v9;
	v19 =	vmul.f32 v4, v19;
	v14 =	vld [tilespmem:s7+$0xFFFFFFE0];
	[tilespmem:s11+$0xFFFFFFF0] =	vst v3  }
0x8f: {  	v20 =	vmul.f32 $1.442695020e+00, v15;
	v7 =	vmovc v21;
	v9 =	vmov v22;
	v17 =	vmul.f32 $1.442695020e+00, v17;
	[tilespmem:s9+$0xFFFFFF80] =	vst v25;
	v15 =	vld [tilespmem:s3+$0x20];
	s3 =	smov.u32 s7;
	s7 =	smov.u32 s12;
	s12 =	smov.u32 s1  }
0x90: {  	s1 =	sadd.s32 $0x100, s1;
	v22 =	vmul.f32 v8, v23;
	v21 =	vmul.f32 $1.442695020e+00, v18;
	v18 =	vld [tilespmem:s12+$0x40];
	[tilespmem:s9+$0x0] =	vst v24  }
0x91: {  	(erf) = vpow2.f32 v20;
	_ =	sdelay $0x1  }
0x92: {  	[tilespmem:s11+$0xFFFFFF90] =	vst v19;
	(erf) = vpow2.f32 v21  }
0x93: {  	v13 =	vmul.f32 v2, v13;
	[tilespmem:s10+$0x30] =	vst v0  }
0x94: {  	v1 =	vmul.f32 v1, v12;
	[tilespmem:s9+$0xFFFFFFD0] =	vst v22;
	v20 =	vpop (erf)  }
0x95: {  	(erf) = vpow2.f32 v17;
	[tilespmem:s11+$0x10] =	vst v13;
	v18 =	vmul.f32 v20, v18  }
0x96: {  	s1 =	sadd.s32 $0x100, s9;
	v16 =	vmul.f32 v5, v16;
	[tilespmem:s10+$0xFFFFFFA0] =	vst v1  }
0x97: {  	v3 =	vmul.f32 v3, v14;
	[tilespmem:s1+$0x40] =	vst v18  }
0x98: {  	[tilespmem:s9+$0x60] =	vst v16;
	v12 =	vld [tilespmem:s12+$0x50]  }
0x99: {  	[tilespmem:s11+$0xFFFFFFE0] =	vst v3;
	v13 =	vpop (erf)  }
0x9a: {  	[tilespmem:s14+$0x70] =	vst v5;
	v1 =	vmul.f32 v13, v10;
	v10 =	vmul.f32 v0, v15;
	v0 =	vld [tilespmem:s7+$0x10]  }
0x9b: {  	v5 =	vpop (erf);
	v15 =	vld [tilespmem:s7+$0xFFFFFFE0];
	[tilespmem:s14+$0xFFFFFFF0] =	vst v8  }
0x9c: {  	v7 =	vmul.f32 v5, v7;
	[tilespmem:s1+$0xFFFFFFC0] =	vst v1;
	v1 =	vld [tilespmem:s7+$0xFFFFFF90]  }
0x9d: {  	[tilespmem:s10+$0x20] =	vst v10;
	v3 =	vld [tilespmem:s12+$0xFFFFFFD0];
	v10 =	vmul.f32 v20, v12  }
0x9e: {  	v14 =	vpop (erf);
	[tilespmem:s1+$0xFFFFFF80] =	vst v7;
	v7 =	vld [tilespmem:s3+$0x20]  }
0x9f: {  	v9 =	vmul.f32 v14, v9;
	[tilespmem:s1+$0x50] =	vst v10;
	v10 =	vld [tilespmem:s3+$0xFFFFFFA0]  }
0xa0: {  	[tilespmem:s11+$0x30] =	vst v2;
	v12 =	vld [tilespmem:s12+$0x60]  }
0xa1: {  	[tilespmem:s1+$0x0] =	vst v9;
	v0 =	vmul.f32 v6, v0  }
0xa2: {  	[tilespmem:s11+$0xFFFFFFB0] =	vst v4;
	v1 =	vmul.f32 v11, v1  }
0xa3: {  	[tilespmem:s14+$0x10] =	vst v0;
	v3 =	vmul.f32 v13, v3  }
0xa4: {  	[tilespmem:s14+$0xFFFFFF90] =	vst v1;
	v0 =	vmul.f32 v4, v10  }
0xa5: {  	[tilespmem:s1+$0xFFFFFFD0] =	vst v3;
	v1 =	vmul.f32 v20, v12  }
0xa6: {  	v3 =	vld [tilespmem:s12+$0xFFFFFF90];
	[tilespmem:s11+$0xFFFFFFA0] =	vst v0  }
0xa7: {  	v0 =	vld [tilespmem:s12+$0x10];
	[tilespmem:s1+$0x60] =	vst v1;
	v1 =	vmul.f32 v8, v15  }
0xa8: {  	[tilespmem:s1+$0x70] =	vst v20;
	v4 =	vmul.f32 v2, v7;
	v2 =	vld [tilespmem:s12+$0xFFFFFFE0]  }
0xa9: {  	[tilespmem:s14+$0xFFFFFFE0] =	vst v1;
	v1 =	vld [tilespmem:s7+$0xFFFFFFA0]  }
0xaa: {  	[tilespmem:s11+$0x20] =	vst v4;
	v4 =	vld [tilespmem:s7+$0x20]  }
0xab: {  	[tilespmem:s1+$0xFFFFFFF0] =	vst v13;
	v3 =	vmul.f32 v5, v3  }
0xac: {  	[tilespmem:s14+$0x30] =	vst v6;
	v0 =	vmul.f32 v14, v0  }
0xad: {  	[tilespmem:s1+$0xFFFFFF90] =	vst v3  }
0xae: {  	v2 =	vmul.f32 v13, v2;
	[tilespmem:s1+$0x10] =	vst v0;
	v0 =	vmul.f32 v11, v1;
	v1 =	vld [tilespmem:s12+$0xFFFFFFA0]  }
0xaf: {  	[tilespmem:s14+$0xFFFFFFB0] =	vst v11;
	v4 =	vmul.f32 v6, v4;
	v3 =	vld [tilespmem:s12+$0x20]  }
0xb0: {  	[tilespmem:s1+$0xFFFFFFE0] =	vst v2  }
0xb1: {  	[tilespmem:s14+$0x20] =	vst v4  }
0xb2: {  	[tilespmem:s1+$0xFFFFFFB0] =	vst v5  }
0xb3: {  	s24 =	sadd.s32 s6, s20;
	[tilespmem:s14+$0xFFFFFFA0] =	vst v0;
	v0 =	vmul.f32 v5, v1  }
0xb4: {  	s3 =	sshll.u32 s24, $0x7;
	[tilespmem:s1+$0x30] =	vst v14;
	v1 =	vmul.f32 v14, v3  }
0xb5: {  	p1 =	seq.s32 s17, $0x28;
	s3 =	sand.u32 $0x3FFFFF80, s3;
	[tilespmem:s1+$0xFFFFFFA0] =	vst v0  }
0xb6: {  	s7 =	sadd.s32 $0x2C80, s3;
	[tilespmem:s1+$0x20] =	vst v1;
	s1 =	sadd.s32 @!p1 s20, s13  }
0xb7: {  	[spmem:s2] =	stream.indirect.scatter.add.f32 [tilespmem:s26], [sflag:$0x5], $0x40, s7, s18, $0xb8;
	[tilespmem:$0x18900] =	vst v63  }
0xb8: {  	s3 =	simm.s32 @!p1 $0x80;
	s1 =	sshll.u32 @!p1 s1, $0x7;
	s7 =	simm.s32 @!p1 $0x5900  }
0xb9: {  	[tilespmem:s7], [sflag:$0x1] =	stream.indirect.gather @!p1 [hbm4b:s4+s3], $0x40, s1, s3, $0xb8;
	[tilespmem:$0x18900] =	vst v63  }
0xba: {  	s1 =	sadd.s32 @!p1 $0x2C80, s1;
	s7 =	simm.s32 @!p1 $0x9900  }
0xbb: {  	[tilespmem:s7], [sflag:$0x3] =	stream.indirect.gather @!p1 [hbm4b:s5+s3], $0x10, s1, s3, $0xb8;
	[tilespmem:$0x18900] =	vst v63  }
0xbc: {  	_ =	swait.ge [sflag:s28], $0x2000  }
0xbd: {  	[sflag:s28] =	ssyncset.done $0x0  }
0xbe: {  	[sflag:s28] =	ssyncadd.s32 $0xFFFFE000  }
0xbf: {  	_ =	swait.ge [sflag:s29], $0x800  }
0xc0: {  	[sflag:s29] =	ssyncset.done $0x0  }
0xc1: {  	s1 =	simm.s32 @!p0 $0x6;
	[sflag:s29] =	ssyncadd.s32 $0xFFFFF800  }
0xc2: {  	_ =	swait.ge @!p0 [sflag:s1], $0x2000  }
0xc3: {  	[sflag:s1] =	ssyncset.done @!p0 $0x0  }
0xc4: {  	s9 =	simm.s32 $0x7980;
	[sflag:s1] =	ssyncadd.s32 @!p0 $0xFFFFE000  }
0xc5: {  	s12 =	simm.s32 $0xA120;
	v0 =	vld [tilespmem:s9+$0x70]  }
0xc6: {  	v1 =	vld [tilespmem:s12+$0x10];
	_ =	sdelay $0x4  }
0xc7: {  	v0 =	vadd.f32 v1, v0;
	_ =	sdelay $0x1  }
0xc8: {  	v2 =	vld [tilespmem:s12+$0xFFFFFFF0];
	v3 =	vmin.f32 v0, $0.0e+00  }
0xc9: {  	v1 =	vld [tilespmem:s9+$0xFFFFFFF0];
	v3 =	vmul.f32 $2.000000030e-01, v3  }
0xca: {  	v0 =	vmax.f32 v0, $0.0e+00  }
0xcb: {  	v4 =	vld [tilespmem:s12+$0xFFFFFFE0];
	v0 =	vadd.f32 v3, v0  }
0xcc: {  	v6 =	vld [tilespmem:s9+$0xFFFFFFB0]  }
0xcd: {  	v5 =	vld [tilespmem:s9+$0x30];
	v0 =	vmul.f32 $1.442695020e+00, v0  }
0xce: {  	s3 =	simm.s32 $0x7A80;
	v3 =	vld [tilespmem:s12+$0x0];
	v1 =	vadd.f32 v2, v1  }
0xcf: {  	s20 =	simm.s32 $0xA160;
	v2 =	vld [tilespmem:s3+$0x70];
	(erf) = vpow2.f32 v0  }
0xd0: {  	v7 =	vmin.f32 v1, $0.0e+00;
	v0 =	vld [tilespmem:s20+$0x10]  }
0xd1: {  	v4 =	vadd.f32 v4, v6;
	v7 =	vmul.f32 $2.000000030e-01, v7  }
0xd2: {  	v1 =	vmax.f32 v1, $0.0e+00  }
0xd3: {  	v8 =	vld [tilespmem:s9+$0xFFFFFF80];
	v6 =	vmin.f32 v4, $0.0e+00;
	v1 =	vadd.f32 v7, v1;
	v3 =	vadd.f32 v3, v5  }
0xd4: {  	v4 =	vmax.f32 v4, $0.0e+00;
	v6 =	vmul.f32 $2.000000030e-01, v6;
	v5 =	vld [tilespmem:s9+$0x40]  }
0xd5: {  	v9 =	vld [tilespmem:s20+$0xFFFFFFF0];
	v1 =	vmul.f32 $1.442695020e+00, v1;
	v0 =	vadd.f32 v0, v2;
	v2 =	vmin.f32 v3, $0.0e+00  }
0xd6: {  	v4 =	vadd.f32 v6, v4;
	v7 =	vld [tilespmem:s3+$0xFFFFFFF0];
	v2 =	vmul.f32 $2.000000030e-01, v2  }
0xd7: {  	v10 =	vld [tilespmem:s9+$0xFFFFFFC0];
	(erf) = vpow2.f32 v1;
	v3 =	vmax.f32 v3, $0.0e+00;
	v1 =	vmin.f32 v0, $0.0e+00  }
0xd8: {  	v11 =	vld [tilespmem:s9+$0x0];
	v1 =	vmul.f32 $2.000000030e-01, v1;
	v2 =	vadd.f32 v2, v3;
	v12 =	vpop (erf)  }
0xd9: {  	v13 =	vld [tilespmem:s3+$0x30];
	v4 =	vmul.f32 $1.442695020e+00, v4;
	v0 =	vmax.f32 v0, $0.0e+00;
	v5 =	vmul.f32 v12, v5  }
0xda: {  	s10 =	simm.s32 $0xC980;
	s7 =	simm.s32 $0x7B80;
	v14 =	vld [tilespmem:s3+$0x0];
	v0 =	vadd.f32 v1, v0;
	v1 =	vmul.f32 $1.442695020e+00, v2  }
0xdb: {  	v15 =	vld [tilespmem:s7+$0x70];
	v6 =	vadd.f32 v9, v7;
	(erf) = vpow2.f32 v4;
	[tilespmem:s10+$0x40] =	vst v5  }
0xdc: {  	v0 =	vmul.f32 $1.442695020e+00, v0;
	(erf) = vpow2.f32 v1;
	v1 =	vld [tilespmem:s9+$0x50]  }
0xdd: {  	v19 =	vld [tilespmem:s7+$0xFFFFFFF0];
	v5 =	vmin.f32 v6, $0.0e+00  }
0xde: {  	v4 =	vld [tilespmem:s3+$0xFFFFFFB0];
	v5 =	vmul.f32 $2.000000030e-01, v5;
	(erf) = vpow2.f32 v0  }
0xdf: {  	s24 =	simm.s32 $0xA1A0;
	v3 =	vld [tilespmem:s20+$0xFFFFFFE0];
	v0 =	vmax.f32 v6, $0.0e+00  }
0xe0: {  	v21 =	vld [tilespmem:s24+$0xFFFFFFF0];
	v6 =	vpop (erf);
	v0 =	vadd.f32 v5, v0  }
0xe1: {  	v2 =	vld [tilespmem:s20+$0x0];
	v5 =	vmul.f32 v6, v10;
	v1 =	vmul.f32 v12, v1  }
0xe2: {  	v10 =	vld [tilespmem:s3+$0x40];
	v0 =	vmul.f32 $1.442695020e+00, v0  }
0xe3: {  	[tilespmem:s10+$0xFFFFFFC0] =	vst v5;
	v5 =	vld [tilespmem:s24+$0x10]  }
0xe4: {  	v23 =	vld [tilespmem:s7+$0xFFFFFFB0];
	v3 =	vadd.f32 v3, v4  }
0xe5: {  	v24 =	vld [tilespmem:s7+$0xFFFFFF80];
	v19 =	vadd.f32 v21, v19;
	[tilespmem:s10+$0x50] =	vst v1;
	v1 =	vpop (erf)  }
0xe6: {  	v21 =	vld [tilespmem:s7+$0xFFFFFFC0];
	v2 =	vadd.f32 v2, v13;
	v18 =	vmin.f32 v3, $0.0e+00;
	(erf) = vpow2.f32 v0;
	v0 =	vpop (erf)  }
0xe7: {  	v7 =	vld [tilespmem:s3+$0xFFFFFF80];
	v18 =	vmul.f32 $2.000000030e-01, v18;
	v20 =	vpop (erf)  }
0xe8: {  	v9 =	vld [tilespmem:s3+$0xFFFFFFC0];
	v17 =	vmin.f32 v2, $0.0e+00;
	v5 =	vadd.f32 v5, v15;
	v10 =	vmul.f32 v20, v10  }
0xe9: {  	s11 =	simm.s32 $0xCA80;
	v13 =	vld [tilespmem:s24+$0xFFFFFFE0];
	v3 =	vmax.f32 v3, $0.0e+00;
	v15 =	vmul.f32 $2.000000030e-01, v17  }
0xea: {  	v2 =	vmax.f32 v2, $0.0e+00;
	v16 =	vld [tilespmem:s9+$0xFFFFFFD0];
	v3 =	vadd.f32 v18, v3;
	[tilespmem:s11+$0x40] =	vst v10;
	v10 =	vmin.f32 v5, $0.0e+00  }
0xeb: {  	v18 =	vld [tilespmem:s24+$0x0];
	v2 =	vadd.f32 v15, v2;
	v10 =	vmul.f32 $2.000000030e-01, v10  }
0xec: {  	v22 =	vmul.f32 $1.442695020e+00, v3;
	v4 =	vld [tilespmem:s9+$0x60];
	v5 =	vmax.f32 v5, $0.0e+00  }
0xed: {  	v17 =	vld [tilespmem:s7+$0x30];
	v8 =	vmul.f32 v1, v8;
	v2 =	vmul.f32 $1.442695020e+00, v2;
	v5 =	vadd.f32 v10, v5  }
0xee: {  	s20 =	simm.s32 $0xA1E0;
	(erf) = vpow2.f32 v22;
	v11 =	vmul.f32 v0, v11;
	v15 =	vld [tilespmem:s3+$0x50]  }
0xef: {  	v25 =	vld [tilespmem:s20+$0x10];
	[tilespmem:s10+$0xFFFFFF80] =	vst v8;
	v3 =	vpop (erf);
	(erf) = vpow2.f32 v2;
	v2 =	vmin.f32 v19, $0.0e+00;
	v5 =	vmul.f32 $1.442695020e+00, v5  }
0xf0: {  	v22 =	vld [tilespmem:s7+$0x0];
	[tilespmem:s10+$0x0] =	vst v11;
	v11 =	vmax.f32 v19, $0.0e+00;
	v2 =	vmul.f32 $2.000000030e-01, v2;
	v10 =	vmul.f32 v6, v16  }
0xf1: {  	v8 =	vld [tilespmem:s9+$0xFFFFFF90];
	v9 =	vmul.f32 v3, v9;
	(erf) = vpow2.f32 v5;
	v5 =	vadd.f32 v13, v23  }
0xf2: {  	v16 =	vld [tilespmem:s9+$0x10];
	v2 =	vadd.f32 v2, v11;
	[tilespmem:s10+$0xFFFFFFD0] =	vst v10;
	v10 =	vadd.f32 v18, v17  }
0xf3: {  	[tilespmem:s11+$0xFFFFFFC0] =	vst v9;
	v17 =	vld [tilespmem:s7+$0x40];
	v9 =	vmul.f32 v20, v15;
	v13 =	vmul.f32 v12, v4;
	v4 =	vmin.f32 v5, $0.0e+00  }
0xf4: {  	s12 =	simm.s32 $0x7C80;
	v15 =	vld [tilespmem:s3+$0xFFFFFFD0];
	v2 =	vmul.f32 $1.442695020e+00, v2;
	v19 =	vmul.f32 $2.000000030e-01, v4  }
0xf5: {  	v23 =	vld [tilespmem:s12+$0x70];
	v5 =	vmax.f32 v5, $0.0e+00  }
0xf6: {  	v11 =	vld [tilespmem:s9+$0xFFFFFFE0];
	v18 =	vmin.f32 v10, $0.0e+00;
	[tilespmem:s11+$0x50] =	vst v9;
	(erf) = vpow2.f32 v2;
	v5 =	vadd.f32 v19, v5  }
0xf7: {  	v18 =	vmul.f32 $2.000000030e-01, v18;
	v9 =	vld [tilespmem:s3+$0x60];
	v4 =	vpop (erf)  }
0xf8: {  	v10 =	vmax.f32 v10, $0.0e+00;
	[tilespmem:s10+$0x60] =	vst v13;
	v13 =	vld [tilespmem:s20+$0xFFFFFFE0];
	v7 =	vmul.f32 v4, v7  }
0xf9: {  	[tilespmem:s10+$0x70] =	vst v12;
	v8 =	vmul.f32 v1, v8;
	v10 =	vadd.f32 v18, v10;
	v18 =	vld [tilespmem:s20+$0xFFFFFFF0];
	v2 =	vpop (erf)  }
0xfa: {  	v23 =	vadd.f32 v25, v23;
	v12 =	vmul.f32 v2, v14;
	v14 =	vld [tilespmem:s12+$0xFFFFFFF0];
	[tilespmem:s11+$0xFFFFFF80] =	vst v7;
	v7 =	vmul.f32 $1.442695020e+00, v5;
	v5 =	vpop (erf)  }
0xfb: {  	[tilespmem:s10+$0xFFFFFF90] =	vst v8;
	v10 =	vmul.f32 $1.442695020e+00, v10;
	v19 =	vld [tilespmem:s20+$0x0];
	v17 =	vmul.f32 v5, v17  }
0xfc: {  	s24 =	simm.s32 $0xCB80;
	v8 =	vmin.f32 v23, $0.0e+00;
	v9 =	vmul.f32 v20, v9;
	[tilespmem:s11+$0x0] =	vst v12;
	v12 =	vld [tilespmem:s12+$0x30];
	(erf) = vpow2.f32 v7  }
0xfd: {  	v7 =	vmul.f32 v3, v15;
	v15 =	vld [tilespmem:s12+$0xFFFFFFB0];
	(erf) = vpow2.f32 v10;
	[tilespmem:s24+$0x40] =	vst v17  }
0xfe: {  	[tilespmem:s10+$0xFFFFFFF0] =	vst v6;
	v10 =	vmul.f32 v0, v16;
	v16 =	vld [tilespmem:s7+$0x50]  }
0xff: {  	[tilespmem:s11+$0x60] =	vst v9;
	v9 =	vld [tilespmem:s12+$0x0];
	v14 =	vadd.f32 v18, v14;
	v17 =	vmul.f32 $2.000000030e-01, v8;
	v8 =	vpop (erf)  }
0x100: {  	v6 =	vmul.f32 v6, v11;
	v11 =	vmax.f32 v23, $0.0e+00;
	[tilespmem:s11+$0xFFFFFFD0] =	vst v7;
	v7 =	vld [tilespmem:s12+$0xFFFFFF80];
	v18 =	vmul.f32 v8, v21  }
0x101: {  	[tilespmem:s10+$0x10] =	vst v10;
	v10 =	vld [tilespmem:s12+$0xFFFFFFC0];
	v21 =	vmin.f32 v14, $0.0e+00;
	v12 =	vadd.f32 v19, v12;
	v11 =	vadd.f32 v17, v11  }
0x102: {  	v14 =	vmax.f32 v14, $0.0e+00;
	v17 =	vld [tilespmem:s3+$0xFFFFFF90];
	v13 =	vadd.f32 v13, v15;
	v15 =	vmul.f32 $2.000000030e-01, v21;
	[tilespmem:s24+$0xFFFFFFC0] =	vst v18  }
0x103: {  	[tilespmem:s10+$0xFFFFFFE0] =	vst v6;
	v6 =	vmin.f32 v12, $0.0e+00;
	v18 =	vmul.f32 $1.442695020e+00, v11;
	v23 =	vld [tilespmem:s7+$0xFFFFFFD0];
	v16 =	vmul.f32 v5, v16  }
0x104: {  	[tilespmem:s11+$0x70] =	vst v20;
	v62 =	vmax.f32 v12, $0.0e+00;
	v12 =	vld [tilespmem:s9+$0xFFFFFFA0];
	v20 =	vmin.f32 v13, $0.0e+00;
	v21 =	vmul.f32 $2.000000030e-01, v6  }
0x105: {  	v19 =	vmax.f32 v13, $0.0e+00;
	v13 =	vld [tilespmem:s3+$0x10];
	v20 =	vmul.f32 $2.000000030e-01, v20;
	v11 =	vpop (erf);
	(erf) = vpow2.f32 v18;
	[tilespmem:s24+$0x50] =	vst v16  }
0x106: {  	[tilespmem:s10+$0xFFFFFFB0] =	vst v1;
	v15 =	vadd.f32 v15, v14;
	v21 =	vadd.f32 v21, v62;
	v6 =	vpop (erf);
	v24 =	vmul.f32 v11, v24;
	v16 =	vld [tilespmem:s7+$0x60]  }
0x107: {  	v14 =	vld [tilespmem:s3+$0xFFFFFFE0];
	[tilespmem:s11+$0xFFFFFFF0] =	vst v3;
	v18 =	vmul.f32 v4, v17;
	v19 =	vadd.f32 v20, v19;
	v63 =	vmul.f32 v6, v22  }
0x108: {  	s31 =	simm.s32 $0xC;
	v20 =	vmul.f32 $1.442695020e+00, v15;
	v15 =	vld [tilespmem:s9+$0x20];
	v17 =	vmul.f32 $1.442695020e+00, v21;
	[tilespmem:s24+$0xFFFFFF80] =	vst v24  }
0x109: {  	s1 =	simm.s32 $0x7D80;
	s9 =	simm.s32 $0xCB80;
	v22 =	vmul.f32 v8, v23;
	v21 =	vmul.f32 $1.442695020e+00, v19;
	v19 =	vld [tilespmem:s12+$0x40];
	[tilespmem:s24+$0x0] =	vst v63  }
.LBB2_5:
0x10a: {  	v23 =	vld [tilespmem:s1+$0x70];
	s20 =	sadd.s32 $0x40, s20;
	(erf) = vpow2.f32 v20;
	[tilespmem:s11+$0xFFFFFF90] =	vst v18;
	v13 =	vmul.f32 v2, v13  }
0x10b: {  	s31 =	sadd.s32 $0x4, s31;
	v18 =	vld [tilespmem:s20+$0x10];
	(erf) = vpow2.f32 v21;
	[tilespmem:s24+$0xFFFFFFD0] =	vst v22;
	v16 =	vmul.f32 v5, v16  }
0x10c: {  	v12 =	vmul.f32 v1, v12;
	v1 =	vmovc v4;
	v4 =	vmov v11;
	p0 =	slt.u32 s31, $0x7C;
	v20 =	vld [tilespmem:s20+$0xFFFFFFE0];
	(erf) = vpow2.f32 v17;
	[tilespmem:s11+$0x10] =	vst v13  }
0x10d: {  	v13 =	vmul.f32 v3, v14;
	v3 =	vmov v8;
	v11 =	vld [tilespmem:s1+$0xFFFFFFF0];
	[tilespmem:s24+$0x60] =	vst v16;
	v14 =	vmul.f32 v0, v15  }
0x10e: {  	v8 =	vld [tilespmem:s20+$0xFFFFFFF0];
	v15 =	vpop (erf);
	[tilespmem:s10+$0xFFFFFFA0] =	vst v12  }
0x10f: {  	v12 =	vld [tilespmem:s1+$0x30];
	v16 =	vmul.f32 v15, v19;
	[tilespmem:s11+$0xFFFFFFE0] =	vst v13  }
0x110: {  	s24 =	sadd.s32 $0x100, s24;
	v13 =	vld [tilespmem:s20+$0x0];
	v17 =	vadd.f32 v18, v23;
	[tilespmem:s10+$0x20] =	vst v14  }
0x111: {  	v14 =	vld [tilespmem:s1+$0xFFFFFFB0];
	[tilespmem:s24+$0x40] =	vst v16  }
0x112: {  	v16 =	vmin.f32 v17, $0.0e+00;
	v18 =	vld [tilespmem:s12+$0x50];
	[tilespmem:s10+$0x30] =	vst v0;
	v0 =	vmov v2;
	v2 =	vmov v6;
	s10 =	smov.u32 s11;
	s11 =	smov.u32 s9;
	s9 =	smov.u32 s24  }
0x113: {  	v19 =	vld [tilespmem:s1+$0xFFFFFF80];
	v21 =	vadd.f32 v8, v11;
	v23 =	vmul.f32 $2.000000030e-01, v16;
	v8 =	vpop (erf);
	[tilespmem:s11+$0x70] =	vst v5;
	v5 =	vmov v15  }
0x114: {  	v15 =	vmax.f32 v17, $0.0e+00;
	v16 =	vmul.f32 v8, v10;
	v10 =	vld [tilespmem:s1+$0xFFFFFFC0];
	v11 =	vpop (erf)  }
0x115: {  	v17 =	vmin.f32 v21, $0.0e+00;
	v12 =	vadd.f32 v13, v12;
	v22 =	vld [tilespmem:s1+$0x0];
	v13 =	vadd.f32 v23, v15;
	v6 =	vpop (erf)  }
0x116: {  	v15 =	vmax.f32 v21, $0.0e+00;
	v14 =	vadd.f32 v20, v14;
	v17 =	vmul.f32 $2.000000030e-01, v17;
	[tilespmem:s24+$0xFFFFFFC0] =	vst v16;
	v20 =	vld [tilespmem:s7+$0xFFFFFF90]  }
0x117: {  	v16 =	vmin.f32 v12, $0.0e+00;
	v21 =	vmul.f32 $1.442695020e+00, v13;
	v23 =	vld [tilespmem:s12+$0xFFFFFFD0];
	v18 =	vmul.f32 v5, v18  }
0x118: {  	v24 =	vmax.f32 v14, $0.0e+00;
	v14 =	vmin.f32 v14, $0.0e+00;
	v16 =	vmul.f32 $2.000000030e-01, v16;
	v13 =	vld [tilespmem:s7+$0x10]  }
.Ltmp1:
0x119: {  	v25 =	vmax.f32 v12, $0.0e+00;
	v14 =	vmul.f32 $2.000000030e-01, v14;
	(erf) = vpow2.f32 v21;
	[tilespmem:s24+$0x50] =	vst v18;
	v12 =	vld [tilespmem:s3+$0xFFFFFFA0];
	(pc) =	sbr.rel @p0 .LBB2_5-.Ltmp1, $4  }
0x11a: {  	v15 =	vadd.f32 v17, v15;
	v17 =	vadd.f32 v16, v25;
	v25 =	vmul.f32 v11, v7;
	v16 =	vld [tilespmem:s12+$0x60];
	[tilespmem:s10+$0xFFFFFFB0] =	vst v1  }
0x11b: {  	v21 =	vadd.f32 v14, v24;
	v24 =	vmul.f32 v6, v9;
	v18 =	vmul.f32 v4, v20;
	v14 =	vld [tilespmem:s7+$0xFFFFFFE0];
	[tilespmem:s11+$0xFFFFFFF0] =	vst v3  }
0x11c: {  	v7 =	vmovc v19;
	v20 =	vmul.f32 $1.442695020e+00, v15;
	v9 =	vmov v22;
	v17 =	vmul.f32 $1.442695020e+00, v17;
	[tilespmem:s24+$0xFFFFFF80] =	vst v25;
	v15 =	vld [tilespmem:s3+$0x20];
	s3 =	smov.u32 s7;
	s7 =	smov.u32 s12;
	s12 =	smov.u32 s1  }
0x11d: {  	s1 =	sadd.s32 $0x100, s1;
	v22 =	vmul.f32 v8, v23;
	v21 =	vmul.f32 $1.442695020e+00, v21;
	v19 =	vld [tilespmem:s12+$0x40];
	[tilespmem:s24+$0x0] =	vst v24  }
0x11e: {  	[tilespmem:s11+$0xFFFFFF90] =	vst v18  }
0x11f: {  	[tilespmem:s10+$0x30] =	vst v0  }
0x120: {  	v13 =	vmul.f32 v2, v13;
	[tilespmem:s24+$0xFFFFFFD0] =	vst v22  }
0x121: {  	v1 =	vmul.f32 v1, v12;
	v44 =	vld [tilespmem:s3+$0xFFFFFFA0];
	[tilespmem:s11+$0xFFFFFFB0] =	vst v4  }
0x122: {  	[tilespmem:s11+$0x10] =	vst v13  }
0x123: {  	(erf) = vpow2.f32 v20;
	v40 =	vld [tilespmem:s7+$0xFFFFFF90];
	v16 =	vmul.f32 v5, v16;
	[tilespmem:s10+$0xFFFFFFA0] =	vst v1  }
0x124: {  	v48 =	vld [tilespmem:s7+$0xFFFFFFE0];
	[tilespmem:s9+$0xFFFFFFF0] =	vst v8  }
0x125: {  	v43 =	vld [tilespmem:s7+$0x10];
	v3 =	vmul.f32 v3, v14;
	[tilespmem:s24+$0x60] =	vst v16;
	v35 =	vpop (erf);
	(erf) = vpow2.f32 v21  }
0x126: {  	v49 =	vld [tilespmem:s3+$0x20];
	[tilespmem:s11+$0x30] =	vst v2;
	(erf) = vpow2.f32 v17  }
0x127: {  	v39 =	vmul.f32 v0, v15;
	[tilespmem:s11+$0xFFFFFFE0] =	vst v3  }
0x128: {  	[tilespmem:s9+$0x70] =	vst v5;
	v19 =	vmul.f32 v35, v19  }
0x129: {  	s1 =	sadd.s32 $0x100, s24;
	[tilespmem:s10+$0x20] =	vst v39;
	v1 =	vmul.f32 v11, v40  }
0x12a: {  	v0 =	vmul.f32 v6, v43;
	[tilespmem:s1+$0x40] =	vst v19  }
0x12b: {  	v51 =	vmul.f32 v4, v44;
	[tilespmem:s9+$0xFFFFFF90] =	vst v1  }
0x12c: {  	[tilespmem:s9+$0x10] =	vst v0;
	v37 =	vpop (erf)  }
0x12d: {  	v36 =	vld [tilespmem:s12+$0x50];
	[tilespmem:s11+$0xFFFFFFA0] =	vst v51;
	v38 =	vmul.f32 v37, v10  }
0x12e: {  	v56 =	vld [tilespmem:s7+$0xFFFFFFA0];
	[tilespmem:s9+$0xFFFFFFB0] =	vst v11;
	v45 =	vpop (erf)  }
0x12f: {  	v58 =	vld [tilespmem:s7+$0x20];
	[tilespmem:s1+$0xFFFFFFC0] =	vst v38;
	v47 =	vpop (erf);
	v7 =	vmul.f32 v45, v7  }
0x130: {  	[tilespmem:s9+$0x30] =	vst v6;
	v41 =	vld [tilespmem:s12+$0xFFFFFFD0];
	v9 =	vmul.f32 v47, v9  }
0x131: {  	v52 =	vmul.f32 v8, v48;
	[tilespmem:s1+$0xFFFFFF80] =	vst v7  }
0x132: {  	v54 =	vmul.f32 v2, v49;
	[tilespmem:s1+$0x0] =	vst v9;
	v53 =	vld [tilespmem:s12+$0xFFFFFF90]  }
0x133: {  	[tilespmem:s9+$0xFFFFFFE0] =	vst v52;
	v42 =	vmul.f32 v35, v36;
	v55 =	vld [tilespmem:s12+$0x10]  }
0x134: {  	[tilespmem:s11+$0x20] =	vst v54;
	v59 =	vmul.f32 v11, v56  }
0x135: {  	[tilespmem:s1+$0x50] =	vst v42;
	v3 =	vmul.f32 v37, v41  }
0x136: {  	v4 =	vmul.f32 v6, v58;
	[tilespmem:s9+$0xFFFFFFA0] =	vst v59;
	v46 =	vld [tilespmem:s12+$0x60]  }
0x137: {  	[tilespmem:s1+$0xFFFFFFD0] =	vst v3;
	v3 =	vmul.f32 v45, v53  }
0x138: {  	[tilespmem:s9+$0x20] =	vst v4;
	v0 =	vmul.f32 v47, v55  }
0x139: {  	v57 =	vld [tilespmem:s12+$0xFFFFFFE0];
	[tilespmem:s1+$0xFFFFFF90] =	vst v3  }
0x13a: {  	[tilespmem:s1+$0x10] =	vst v0;
	v60 =	vld [tilespmem:s12+$0xFFFFFFA0]  }
0x13b: {  	[tilespmem:s1+$0x70] =	vst v35;
	v50 =	vmul.f32 v35, v46;
	v61 =	vld [tilespmem:s12+$0x20]  }
0x13c: {  	[tilespmem:s1+$0xFFFFFFF0] =	vst v37  }
0x13d: {  	s17 =	sadd.s32 $0x1, s17;
	[tilespmem:s1+$0x60] =	vst v50  }
0x13e: {  	p0 =	sne.s32 s17, $0x29;
	[tilespmem:s1+$0xFFFFFFB0] =	vst v45;
	v2 =	vmul.f32 v37, v57  }
.Ltmp2:
0x13f: {  	[tilespmem:s1+$0x30] =	vst v47;
	v62 =	vmul.f32 v45, v60;
	(pc) =	sbr.rel @p0 .LBB2_2-.Ltmp2, $4  }
0x140: {  	[tilespmem:s1+$0xFFFFFFE0] =	vst v2;
	v63 =	vmul.f32 v47, v61  }
0x141: {  	s24 =	sand.u32 $0x3FFFFF80, s19;
	[tilespmem:s1+$0xFFFFFFA0] =	vst v62  }
0x142: {  	s31 =	sadd.s32 $0x2C80, s24;
	[tilespmem:s1+$0x20] =	vst v63  }
0x143: {  	[spmem:s2] =	stream.indirect.scatter.add.f32 [tilespmem:s30], [sflag:$0x6], $0x40, s31, s18, $0xb8;
	[tilespmem:$0x18900] =	vst v63  }
0x144: {  	s1 =	simm.s32 $0x5  }
0x145: {  	_ =	swait.ge [sflag:s1], $0x2000  }
0x146: {  	[sflag:s1] =	ssyncset.done $0x0  }
0x147: {  	s20 =	simm.s32 $0x6;
	[sflag:s1] =	ssyncadd.s32 $0xFFFFE000  }
0x148: {  	_ =	swait.ge [sflag:s20], $0x2000  }
0x149: {  	[sflag:s20] =	ssyncset.done $0x0  }
0x14a: {  	[sflag:s20] =	ssyncadd.s32 $0xFFFFE000  }
0x14b: {  	[bflag:$0x0] =	sbarrier.arrive $0xFFFF  }
0x14c: {  	s24 =	rddreg [dreg:$0xa]  }
0x14d: {  	[hbm:s24], [sflag:s8] =	dma.local [spmem:s15], $0x1400  }
0x14e: {  	_ =	swait.ge [sflag:s16], $0x1400  }
0x14f: {  	s0 =	sadd.s32 $0x1, s0;
	s31 =	rddreg [dreg:$0x9]  }
0x150: {  	p0 =	sne.s32 s0, s31  }
.Ltmp3:
0x151: {  	_ = 	snop;
	(pc) =	sbr.rel @p0 .LBB2_1-.Ltmp3, $3  }
0x152: {  	_ =	sdelay $0x1  }
0x153: {  	[sflag:s16] =	ssyncset.done $0x0  }
0x154: {  	[sflag:s16] =	ssyncadd.s32 $0xFFFFEC00  }
0x155: {  	_ =	sfence.sel $0x180000  }
0x156: {  	[bflag:$0x0] =	sbarrier.arrive $0xFFFF  }
0x157: {  	_ =	strace $0x9000004A  }
0x158: {  	s0 =	stileid.u32;
	[bflag:$0x2] =	sbarrier.arrive $0xFFFF  }
0x159: {  	p0 =	sne.s32 s0, $0x0;
	s0 =	rddreg [dreg:$0x3]  }
0x15a: {  	s0 =	sadd.s32 @!p0 $0x100000, s0  }
0x15b: {  	[sflag:s0] =	ssyncadd.tile.s32 @!p0 $0x1;
	_ =	shalt  }
.Lfunc_end2:
_tile_overlayer_lowered:
.L_overlay_start_2:
0x15c: {  	(tag) =	ssettag $0x2  }
0x15d: {  	s0 =	rddreg [dreg:$0x0];
	s2 =	stileid.u32  }
0x15e: {  	s1 =	rddreg [dreg:$0x1];
	p0 =	sne.s32 s2, $0x0  }
0x15f: {  	s3 =	rddreg [dreg:$0x2];
	[bflag:$0x3] =	sbarrier.arrive $0xFFFF;
	s2 =	simm.s32 @!p0 $0x1C07  }
0x160: {  	[timem:s3], [sflag:s2] =	dma.local @!p0 [hbm:s0], s1  }
0x161: {  	s0 =	simm.s32 @!p0 $0x7  }
0x162: {  	_ =	swait.ge @!p0 [sflag:s0], s1  }
0x163: {  	s1 =	ssub.s32 @!p0 $0x0, s1;
	[sflag:s0] =	ssyncset.done @!p0 $0x0  }
0x164: {  	[sflag:s0] =	ssyncadd.s32 @!p0 s1  }
0x165: {  	[bflag:$0x3] =	sbarrier.arrive $0xFFFF  }
0x166: {  	_ =	shalt  }

// kernel: kernel.7.cloned.1.call-start
scs
__scs_entry_jumppad:
0x0: {  	(pc) =	sbr.rel $0x88, $3  }
0x1: {  	(tag) =	ssettag $0x0;
	lr =	simm.s32 $0x1  }
0x2: {  	[smem:$0x3F97] =	sst lr;
	_ =	strace $0xD0000000  }
0x3: {  	_ = 	snop  }
0x4: {  	_ = 	snop  }
0x5: {  	_ = 	snop  }
0x6: {  	_ = 	snop  }
0x7: {  	_ = 	snop  }
__scs_overlays_trampoline_lowered:
0x8: {  	[smem:$0x3FA6] =	sst s0  }
0x9: {  	[smem:$0x3FA7] =	sst s1  }
0xa: {  	[smem:$0x3FA8] =	sst s2  }
0xb: {  	[smem:$0x3FA9] =	sst s3  }
0xc: {  	[smem:$0x3FAA] =	sst s4  }
0xd: {  	[smem:$0x3FAB] =	sst s5  }
0xe: {  	[smem:$0x3FAC] =	sst s6  }
0xf: {  	[smem:$0x3FAD] =	sst s7  }
0x10: {  	[smem:$0x3FAE] =	sst s8  }
0x11: {  	[smem:$0x3FAF] =	sst s9;
	s0 =	simm.s32 @!p0 $0x0  }
0x12: {  	s1 =	sld [smem:$0x3F95];
	s0 =	simm.s32 @p0 $0x1  }
0x13: {  	[smem:$0x3FB0] =	sst s0;
	s0 =	simm.s32 @!p1 $0x0  }
0x14: {  	s2 =	sld [smem:$0x3F94];
	s0 =	simm.s32 @p1 $0x1  }
0x15: {  	[smem:$0x3FB1] =	sst s0;
	s0 =	simm.s32 @!p2 $0x0  }
0x16: {  	s3 =	sld [smem:$0x3FDB];
	s0 =	simm.s32 @p2 $0x1  }
0x17: {  	s4 =	simm.s32 $0x1BF5;
	[smem:$0x3FB3] =	sst s0  }
0x18: {  	s0 =	sld [smem:$0x3F96];
	_ =	swait.ge [sflag:s4], $0x0  }
0x19: {  	s7 =	sld [smem:$0x3F97]  }
0x1a: {  	s8 =	sadd.s32 $0xFFFFE003, lr  }
0x1b: {  	s9 =	sadd.s32 $0xFFFFFEF7, lr;
	s5 =	simm.s32 $0xFFFFFFFF;
	p2 =	slt.u32 s8, $0xFFFFF086  }
0x1c: {  	p1 =	slt.u32 s9, $0xF7A;
	s5 =	simm.s32 @!p2 $0x0  }
0x1d: {  	s5 =	simm.s32 @p1 $0x1;
	p0 =	seq.s32 s7, s2  }
0x1e: {  	s7 =	smul.u32 @!p0 $0xF7A, s2;
	p2 =	seq.s32 @!p0 s5, $0x0  }
0x1f: {  	s9 =	smul.u32 $0xF7A, s1;
	s8 =	simm.s32 @!p0 $0x1BF5;
	p2 =	por !p2, p0  }
0x20: {  	[sflag:s8] =	ssyncset.s32 @!p0 $0xFFFFF086;
	s6 =	sadd.s32 @!p0 s3, s7;
	s7 =	simm.s32 @!p0 $0x108  }
0x21: {  	s3 =	sadd.s32 s3, s9;
	s6 =	sadd.s32 @!p0 $0x88, s6;
	s7 =	simm.s32 @p2 $0x1082  }
0x22: {  	[simem:s7], [sflag:s8] =	dma.local @!p0 [hbm:s6], $0xF7A  }
0x23: {  	s9 =	sor.u32 $0xD0000000, s2;
	s6 =	simm.s32 $0x108;
	_ =	swait.ge @!p0 [sflag:s8], $0x0  }
0x24: {  	s3 =	sadd.s32 $0x88, s3;
	s6 =	simm.s32 @!p1 $0x1082;
	[sflag:s4] =	ssyncset.s32 $0xFFFFF086  }
0x25: {  	[simem:s6], [sflag:s4] =	dma.local [hbm:s3], $0xF7A  }
0x26: {  	[smem:$0x3F97] =	sst s1;
	(tag) =	ssettag s2;
	_ =	strace s9  }
0x27: {  	s1 =	sld [smem:$0x3FA7]  }
0x28: {  	s2 =	sld [smem:$0x3FA8]  }
0x29: {  	s4 =	sld [smem:$0x3FAA]  }
0x2a: {  	p0 =	seq.s32 s5, $0x0;
	s5 =	sld [smem:$0x3FAB]  }
0x2b: {  	s6 =	sld [smem:$0x3FAC]  }
0x2c: {  	s7 =	sld [smem:$0x3FAD]  }
0x2d: {  	s3 =	simm.s32 $0x108;
	s8 =	sld [smem:$0x3FAE]  }
0x2e: {  	s3 =	simm.s32 @!p0 $0x1082;
	s9 =	sld [smem:$0x3FAF]  }
0x2f: {  	lr =	sadd.s32 s0, s3;
	s0 =	sld [smem:$0x3FA6]  }
0x30: {  	s3 =	sld [smem:$0x3FA9]  }
0x31: {  	[smem:$0x3FB2] =	sst s10  }
0x32: {  	s10 =	sld [smem:$0x3FB0];
	_ =	sdelay $0x3  }
0x33: {  	p0 =	seq.s32 s10, $0x1;
	s10 =	sld [smem:$0x3FB2];
	_ =	sdelay $0x3  }
0x34: {  	[smem:$0x3FB2] =	sst s10  }
0x35: {  	s10 =	sld [smem:$0x3FB1];
	_ =	sdelay $0x3  }
0x36: {  	p1 =	seq.s32 s10, $0x1;
	s10 =	sld [smem:$0x3FB2];
	_ =	sdelay $0x3  }
0x37: {  	[smem:$0x3FB2] =	sst s10  }
0x38: {  	s10 =	sld [smem:$0x3FB3]  }
0x39: {  	_ = 	snop;
	(pc) =	sbr.ind lr, $3  }
0x3a: {  	_ = 	snop  }
0x3b: {  	_ = 	snop  }
0x3c: {  	p2 =	seq.s32 s10, $0x1;
	s10 =	sld [smem:$0x3FB2]  }
0x3d: {  	_ =	shalt  }
0x3e: {  	_ =	shalt  }
0x3f: {  	_ =	shalt  }
0x40: {  	_ =	shalt  }
0x41: {  	_ =	shalt  }
0x42: {  	_ =	shalt  }
0x43: {  	_ =	shalt  }
0x44: {  	_ =	shalt  }
0x45: {  	_ =	shalt  }
0x46: {  	_ =	shalt  }
0x47: {  	_ =	shalt  }
0x48: {  	_ =	shalt  }
0x49: {  	_ =	shalt  }
0x4a: {  	_ =	shalt  }
0x4b: {  	_ =	shalt  }
0x4c: {  	_ =	shalt  }
0x4d: {  	_ =	shalt  }
0x4e: {  	_ =	shalt  }
0x4f: {  	_ =	shalt  }
0x50: {  	_ =	shalt  }
0x51: {  	_ =	shalt  }
0x52: {  	_ =	shalt  }
0x53: {  	_ =	shalt  }
0x54: {  	_ =	shalt  }
0x55: {  	_ =	shalt  }
0x56: {  	_ =	shalt  }
0x57: {  	_ =	shalt  }
0x58: {  	_ =	shalt  }
0x59: {  	_ =	shalt  }
0x5a: {  	_ =	shalt  }
0x5b: {  	_ =	shalt  }
0x5c: {  	_ =	shalt  }
0x5d: {  	_ =	shalt  }
0x5e: {  	_ =	shalt  }
0x5f: {  	_ =	shalt  }
0x60: {  	_ =	shalt  }
0x61: {  	_ =	shalt  }
0x62: {  	_ =	shalt  }
0x63: {  	_ =	shalt  }
0x64: {  	_ =	shalt  }
0x65: {  	_ =	shalt  }
0x66: {  	_ =	shalt  }
0x67: {  	_ =	shalt  }
0x68: {  	_ =	shalt  }
0x69: {  	_ =	shalt  }
0x6a: {  	_ =	shalt  }
0x6b: {  	_ =	shalt  }
0x6c: {  	_ =	shalt  }
0x6d: {  	_ =	shalt  }
0x6e: {  	_ =	shalt  }
0x6f: {  	_ =	shalt  }
0x70: {  	_ =	shalt  }
0x71: {  	_ =	shalt  }
0x72: {  	_ =	shalt  }
0x73: {  	_ =	shalt  }
0x74: {  	_ =	shalt  }
0x75: {  	_ =	shalt  }
0x76: {  	_ =	shalt  }
0x77: {  	_ =	shalt  }
0x78: {  	_ =	shalt  }
0x79: {  	_ =	shalt  }
0x7a: {  	_ =	shalt  }
0x7b: {  	_ =	shalt  }
0x7c: {  	_ =	shalt  }
0x7d: {  	_ =	shalt  }
0x7e: {  	_ =	shalt  }
0x7f: {  	_ =	shalt  }
0x80: {  	_ =	shalt  }
0x81: {  	_ =	shalt  }
0x82: {  	_ =	shalt  }
0x83: {  	_ =	shalt  }
0x84: {  	_ =	shalt  }
0x85: {  	_ =	shalt  }
0x86: {  	_ =	shalt  }
0x87: {  	_ =	shalt  }
.Lfunc_end0:
.L_simem_size_0:
called_computation_lowered:
.L_overlay_start_0:
0x88: {  	s2 =	sld [smem:$0x3FD9]  }
0x89: {  	s3 =	sld [smem:$0x3FFE];
	_ =	sdelay $0x1  }
0x8a: {  	s1 =	srdreg.scid  }
0x8b: {  	s0 =	sand.u32 $0x1, s1  }
0x8c: {  	s17 =	sshll.u32 s0, $0xA;
	s2 =	sadd.s32 s3, s2  }
0x8d: {  	s2 =	sadd.s32 s2, s17  }
0x8e: {  	[smem:$0x3FBE] =	sst s2  }
0x8f: {  	_ = 	snop  }
0x90: {  	s2 =	sld [smem:$0x3FD0];
	(tm) =	ssettm $0x1  }
0x91: {  	s18 =	sld [smem:$0x3FFB];
	_ =	sdelay $0x3  }
0x92: {  	_ =	strace s18  }
0x93: {  	s3 =	sld [smem:$0x3FFC];
	_ =	sdelay $0x3  }
0x94: {  	_ =	strace s3  }
0x95: {  	s3 =	sld [smem:$0x3FFD];
	_ =	sdelay $0x3  }
0x96: {  	_ =	strace s3  }
0x97: {  	_ =	strace $0x8FFFFFFF  }
0x98: {  	s19 =	sld [smem:$0x3FDB];
	_ =	sdelay $0x1  }
0x99: {  	s4 =	simm.s32 $_scs_section_size  }
0x9a: {  	s5 =	simm.s32 $_size__tile_overlayer_lowered;
	s6 =	simm.s32 $_tile_overlayer_lowered  }
0x9b: {  	s22 =	simm.s32 $0x1BFF;
	s21 =	sshll.u32 s6, $0x1;
	s3 =	sadd.s32 s4, s19  }
0x9c: {  	s7 =	simm.s32 $0x0;
	s20 =	sshll.u32 s5, $0x1;
	s5 =	sadd.s32 s21, s3  }
0x9d: {  	[timem:s7], [sflag:s22] =	dma.local [hbm:s5], s20  }
0x9e: {  	_ =	swait.ge [sflag:s22], s20  }
0x9f: {  	s4 =	ssub.s32 $0x0, s20;
	[sflag:s22] =	ssyncset.done $0x0  }
0xa0: {  	[sflag:s22] =	ssyncadd.s32 s4;
	_ =	sdelay $0x1  }
0xa1: {  	s23 =	simm.s32 $0x1B8B  }
0xa2: {  	_ =	swait.ge [sflag:s23], $0x1  }
0xa3: {  	[sflag:s23] =	ssyncset.done $0x0  }
0xa4: {  	s25 =	simm.s32 $0x1B8E;
	s24 =	sld [smem:$0x3FFE];
	[sflag:s23] =	ssyncadd.s32 $0xFFFFFFFF  }
0xa5: {  	s26 =	simm.s32 $execute0_lowered;
	[smem:$0x3FD2] =	sst s25  }
0xa6: {  	s5 =	sshll.u32 s26, $0x1;
	_ =	strace $0x80000046;
	[dreg:$0x1] =	wrdreg $0xFFFFFFFF  }
0xa7: {  	s28 =	simm.s32 $_size_execute0_lowered;
	s3 =	sadd.s32 s3, s5;
	[dreg:$0x0] =	wrdreg $0x0  }
0xa8: {  	s5 =	sshll.u32 s28, $0x1;
	[dreg:$0x2] =	wrdreg s3  }
0xa9: {  	[dreg:$0x3] =	wrdreg s5  }
0xaa: {  	[dreg:$0x4] =	wrdreg $0xC0  }
0xab: {  	_ =	task [dreg:s7], $0x5FFFF  }
0xac: {  	[dreg:$0x1] =	wrdreg $0xFFFFFFFF  }
0xad: {  	[dreg:$0x0] =	wrdreg $0x60  }
0xae: {  	[dreg:$0x2] =	wrdreg s24  }
0xaf: {  	[dreg:$0x3] =	wrdreg s2  }
0xb0: {  	[dreg:$0x4] =	wrdreg $0x109000  }
0xb1: {  	[dreg:$0x5] =	wrdreg $0x9  }
0xb2: {  	_ =	task.clear_ibuf [dreg:s7], $0x6FFFF;
	_ =	strace $0x90000046  }
0xb3: {  	s29 =	simm.s32 $0x9;
	_ =	strace $0x80000048  }
0xb4: {  	_ =	swait.ge [sflag:s29], $0x1  }
0xb5: {  	[sflag:s29] =	ssyncadd.s32 $0xFFFFFFFF  }
0xb6: {  	_ =	strace $0x90000048  }
0xb7: {  	_ =	sfence  }
0xb8: {  	s30 =	sld [smem:$0x0];
	_ =	sdelay $0x2  }
0xb9: {  	s31 =	sshll.u32 s1, $0xD;
	s1 =	sshrl.u32 s1, $0x2  }
0xba: {  	s3 =	sand.u32 $0x4000, s31;
	s1 =	sadd.s32 s1, s30  }
0xbb: {  	s0 =	sor.u32 s3, s0;
	s1 =	sshll.u32 s1, $0x11  }
0xbc: {  	s0 =	sor.u32 s1, s0  }
0xbd: {  	s0 =	sadd.s32 $0x8F2B, s0  }
0xbe: {  	[sflag:s0] =	ssyncadd.remote.s32 $0x1  }
0xbf: {  	_ =	sfence.sel $0xFFFF  }
0xc0: {  	[dreg:$0x0] =	wrdreg $0xFFFFFFFF;
	(pc) =	sbr.abs _section_cstart, $3  }
0xc1: {  	[dreg:$0x1] =	wrdreg $0xFFFFFFFF  }
0xc2: {  	_ =	task.clear_ibuf [dreg:s7], $0x2FFFF;
	_ =	strace $0x9FFFFFFF  }
0xc3: {  	(tm) =	ssettm $0x7FFFFFFF  }
tec
execute0_lowered:
.L_overlay_start_1:
0x0: {  	(tag) =	ssettag $0x1  }
0x1: {  	s0 =	rddreg [dreg:$0x0]  }
0x2: {  	s1 =	rddreg [dreg:$0x1]  }
0x3: {  	s2 =	rddreg [dreg:$0x2];
	s14 =	stileid.u32  }
0x4: {  	s3 =	srdreg.scid;
	s4 =	simm.s32 $0x0;
	s16 =	simm.s32 $0x7  }
0x5: {  	s18 =	simm.s32 $0x80;
	s28 =	simm.s32 $0x2;
	s29 =	simm.s32 $0x4  }
0x6: {  	s30 =	simm.s32 $0xE100;
	s5 =	smul.u32 $0x52, s14;
	s3 =	sand.u32 $0x1, s3  }
0x7: {  	[smem:$0x7FF] =	sst s4;
	s4 =	sadd.s32 $0x1A00, s0;
	s8 =	smul.u32 $0xC800, s14  }
0x8: {  	s22 =	sshll.u32 s14, $0x6;
	p0 =	seq.s32 s3, $0x0;
	_ =	strace $0x80000047  }
0x9: {  	s9 =	smul.u32 $0x19000, s3;
	s3 =	ssub.s32 $0x2, s3;
	s6 =	sadd.s32 $0x520, s5  }
0xa: {  	s11 =	sshrl.u32 s8, $0x3;
	s12 =	sshrl.u32 s3, $0x1;
	s21 =	sadd.s32 s8, s2  }
0xb: {  	s8 =	sor.u32 $0x1C07, s22;
	s22 =	simm.s32 $0xB100;
	s6 =	smov.u32 @p0 s5  }
0xc: {  	s5 =	sadd.s32 $0x1AA00, s0;
	s13 =	sadd.s32 s11, s0;
	s3 =	ssub.s32 s3, s12  }
0xd: {  	s15 =	sshrl.u32 s21, $0x3;
	s21 =	simm.s32 $0x8100;
	s7 =	sshll.u32 s6, $0x4  }
0xe: {  	s6 =	sand.u32 $0x6, s6;
	s23 =	sadd.s32 $0x2A600, s13;
	s31 =	smax.u32 s3, $0x1  }
0xf: {  	s7 =	sand.u32 $0xFF80, s7;
	[dreg:$0x4] =	wrdreg s23;
	s24 =	sshll.u32 s6, $0x7  }
0x10: {  	s13 =	sadd.s32 $0x2, s6;
	[dreg:$0x9] =	wrdreg s31;
	s23 =	simm.s32 $0x1  }
0x11: {  	s10 =	sadd.s32 s7, s0;
	s1 =	sadd.s32 s1, s7;
	[dreg:$0x5] =	wrdreg s24  }
0x12: {  	s0 =	sadd.s32 s9, s0;
	s26 =	sor.u32 $0x2C80, s24;
	[dreg:$0x6] =	wrdreg s1  }
0x13: {  	s25 =	sadd.s32 $0x1FA00, s10;
	[dreg:$0x8] =	wrdreg s26;
	s0 =	sadd.s32 $0x43600, s0  }
0x14: {  	s26 =	simm.s32 $0xB900;
	[dreg:$0x7] =	wrdreg s25;
	s0 =	sadd.s32 s11, s0  }
0x15: {  	s25 =	simm.s32 $0x3;
	[dreg:$0xa] =	wrdreg s0;
	s0 =	simm.s32 $0x0  }
.LBB2_1:
0x16: {  	s1 =	rddreg [dreg:$0x4]  }
0x17: {  	[spmem:s15], [sflag:s8] =	dma.local [hbm:s1], $0x1900  }
0x18: {  	_ =	swait.ge [sflag:s16], $0x1900  }
0x19: {  	[sflag:s16] =	ssyncset.done $0x0  }
0x1a: {  	s14 =	simm.s32 $0x0;
	s3 =	rddreg [dreg:$0x6];
	[sflag:s16] =	ssyncadd.s32 $0xFFFFE700  }
0x1b: {  	[tilespmem:s14], [sflag:$0x7] =	stream.linear.gather [hbm4b:s3+s14], $0x2C80, $0x38;
	[tilespmem:$0x1D100] =	vst v63  }
0x1c: {  	_ =	swait.ge [sflag:s16], $0x2C80  }
0x1d: {  	[sflag:s16] =	ssyncset.done $0x0  }
0x1e: {  	s7 =	simm.s32 $0x2C80;
	s17 =	rddreg [dreg:$0x7];
	[sflag:s16] =	ssyncadd.s32 $0xFFFFD380  }
0x1f: {  	[tilespmem:s7], [sflag:$0x7] =	stream.linear.gather [hbm4b:s17+s14], $0x2C80, $0x38;
	[tilespmem:$0x1D100] =	vst v63  }
0x20: {  	_ =	swait.ge [sflag:s16], $0x2C80  }
0x21: {  	[sflag:s16] =	ssyncset.done $0x0  }
0x22: {  	[sflag:s16] =	ssyncadd.s32 $0xFFFFD380  }
0x23: {  	[bflag:$0x0] =	sbarrier.arrive $0xFFFF  }
0x24: {  	s20 =	simm.s32 $0x5900;
	s19 =	rddreg [dreg:$0x5]  }
0x25: {  	[tilespmem:s20], [sflag:$0x1] =	stream.indirect.gather [hbm4b:s4+s18], $0x50, s19, s18, $0xb8;
	[tilespmem:$0x1D100] =	vst v63  }
0x26: {  	s31 =	simm.s32 $0xA900;
	s17 =	simm.s32 $0x0;
	s24 =	rddreg [dreg:$0x8]  }
0x27: {  	[tilespmem:s31], [sflag:$0x3] =	stream.indirect.gather [hbm4b:s5+s18], $0x10, s24, s18, $0xb8;
	[tilespmem:$0x1D100] =	vst v63  }
.LBB2_2:
0x28: {  	s20 =	sshll.u32 s17, $0x1  }
0x29: {  	s1 =	sadd.s32 s20, s6  }
0x2a: {  	s1 =	sadd.s32 $0x1, s1  }
0x2b: {  	s19 =	sshll.u32 s1, $0x7  }
0x2c: {  	[tilespmem:s21], [sflag:$0x2] =	stream.indirect.gather [hbm4b:s4+s18], $0x50, s19, s18, $0xb8;
	[tilespmem:$0x1D100] =	vst v63  }
0x2d: {  	s1 =	sadd.s32 $0x2C80, s19  }
0x2e: {  	[tilespmem:s22], [sflag:$0x4] =	stream.indirect.gather [hbm4b:s5+s18], $0x10, s1, s18, $0xb8;
	[tilespmem:$0x1D100] =	vst v63  }
0x2f: {  	_ =	swait.ge [sflag:s23], $0x2800  }
0x30: {  	[sflag:s23] =	ssyncset.done $0x0  }
0x31: {  	[sflag:s23] =	ssyncadd.s32 $0xFFFFD800  }
0x32: {  	_ =	swait.ge [sflag:s25], $0x800  }
0x33: {  	p0 =	seq.s32 s17, $0x0;
	[sflag:s25] =	ssyncset.done $0x0  }
0x34: {  	s1 =	simm.s32 @!p0 $0x5;
	[sflag:s25] =	ssyncadd.s32 $0xFFFFF800  }
0x35: {  	_ =	swait.ge @!p0 [sflag:s1], $0x2800  }
0x36: {  	[sflag:s1] =	ssyncset.done @!p0 $0x0  }
0x37: {  	s14 =	simm.s32 $0x59A0;
	[sflag:s1] =	ssyncadd.s32 @!p0 $0xFFFFD800  }
0x38: {  	s11 =	simm.s32 $0xA920;
	v0 =	vld [tilespmem:s14+$0x90]  }
0x39: {  	v1 =	vld [tilespmem:s11+$0x10];
	_ =	sdelay $0x2  }
0x3a: {  	v2 =	vld [tilespmem:s11+$0xFFFFFFE0]  }
0x3b: {  	v3 =	vld [tilespmem:s14+$0xFFFFFFF0]  }
0x3c: {  	v4 =	vld [tilespmem:s14+$0x40];
	v0 =	vadd.f32 v1, v0  }
0x3d: {  	v1 =	vld [tilespmem:s11+$0xFFFFFFF0]  }
0x3e: {  	v6 =	vld [tilespmem:s11+$0x0];
	v5 =	vmin.f32 v0, $0.0e+00  }
0x3f: {  	v7 =	vld [tilespmem:s14+$0xFFFFFFA0];
	v5 =	vmul.f32 $2.000000030e-01, v5  }
0x40: {  	v0 =	vmax.f32 v0, $0.0e+00  }
0x41: {  	v0 =	vadd.f32 v5, v0  }
0x42: {  	v1 =	vadd.f32 v1, v3  }
0x43: {  	v3 =	vadd.f32 v6, v4;
	v0 =	vmul.f32 $1.442695020e+00, v0  }
0x44: {  	v2 =	vadd.f32 v2, v7;
	v4 =	vmin.f32 v1, $0.0e+00  }
0x45: {  	(erf) = vpow2.f32 v0;
	v0 =	vmul.f32 $2.000000030e-01, v4;
	v4 =	vmin.f32 v3, $0.0e+00  }
0x46: {  	v5 =	vmin.f32 v2, $0.0e+00;
	v1 =	vmax.f32 v1, $0.0e+00;
	v4 =	vmul.f32 $2.000000030e-01, v4  }
0x47: {  	v0 =	vadd.f32 v0, v1;
	v1 =	vmax.f32 v3, $0.0e+00;
	v3 =	vmul.f32 $2.000000030e-01, v5  }
0x48: {  	v2 =	vmax.f32 v2, $0.0e+00;
	v1 =	vadd.f32 v4, v1  }
0x49: {  	v0 =	vmul.f32 $1.442695020e+00, v0;
	v2 =	vadd.f32 v3, v2  }
0x4a: {  	v1 =	vmul.f32 $1.442695020e+00, v1  }
0x4b: {  	s3 =	simm.s32 $0x5AE0;
	v4 =	vld [tilespmem:s14+$0x50];
	(erf) = vpow2.f32 v0;
	v0 =	vmul.f32 $1.442695020e+00, v2  }
0x4c: {  	s12 =	simm.s32 $0xA960;
	(erf) = vpow2.f32 v1;
	v1 =	vld [tilespmem:s3+$0x90]  }
0x4d: {  	(erf) = vpow2.f32 v0;
	v0 =	vld [tilespmem:s12+$0x10]  }
0x4e: {  	v9 =	vld [tilespmem:s3+$0xFFFFFFF0]  }
0x4f: {  	v10 =	vld [tilespmem:s12+$0xFFFFFFF0]  }
0x50: {  	v12 =	vld [tilespmem:s3+$0x40];
	v3 =	vpop (erf)  }
0x51: {  	v13 =	vld [tilespmem:s12+$0x0];
	v2 =	vmul.f32 v3, v4  }
0x52: {  	v14 =	vld [tilespmem:s3+$0xFFFFFFA0];
	v1 =	vadd.f32 v0, v1  }
0x53: {  	s7 =	simm.s32 $0xB9A0;
	v6 =	vld [tilespmem:s14+$0xFFFFFF60]  }
0x54: {  	v4 =	vld [tilespmem:s12+$0xFFFFFFE0];
	[tilespmem:s7+$0x50] =	vst v2;
	v5 =	vmin.f32 v1, $0.0e+00  }
0x55: {  	v11 =	vld [tilespmem:s14+$0x60];
	v2 =	vpop (erf)  }
0x56: {  	v7 =	vld [tilespmem:s14+$0xFFFFFFB0];
	v0 =	vpop (erf);
	v15 =	vmul.f32 $2.000000030e-01, v5  }
0x57: {  	v1 =	vmax.f32 v1, $0.0e+00;
	v5 =	vpop (erf)  }
0x58: {  	v8 =	vld [tilespmem:s14+$0x0];
	v9 =	vadd.f32 v10, v9;
	v1 =	vadd.f32 v15, v1;
	v6 =	vmul.f32 v5, v6  }
0x59: {  	s10 =	simm.s32 $0x5C20;
	v16 =	vld [tilespmem:s3+$0xFFFFFFB0];
	v10 =	vadd.f32 v13, v12;
	v4 =	vadd.f32 v4, v14  }
0x5a: {  	v19 =	vld [tilespmem:s10+$0x40];
	v11 =	vmul.f32 v3, v11;
	v1 =	vmul.f32 $1.442695020e+00, v1;
	[tilespmem:s7+$0xFFFFFF60] =	vst v6;
	v6 =	vmin.f32 v9, $0.0e+00  }
0x5b: {  	s24 =	simm.s32 $0xA9A0;
	v13 =	vmin.f32 v10, $0.0e+00;
	v7 =	vmul.f32 v2, v7;
	v6 =	vmul.f32 $2.000000030e-01, v6;
	v12 =	vld [tilespmem:s14+$0xFFFFFF70]  }
0x5c: {  	v21 =	vld [tilespmem:s24+$0x0];
	v15 =	vmin.f32 v4, $0.0e+00;
	[tilespmem:s7+$0x60] =	vst v11;
	v9 =	vmax.f32 v9, $0.0e+00;
	(erf) = vpow2.f32 v1  }
0x5d: {  	v8 =	vmul.f32 v0, v8;
	v11 =	vld [tilespmem:s14+$0x70];
	v1 =	vadd.f32 v6, v9;
	v9 =	vmul.f32 $2.000000030e-01, v15  }
0x5e: {  	v40 =	vld [tilespmem:s10+$0xFFFFFFA0];
	v13 =	vmul.f32 $2.000000030e-01, v13;
	[tilespmem:s7+$0xFFFFFFB0] =	vst v7;
	v4 =	vmax.f32 v4, $0.0e+00  }
0x5f: {  	[tilespmem:s7+$0x0] =	vst v8;
	v8 =	vld [tilespmem:s14+$0xFFFFFFC0];
	v6 =	vmax.f32 v10, $0.0e+00;
	v1 =	vmul.f32 $1.442695020e+00, v1;
	v4 =	vadd.f32 v9, v4  }
0x60: {  	v41 =	vld [tilespmem:s10+$0xFFFFFF60];
	v6 =	vadd.f32 v13, v6;
	v10 =	vmul.f32 v5, v12  }
0x61: {  	(erf) = vpow2.f32 v1;
	v1 =	vmul.f32 $1.442695020e+00, v4;
	v4 =	vld [tilespmem:s3+$0x50]  }
0x62: {  	v14 =	vld [tilespmem:s3+$0xFFFFFF60];
	v9 =	vmul.f32 v3, v11;
	v6 =	vmul.f32 $1.442695020e+00, v6  }
0x63: {  	v11 =	vld [tilespmem:s14+$0x10]  }
0x64: {  	v18 =	vmul.f32 v2, v8;
	[tilespmem:s7+$0x70] =	vst v9;
	v9 =	vld [tilespmem:s24+$0x10];
	(erf) = vpow2.f32 v6  }
0x65: {  	[tilespmem:s7+$0xFFFFFF70] =	vst v10;
	(erf) = vpow2.f32 v1;
	v1 =	vld [tilespmem:s10+$0x90];
	v10 =	vpop (erf)  }
0x66: {  	v15 =	vld [tilespmem:s10+$0xFFFFFFF0];
	[tilespmem:s7+$0xFFFFFFC0] =	vst v18;
	v4 =	vmul.f32 v10, v4  }
0x67: {  	s11 =	simm.s32 $0xBAE0;
	v23 =	vld [tilespmem:s14+$0xFFFFFFD0]  }
0x68: {  	[tilespmem:s11+$0x50] =	vst v4;
	v4 =	vld [tilespmem:s24+$0xFFFFFFF0]  }
0x69: {  	v7 =	vld [tilespmem:s3+$0x0]  }
0x6a: {  	v19 =	vadd.f32 v21, v19;
	v13 =	vld [tilespmem:s24+$0xFFFFFFE0];
	v11 =	vmul.f32 v0, v11;
	v20 =	vadd.f32 v9, v1  }
0x6b: {  	v12 =	vld [tilespmem:s14+$0xFFFFFF80]  }
0x6c: {  	v44 =	vmin.f32 v19, $0.0e+00;
	s12 =	simm.s32 $0x5D60;
	[tilespmem:s7+$0x10] =	vst v11;
	v11 =	vmul.f32 v2, v23;
	v17 =	vld [tilespmem:s3+$0x60];
	v8 =	vpop (erf);
	v22 =	vmin.f32 v20, $0.0e+00  }
0x6d: {  	v53 =	vld [tilespmem:s12+$0xFFFFFFA0];
	v1 =	vpop (erf);
	v16 =	vmul.f32 v8, v16;
	v4 =	vadd.f32 v4, v15;
	v15 =	vmul.f32 $2.000000030e-01, v22  }
0x6e: {  	v18 =	vmul.f32 $2.000000030e-01, v44;
	v6 =	vld [tilespmem:s14+$0x80];
	[tilespmem:s7+$0xFFFFFFD0] =	vst v11;
	v20 =	vmax.f32 v20, $0.0e+00;
	v9 =	vpop (erf);
	v7 =	vmul.f32 v1, v7  }
0x6f: {  	v48 =	vld [tilespmem:s14+$0xFFFFFFE0];
	v14 =	vmul.f32 v9, v14;
	[tilespmem:s11+$0xFFFFFFB0] =	vst v16;
	v15 =	vadd.f32 v15, v20;
	v42 =	vmin.f32 v4, $0.0e+00  }
0x70: {  	v13 =	vadd.f32 v13, v40;
	v12 =	vmul.f32 v5, v12;
	s24 =	simm.s32 $0xA9E0;
	[tilespmem:s11+$0x0] =	vst v7;
	v7 =	vld [tilespmem:s3+$0xFFFFFFC0];
	v20 =	vmul.f32 $2.000000030e-01, v42  }
0x71: {  	v49 =	vld [tilespmem:s24+$0xFFFFFFF0];
	v17 =	vmul.f32 v10, v17;
	[tilespmem:s11+$0xFFFFFF60] =	vst v14;
	v4 =	vmax.f32 v4, $0.0e+00;
	v15 =	vmul.f32 $1.442695020e+00, v15  }
0x72: {  	v45 =	vmin.f32 v13, $0.0e+00;
	[tilespmem:s7+$0xFFFFFF80] =	vst v12;
	v12 =	vmax.f32 v13, $0.0e+00;
	v43 =	vld [tilespmem:s3+$0xFFFFFF70];
	v4 =	vadd.f32 v20, v4  }
0x73: {  	v13 =	vld [tilespmem:s14+$0x20];
	[tilespmem:s11+$0x60] =	vst v17;
	v20 =	vmul.f32 $2.000000030e-01, v45;
	(erf) = vpow2.f32 v15;
	v15 =	vmax.f32 v19, $0.0e+00  }
0x74: {  	v17 =	vld [tilespmem:s3+$0x70];
	v4 =	vmul.f32 $1.442695020e+00, v4;
	v15 =	vadd.f32 v18, v15  }
0x75: {  	v47 =	vld [tilespmem:s14+$0xFFFFFF90];
	v7 =	vmul.f32 v8, v7;
	v12 =	vadd.f32 v20, v12  }
0x76: {  	v16 =	vld [tilespmem:s10+$0x0];
	(erf) = vpow2.f32 v4;
	v4 =	vmul.f32 $1.442695020e+00, v15  }
0x77: {  	v14 =	vld [tilespmem:s10+$0xFFFFFFB0];
	v11 =	vmul.f32 v9, v43;
	v12 =	vmul.f32 $1.442695020e+00, v12  }
0x78: {  	[tilespmem:s7+$0x90] =	vst v3;
	v15 =	vld [tilespmem:s10+$0x50];
	(erf) = vpow2.f32 v4;
	v4 =	vmul.f32 v6, v3  }
0x79: {  	v46 =	vld [tilespmem:s3+$0x10];
	v17 =	vmul.f32 v10, v17;
	[tilespmem:s11+$0xFFFFFF70] =	vst v11  }
0x7a: {  	[tilespmem:s11+$0xFFFFFFC0] =	vst v7;
	v7 =	vld [tilespmem:s3+$0xFFFFFF80];
	(erf) = vpow2.f32 v12  }
0x7b: {  	[tilespmem:s11+$0x70] =	vst v17;
	v6 =	vld [tilespmem:s12+$0x90]  }
0x7c: {  	v13 =	vmul.f32 v0, v13;
	v17 =	vld [tilespmem:s24+$0x10];
	[tilespmem:s7+$0x80] =	vst v4;
	v4 =	vpop (erf)  }
0x7d: {  	[tilespmem:s7+$0xFFFFFFA0] =	vst v5;
	v11 =	vld [tilespmem:s3+$0x80];
	v3 =	vmul.f32 v4, v15  }
0x7e: {  	s9 =	simm.s32 $0xBC20;
	[tilespmem:s7+$0x20] =	vst v13;
	v13 =	vld [tilespmem:s12+$0x40]  }
0x7f: {  	v52 =	vmul.f32 v48, v2;
	v5 =	vmul.f32 v47, v5;
	v15 =	vld [tilespmem:s12+$0xFFFFFFF0];
	[tilespmem:s9+$0x50] =	vst v3  }
0x80: {  	[tilespmem:s7+$0xFFFFFFF0] =	vst v2;
	v50 =	vld [tilespmem:s10+$0x60]  }
0x81: {  	[tilespmem:s7+$0xFFFFFFE0] =	vst v52;
	v12 =	vld [tilespmem:s3+$0xFFFFFFD0];
	v17 =	vadd.f32 v17, v6;
	v56 =	vmul.f32 v9, v7;
	v3 =	vpop (erf)  }
0x82: {  	[tilespmem:s7+$0xFFFFFF90] =	vst v5;
	v6 =	vmul.f32 v11, v10;
	v11 =	vld [tilespmem:s24+$0x0];
	v2 =	vpop (erf)  }
0x83: {  	v51 =	vld [tilespmem:s24+$0xFFFFFFE0];
	v54 =	vmin.f32 v17, $0.0e+00;
	[tilespmem:s11+$0xFFFFFF80] =	vst v56;
	v14 =	vmul.f32 v3, v14;
	v5 =	vpop (erf)  }
0x84: {  	v7 =	vld [tilespmem:s12+$0xFFFFFFB0];
	[tilespmem:s11+$0x80] =	vst v6;
	v20 =	vmul.f32 $2.000000030e-01, v54;
	v15 =	vadd.f32 v49, v15;
	v22 =	vmul.f32 v5, v41  }
0x85: {  	v19 =	vmul.f32 v1, v46;
	v17 =	vmax.f32 v17, $0.0e+00;
	v6 =	vld [tilespmem:s12+$0xFFFFFF60];
	[tilespmem:s9+$0xFFFFFFB0] =	vst v14;
	v55 =	vmul.f32 v4, v50  }
0x86: {  	v61 =	vld [tilespmem:s3+$0xFFFFFF90];
	v17 =	vadd.f32 v20, v17;
	v16 =	vmul.f32 v2, v16;
	v57 =	vmin.f32 v15, $0.0e+00;
	[tilespmem:s9+$0xFFFFFF60] =	vst v22  }
0x87: {  	v12 =	vmul.f32 v8, v12;
	v11 =	vadd.f32 v11, v13;
	v14 =	vmul.f32 $2.000000030e-01, v57;
	[tilespmem:s9+$0x60] =	vst v55;
	v58 =	vld [tilespmem:s10+$0xFFFFFF70]  }
0x88: {  	v15 =	vmax.f32 v15, $0.0e+00;
	v17 =	vmul.f32 $1.442695020e+00, v17;
	[tilespmem:s9+$0x0] =	vst v16;
	v16 =	vadd.f32 v51, v53;
	v13 =	vld [tilespmem:s10+$0x70]  }
0x89: {  	[tilespmem:s11+$0x10] =	vst v19;
	v60 =	vld [tilespmem:s10+$0x10];
	v14 =	vadd.f32 v14, v15;
	v15 =	vmin.f32 v11, $0.0e+00  }
0x8a: {  	[tilespmem:s11+$0xFFFFFFD0] =	vst v12;
	v59 =	vld [tilespmem:s10+$0xFFFFFFC0];
	(erf) = vpow2.f32 v17;
	v12 =	vmin.f32 v16, $0.0e+00;
	v15 =	vmul.f32 $2.000000030e-01, v15  }
0x8b: {  	[tilespmem:s11+$0x90] =	vst v10;
	v10 =	vmax.f32 v11, $0.0e+00;
	v17 =	vld [tilespmem:s3+$0x20];
	v11 =	vmul.f32 $2.000000030e-01, v12;
	v12 =	vmul.f32 $1.442695020e+00, v14  }
0x8c: {  	[tilespmem:s11+$0xFFFFFFA0] =	vst v9;
	v62 =	vld [tilespmem:s3+$0xFFFFFFE0];
	v14 =	vmax.f32 v16, $0.0e+00;
	v15 =	vadd.f32 v15, v10;
	v16 =	vmul.f32 v5, v58  }
0x8d: {  	[tilespmem:s11+$0xFFFFFFF0] =	vst v8;
	v14 =	vadd.f32 v11, v14;
	v10 =	vld [tilespmem:s12+$0x0];
	(erf) = vpow2.f32 v12;
	v12 =	vmul.f32 v4, v13  }
0x8e: {  	v11 =	vld [tilespmem:s14+$0x30];
	v63 =	vmul.f32 v2, v60;
	v13 =	vmul.f32 $1.442695020e+00, v15;
	[tilespmem:s9+$0xFFFFFF70] =	vst v16  }
0x8f: {  	v15 =	vmul.f32 v3, v59;
	v16 =	vmul.f32 $1.442695020e+00, v14;
	v14 =	vld [tilespmem:s12+$0x50];
	[tilespmem:s9+$0x70] =	vst v12  }
0x90: {  	v17 =	vmul.f32 v1, v17;
	[tilespmem:s9+$0x10] =	vst v63;
	(erf) = vpow2.f32 v13;
	v13 =	vld [tilespmem:s10+$0x80]  }
0x91: {  	[tilespmem:s9+$0xFFFFFFC0] =	vst v15;
	v12 =	vld [tilespmem:s10+$0xFFFFFF80];
	v15 =	vmul.f32 v61, v9;
	(erf) = vpow2.f32 v16  }
0x92: {  	s31 =	simm.s32 $0xC;
	s1 =	simm.s32 $0x5EA0;
	v8 =	vmul.f32 v62, v8;
	s14 =	simm.s32 $0xBC20;
	[tilespmem:s11+$0x20] =	vst v17;
	v9 =	vld [tilespmem:s10+$0xFFFFFFD0]  }
.LBB2_3:
0x93: {  	v16 =	vld [tilespmem:s1+$0x90];
	s24 =	sadd.s32 $0x40, s24;
	v17 =	vpop (erf);
	[tilespmem:s11+$0xFFFFFF90] =	vst v15;
	v11 =	vmul.f32 v11, v0  }
0x94: {  	v15 =	vld [tilespmem:s24+$0x10];
	v14 =	vmul.f32 v17, v14;
	[tilespmem:s11+$0xFFFFFFE0] =	vst v8  }
0x95: {  	s31 =	sadd.s32 $0x4, s31;
	s9 =	sadd.s32 $0x140, s9;
	v8 =	vld [tilespmem:s24+$0xFFFFFFE0];
	v13 =	vmul.f32 v13, v4;
	[tilespmem:s7+$0x30] =	vst v11  }
0x96: {  	p1 =	slt.u32 s31, $0x7C;
	v11 =	vld [tilespmem:s1+$0xFFFFFFF0];
	[tilespmem:s9+$0x50] =	vst v14;
	v18 =	vpop (erf);
	v12 =	vmul.f32 v5, v12  }
0x97: {  	v14 =	vld [tilespmem:s24+$0xFFFFFFF0];
	v20 =	vmul.f32 v18, v7;
	v9 =	vmul.f32 v3, v9;
	[tilespmem:s14+$0x80] =	vst v13  }
0x98: {  	v13 =	vld [tilespmem:s12+$0x60];
	[tilespmem:s14+$0xFFFFFF80] =	vst v12  }
0x99: {  	v12 =	vld [tilespmem:s1+$0x40];
	v15 =	vadd.f32 v15, v16;
	[tilespmem:s9+$0xFFFFFFB0] =	vst v20;
	v7 =	vpop (erf)  }
0x9a: {  	v16 =	vld [tilespmem:s24+$0x0];
	v10 =	vmul.f32 v7, v10;
	v19 =	vpop (erf);
	[tilespmem:s14+$0xFFFFFFD0] =	vst v9  }
0x9b: {  	v9 =	vld [tilespmem:s1+$0xFFFFFFA0];
	v20 =	vmin.f32 v15, $0.0e+00;
	v21 =	vmul.f32 v19, v6;
	[tilespmem:s7+$0x40] =	vst v0;
	v0 =	vmovc v1;
	v1 =	vmovc v2;
	v2 =	vmov v7;
	s7 =	smov.u32 s11;
	s11 =	smov.u32 s14;
	s14 =	smov.u32 s9  }
0x9c: {  	v6 =	vld [tilespmem:s1+$0xFFFFFF60];
	v11 =	vadd.f32 v14, v11;
	v14 =	vmul.f32 $2.000000030e-01, v20;
	[tilespmem:s9+$0x0] =	vst v10  }
0x9d: {  	v15 =	vmax.f32 v15, $0.0e+00;
	v7 =	vld [tilespmem:s1+$0xFFFFFFB0];
	[tilespmem:s9+$0xFFFFFF60] =	vst v21;
	v13 =	vmul.f32 v17, v13  }
0x9e: {  	v20 =	vmax.f32 v11, $0.0e+00;
	v11 =	vmin.f32 v11, $0.0e+00;
	v10 =	vld [tilespmem:s1+$0x0];
	v14 =	vadd.f32 v14, v15;
	[tilespmem:s11+$0x90] =	vst v4;
	v4 =	vmovc v17  }
0x9f: {  	v11 =	vmul.f32 $2.000000030e-01, v11;
	v12 =	vadd.f32 v16, v12;
	v15 =	vld [tilespmem:s12+$0xFFFFFF70];
	[tilespmem:s9+$0x60] =	vst v13  }
0xa0: {  	v8 =	vadd.f32 v8, v9;
	v9 =	vmul.f32 $1.442695020e+00, v14;
	v13 =	vld [tilespmem:s12+$0x70]  }
0xa1: {  	v11 =	vadd.f32 v11, v20;
	v14 =	vmax.f32 v12, $0.0e+00;
	v12 =	vmin.f32 v12, $0.0e+00;
	v16 =	vld [tilespmem:s12+$0xFFFFFFC0]  }
0xa2: {  	v17 =	vmin.f32 v8, $0.0e+00;
	v12 =	vmul.f32 $2.000000030e-01, v12;
	(erf) = vpow2.f32 v9;
	v9 =	vld [tilespmem:s12+$0x10]  }
0xa3: {  	v8 =	vmax.f32 v8, $0.0e+00;
	v17 =	vmul.f32 $2.000000030e-01, v17;
	v11 =	vmul.f32 $1.442695020e+00, v11;
	v20 =	vld [tilespmem:s10+$0x20]  }
0xa4: {  	v12 =	vadd.f32 v12, v14;
	v14 =	vmul.f32 v19, v15;
	v15 =	vld [tilespmem:s10+$0xFFFFFF90];
	[tilespmem:s11+$0xFFFFFFA0] =	vst v5  }
0xa5: {  	v8 =	vadd.f32 v17, v8;
	(erf) = vpow2.f32 v11;
	v13 =	vmul.f32 v4, v13;
	v17 =	vld [tilespmem:s10+$0xFFFFFFE0];
	[tilespmem:s11+$0xFFFFFFF0] =	vst v3  }
.Ltmp0:
0xa6: {  	v12 =	vmul.f32 $1.442695020e+00, v12;
	[tilespmem:s9+$0xFFFFFF70] =	vst v14;
	v16 =	vmul.f32 v18, v16;
	v11 =	vld [tilespmem:s3+$0x30];
	s3 =	smov.u32 s10;
	s10 =	smov.u32 s12;
	(pc) =	sbr.rel @p1 .LBB2_3-.Ltmp0, $4  }
0xa7: {  	s12 =	smov.u32 s1;
	v8 =	vmul.f32 $1.442695020e+00, v8;
	v14 =	vld [tilespmem:s1+$0x50];
	v9 =	vmul.f32 v2, v9;
	[tilespmem:s9+$0x70] =	vst v13  }
0xa8: {  	(erf) = vpow2.f32 v12;
	[tilespmem:s9+$0xFFFFFFC0] =	vst v16;
	v13 =	vld [tilespmem:s10+$0x80];
	v16 =	vmul.f32 v1, v20  }
0xa9: {  	(erf) = vpow2.f32 v8;
	v12 =	vld [tilespmem:s10+$0xFFFFFF80];
	[tilespmem:s9+$0x10] =	vst v9;
	v15 =	vmul.f32 v15, v5;
	v5 =	vmov v19  }
0xaa: {  	s1 =	sadd.s32 $0x140, s1;
	v9 =	vld [tilespmem:s10+$0xFFFFFFD0];
	v8 =	vmul.f32 v17, v3;
	[tilespmem:s11+$0x20] =	vst v16;
	v3 =	vmov v18  }
0xab: {  	v16 =	vpop (erf)  }
0xac: {  	[tilespmem:s11+$0xFFFFFF90] =	vst v15;
	v14 =	vmul.f32 v16, v14  }
0xad: {  	s1 =	sadd.s32 $0x140, s9;
	[tilespmem:s7+$0x40] =	vst v0  }
0xae: {  	[tilespmem:s1+$0x50] =	vst v14  }
0xaf: {  	v11 =	vmul.f32 v11, v0;
	[tilespmem:s14+$0x90] =	vst v4;
	v14 =	vld [tilespmem:s12+$0x60]  }
0xb0: {  	[tilespmem:s11+$0xFFFFFFE0] =	vst v8;
	v8 =	vmul.f32 v13, v4;
	v15 =	vpop (erf)  }
0xb1: {  	[tilespmem:s7+$0x30] =	vst v11;
	v11 =	vmul.f32 v5, v12;
	v13 =	vpop (erf)  }
0xb2: {  	[tilespmem:s14+$0x80] =	vst v8;
	v7 =	vmul.f32 v15, v7;
	v12 =	vpop (erf)  }
0xb3: {  	[tilespmem:s14+$0xFFFFFF80] =	vst v11;
	v6 =	vmul.f32 v12, v6  }
0xb4: {  	v0 =	vld [tilespmem:s10+$0x20];
	[tilespmem:s1+$0xFFFFFFB0] =	vst v7;
	v8 =	vmul.f32 v16, v14  }
0xb5: {  	v4 =	vld [tilespmem:s10+$0xFFFFFF90];
	[tilespmem:s1+$0xFFFFFF60] =	vst v6;
	v6 =	vmul.f32 v13, v10  }
0xb6: {  	v10 =	vld [tilespmem:s12+$0xFFFFFF70];
	[tilespmem:s1+$0x60] =	vst v8  }
0xb7: {  	[tilespmem:s1+$0x0] =	vst v6;
	v6 =	vld [tilespmem:s12+$0xFFFFFFC0]  }
0xb8: {  	v8 =	vmul.f32 v3, v9;
	v7 =	vld [tilespmem:s12+$0x70]  }
0xb9: {  	v0 =	vmul.f32 v2, v0;
	[tilespmem:s14+$0xFFFFFFA0] =	vst v5  }
0xba: {  	v4 =	vmul.f32 v4, v5;
	[tilespmem:s14+$0xFFFFFFD0] =	vst v8;
	v8 =	vld [tilespmem:s12+$0x10]  }
0xbb: {  	[tilespmem:s14+$0x20] =	vst v0;
	v9 =	vmul.f32 v12, v10  }
0xbc: {  	[tilespmem:s14+$0xFFFFFF90] =	vst v4;
	v10 =	vld [tilespmem:s10+$0xFFFFFFE0];
	v6 =	vmul.f32 v15, v6  }
0xbd: {  	v7 =	vmul.f32 v16, v7;
	[tilespmem:s1+$0xFFFFFF70] =	vst v9;
	v9 =	vld [tilespmem:s3+$0x30]  }
0xbe: {  	[tilespmem:s1+$0xFFFFFFC0] =	vst v6;
	v6 =	vld [tilespmem:s12+$0xFFFFFF80]  }
0xbf: {  	v8 =	vmul.f32 v13, v8;
	[tilespmem:s1+$0x70] =	vst v7;
	v7 =	vld [tilespmem:s12+$0xFFFFFFD0]  }
0xc0: {  	[tilespmem:s14+$0xFFFFFFF0] =	vst v3  }
0xc1: {  	[tilespmem:s1+$0x10] =	vst v8;
	v3 =	vmul.f32 v10, v3  }
0xc2: {  	[tilespmem:s11+$0x40] =	vst v1;
	v4 =	vld [tilespmem:s12+$0x20];
	v0 =	vmul.f32 v9, v1  }
0xc3: {  	v11 =	vld [tilespmem:s12+$0x80];
	[tilespmem:s14+$0xFFFFFFE0] =	vst v3;
	v3 =	vmul.f32 v12, v6  }
0xc4: {  	[tilespmem:s11+$0x30] =	vst v0;
	v0 =	vmul.f32 v15, v7  }
0xc5: {  	[tilespmem:s1+$0xFFFFFF80] =	vst v3  }
0xc6: {  	[tilespmem:s1+$0xFFFFFFD0] =	vst v0;
	v0 =	vld [tilespmem:s12+$0xFFFFFF90]  }
0xc7: {  	[tilespmem:s1+$0x90] =	vst v16;
	v4 =	vmul.f32 v13, v4  }
0xc8: {  	v1 =	vld [tilespmem:s10+$0x30];
	[tilespmem:s14+$0x40] =	vst v2;
	v5 =	vmul.f32 v11, v16  }
0xc9: {  	v3 =	vld [tilespmem:s12+$0xFFFFFFE0];
	[tilespmem:s1+$0x20] =	vst v4  }
0xca: {  	[tilespmem:s1+$0x80] =	vst v5;
	v4 =	vld [tilespmem:s12+$0x30]  }
0xcb: {  	[tilespmem:s1+$0xFFFFFFA0] =	vst v12;
	v0 =	vmul.f32 v0, v12  }
0xcc: {  	[tilespmem:s1+$0xFFFFFFF0] =	vst v15  }
0xcd: {  	[tilespmem:s1+$0xFFFFFF90] =	vst v0;
	v0 =	vmul.f32 v1, v2  }
0xce: {  	s12 =	sadd.s32 s6, s20;
	[tilespmem:s1+$0x40] =	vst v13;
	v3 =	vmul.f32 v3, v15  }
0xcf: {  	s3 =	sshll.u32 s12, $0x7;
	[tilespmem:s14+$0x30] =	vst v0;
	v0 =	vmul.f32 v4, v13  }
0xd0: {  	p1 =	seq.s32 s17, $0x28;
	s3 =	sand.u32 $0x3FFFFF80, s3;
	[tilespmem:s1+$0xFFFFFFE0] =	vst v3  }
0xd1: {  	s14 =	sadd.s32 $0x2C80, s3;
	[tilespmem:s1+$0x30] =	vst v0;
	s1 =	sadd.s32 @!p1 s20, s13  }
0xd2: {  	[spmem:s2] =	stream.indirect.scatter.add.f32 [tilespmem:s26], [sflag:$0x5], $0x50, s14, s18, $0xb8;
	[tilespmem:$0x1D100] =	vst v63  }
0xd3: {  	s7 =	simm.s32 @!p1 $0x5900;
	s3 =	simm.s32 @!p1 $0x80;
	s1 =	sshll.u32 @!p1 s1, $0x7  }
0xd4: {  	[tilespmem:s7], [sflag:$0x1] =	stream.indirect.gather @!p1 [hbm4b:s4+s3], $0x50, s1, s3, $0xb8;
	[tilespmem:$0x1D100] =	vst v63  }
0xd5: {  	s1 =	sadd.s32 @!p1 $0x2C80, s1;
	s7 =	simm.s32 @!p1 $0xA900  }
0xd6: {  	[tilespmem:s7], [sflag:$0x3] =	stream.indirect.gather @!p1 [hbm4b:s5+s3], $0x10, s1, s3, $0xb8;
	[tilespmem:$0x1D100] =	vst v63  }
0xd7: {  	_ =	swait.ge [sflag:s28], $0x2800  }
0xd8: {  	[sflag:s28] =	ssyncset.done $0x0  }
0xd9: {  	[sflag:s28] =	ssyncadd.s32 $0xFFFFD800  }
0xda: {  	_ =	swait.ge [sflag:s29], $0x800  }
0xdb: {  	[sflag:s29] =	ssyncset.done $0x0  }
0xdc: {  	s1 =	simm.s32 @!p0 $0x6;
	[sflag:s29] =	ssyncadd.s32 $0xFFFFF800  }
0xdd: {  	_ =	swait.ge @!p0 [sflag:s1], $0x2800  }
0xde: {  	[sflag:s1] =	ssyncset.done @!p0 $0x0  }
0xdf: {  	s14 =	simm.s32 $0x81A0;
	[sflag:s1] =	ssyncadd.s32 @!p0 $0xFFFFD800  }
0xe0: {  	s20 =	simm.s32 $0xB120;
	v0 =	vld [tilespmem:s14+$0x90]  }
0xe1: {  	v1 =	vld [tilespmem:s20+$0x10];
	_ =	sdelay $0x2  }
0xe2: {  	v2 =	vld [tilespmem:s20+$0xFFFFFFE0]  }
0xe3: {  	v3 =	vld [tilespmem:s14+$0xFFFFFFF0]  }
0xe4: {  	v4 =	vld [tilespmem:s14+$0x40];
	v0 =	vadd.f32 v1, v0  }
0xe5: {  	v1 =	vld [tilespmem:s20+$0xFFFFFFF0]  }
0xe6: {  	v6 =	vld [tilespmem:s20+$0x0];
	v5 =	vmin.f32 v0, $0.0e+00  }
0xe7: {  	v7 =	vld [tilespmem:s14+$0xFFFFFFA0];
	v5 =	vmul.f32 $2.000000030e-01, v5  }
0xe8: {  	v0 =	vmax.f32 v0, $0.0e+00  }
0xe9: {  	v0 =	vadd.f32 v5, v0  }
0xea: {  	v1 =	vadd.f32 v1, v3  }
0xeb: {  	v3 =	vadd.f32 v6, v4;
	v0 =	vmul.f32 $1.442695020e+00, v0  }
0xec: {  	v2 =	vadd.f32 v2, v7;
	v4 =	vmin.f32 v1, $0.0e+00  }
0xed: {  	(erf) = vpow2.f32 v0;
	v0 =	vmul.f32 $2.000000030e-01, v4;
	v4 =	vmin.f32 v3, $0.0e+00  }
0xee: {  	v5 =	vmin.f32 v2, $0.0e+00;
	v1 =	vmax.f32 v1, $0.0e+00;
	v4 =	vmul.f32 $2.000000030e-01, v4  }
0xef: {  	v0 =	vadd.f32 v0, v1;
	v1 =	vmax.f32 v3, $0.0e+00;
	v3 =	vmul.f32 $2.000000030e-01, v5  }
0xf0: {  	v2 =	vmax.f32 v2, $0.0e+00;
	v1 =	vadd.f32 v4, v1  }
0xf1: {  	v0 =	vmul.f32 $1.442695020e+00, v0;
	v2 =	vadd.f32 v3, v2  }
0xf2: {  	v1 =	vmul.f32 $1.442695020e+00, v1  }
0xf3: {  	s3 =	simm.s32 $0x82E0;
	v4 =	vld [tilespmem:s14+$0x50];
	(erf) = vpow2.f32 v0;
	v0 =	vmul.f32 $1.442695020e+00, v2  }
0xf4: {  	s24 =	simm.s32 $0xB160;
	(erf) = vpow2.f32 v1;
	v1 =	vld [tilespmem:s3+$0x90]  }
0xf5: {  	(erf) = vpow2.f32 v0;
	v0 =	vld [tilespmem:s24+$0x10]  }
0xf6: {  	v9 =	vld [tilespmem:s3+$0xFFFFFFF0]  }
0xf7: {  	v10 =	vld [tilespmem:s24+$0xFFFFFFF0]  }
0xf8: {  	v12 =	vld [tilespmem:s3+$0x40];
	v3 =	vpop (erf)  }
0xf9: {  	v13 =	vld [tilespmem:s24+$0x0];
	v2 =	vmul.f32 v3, v4  }
0xfa: {  	v14 =	vld [tilespmem:s3+$0xFFFFFFA0];
	v1 =	vadd.f32 v0, v1  }
0xfb: {  	s7 =	simm.s32 $0xE1A0;
	v6 =	vld [tilespmem:s14+$0xFFFFFF60]  }
0xfc: {  	v4 =	vld [tilespmem:s24+$0xFFFFFFE0];
	[tilespmem:s7+$0x50] =	vst v2;
	v5 =	vmin.f32 v1, $0.0e+00  }
0xfd: {  	v11 =	vld [tilespmem:s14+$0x60];
	v2 =	vpop (erf)  }
0xfe: {  	v7 =	vld [tilespmem:s14+$0xFFFFFFB0];
	v0 =	vpop (erf);
	v15 =	vmul.f32 $2.000000030e-01, v5  }
0xff: {  	v1 =	vmax.f32 v1, $0.0e+00;
	v5 =	vpop (erf)  }
0x100: {  	v8 =	vld [tilespmem:s14+$0x0];
	v9 =	vadd.f32 v10, v9;
	v1 =	vadd.f32 v15, v1;
	v6 =	vmul.f32 v5, v6  }
0x101: {  	s10 =	simm.s32 $0x8420;
	v16 =	vld [tilespmem:s3+$0xFFFFFFB0];
	v10 =	vadd.f32 v13, v12;
	v4 =	vadd.f32 v4, v14  }
0x102: {  	v19 =	vld [tilespmem:s10+$0x40];
	v11 =	vmul.f32 v3, v11;
	v1 =	vmul.f32 $1.442695020e+00, v1;
	[tilespmem:s7+$0xFFFFFF60] =	vst v6;
	v6 =	vmin.f32 v9, $0.0e+00  }
0x103: {  	s31 =	simm.s32 $0xB1A0;
	v13 =	vmin.f32 v10, $0.0e+00;
	v7 =	vmul.f32 v2, v7;
	v6 =	vmul.f32 $2.000000030e-01, v6;
	v12 =	vld [tilespmem:s14+$0xFFFFFF70]  }
0x104: {  	v21 =	vld [tilespmem:s31+$0x0];
	v15 =	vmin.f32 v4, $0.0e+00;
	[tilespmem:s7+$0x60] =	vst v11;
	v9 =	vmax.f32 v9, $0.0e+00;
	(erf) = vpow2.f32 v1  }
0x105: {  	v8 =	vmul.f32 v0, v8;
	v11 =	vld [tilespmem:s14+$0x70];
	v1 =	vadd.f32 v6, v9;
	v9 =	vmul.f32 $2.000000030e-01, v15  }
0x106: {  	v40 =	vld [tilespmem:s10+$0xFFFFFFA0];
	v13 =	vmul.f32 $2.000000030e-01, v13;
	[tilespmem:s7+$0xFFFFFFB0] =	vst v7;
	v4 =	vmax.f32 v4, $0.0e+00  }
0x107: {  	[tilespmem:s7+$0x0] =	vst v8;
	v8 =	vld [tilespmem:s14+$0xFFFFFFC0];
	v6 =	vmax.f32 v10, $0.0e+00;
	v1 =	vmul.f32 $1.442695020e+00, v1;
	v4 =	vadd.f32 v9, v4  }
0x108: {  	v41 =	vld [tilespmem:s10+$0xFFFFFF60];
	v6 =	vadd.f32 v13, v6;
	v10 =	vmul.f32 v5, v12  }
0x109: {  	(erf) = vpow2.f32 v1;
	v1 =	vmul.f32 $1.442695020e+00, v4;
	v4 =	vld [tilespmem:s3+$0x50]  }
0x10a: {  	v14 =	vld [tilespmem:s3+$0xFFFFFF60];
	v9 =	vmul.f32 v3, v11;
	v6 =	vmul.f32 $1.442695020e+00, v6  }
0x10b: {  	v11 =	vld [tilespmem:s14+$0x10]  }
0x10c: {  	v18 =	vmul.f32 v2, v8;
	[tilespmem:s7+$0x70] =	vst v9;
	v9 =	vld [tilespmem:s31+$0x10];
	(erf) = vpow2.f32 v6  }
0x10d: {  	[tilespmem:s7+$0xFFFFFF70] =	vst v10;
	(erf) = vpow2.f32 v1;
	v1 =	vld [tilespmem:s10+$0x90];
	v10 =	vpop (erf)  }
0x10e: {  	v15 =	vld [tilespmem:s10+$0xFFFFFFF0];
	[tilespmem:s7+$0xFFFFFFC0] =	vst v18;
	v4 =	vmul.f32 v10, v4  }
0x10f: {  	s11 =	simm.s32 $0xE2E0;
	v23 =	vld [tilespmem:s14+$0xFFFFFFD0]  }
0x110: {  	[tilespmem:s11+$0x50] =	vst v4;
	v4 =	vld [tilespmem:s31+$0xFFFFFFF0]  }
0x111: {  	v7 =	vld [tilespmem:s3+$0x0]  }
0x112: {  	v19 =	vadd.f32 v21, v19;
	v13 =	vld [tilespmem:s31+$0xFFFFFFE0];
	v11 =	vmul.f32 v0, v11;
	v20 =	vadd.f32 v9, v1  }
0x113: {  	v12 =	vld [tilespmem:s14+$0xFFFFFF80]  }
0x114: {  	s12 =	simm.s32 $0x8560;
	v44 =	vmin.f32 v19, $0.0e+00;
	[tilespmem:s7+$0x10] =	vst v11;
	v11 =	vmul.f32 v2, v23;
	v17 =	vld [tilespmem:s3+$0x60];
	v8 =	vpop (erf);
	v22 =	vmin.f32 v20, $0.0e+00  }
0x115: {  	v53 =	vld [tilespmem:s12+$0xFFFFFFA0];
	s20 =	simm.s32 $0xB1E0;
	v1 =	vpop (erf);
	v16 =	vmul.f32 v8, v16;
	v4 =	vadd.f32 v4, v15;
	v15 =	vmul.f32 $2.000000030e-01, v22  }
0x116: {  	v49 =	vld [tilespmem:s20+$0xFFFFFFF0];
	v18 =	vmul.f32 $2.000000030e-01, v44;
	[tilespmem:s7+$0xFFFFFFD0] =	vst v11;
	v20 =	vmax.f32 v20, $0.0e+00;
	v9 =	vpop (erf);
	v7 =	vmul.f32 v1, v7  }
0x117: {  	v6 =	vld [tilespmem:s14+$0x80];
	v14 =	vmul.f32 v9, v14;
	[tilespmem:s11+$0xFFFFFFB0] =	vst v16;
	v15 =	vadd.f32 v15, v20;
	v42 =	vmin.f32 v4, $0.0e+00  }
0x118: {  	v13 =	vadd.f32 v13, v40;
	v12 =	vmul.f32 v5, v12;
	[tilespmem:s11+$0x0] =	vst v7;
	v7 =	vld [tilespmem:s3+$0xFFFFFFC0];
	v20 =	vmul.f32 $2.000000030e-01, v42  }
0x119: {  	v48 =	vld [tilespmem:s14+$0xFFFFFFE0];
	v17 =	vmul.f32 v10, v17;
	[tilespmem:s11+$0xFFFFFF60] =	vst v14;
	v4 =	vmax.f32 v4, $0.0e+00;
	v15 =	vmul.f32 $1.442695020e+00, v15  }
0x11a: {  	v45 =	vmin.f32 v13, $0.0e+00;
	[tilespmem:s7+$0xFFFFFF80] =	vst v12;
	v12 =	vmax.f32 v13, $0.0e+00;
	v43 =	vld [tilespmem:s3+$0xFFFFFF70];
	v4 =	vadd.f32 v20, v4  }
0x11b: {  	v13 =	vld [tilespmem:s14+$0x20];
	[tilespmem:s11+$0x60] =	vst v17;
	v20 =	vmul.f32 $2.000000030e-01, v45;
	(erf) = vpow2.f32 v15;
	v15 =	vmax.f32 v19, $0.0e+00  }
0x11c: {  	v17 =	vld [tilespmem:s3+$0x70];
	v4 =	vmul.f32 $1.442695020e+00, v4;
	v15 =	vadd.f32 v18, v15  }
0x11d: {  	v47 =	vld [tilespmem:s14+$0xFFFFFF90];
	v7 =	vmul.f32 v8, v7;
	v12 =	vadd.f32 v20, v12  }
0x11e: {  	v16 =	vld [tilespmem:s10+$0x0];
	(erf) = vpow2.f32 v4;
	v4 =	vmul.f32 $1.442695020e+00, v15  }
0x11f: {  	v14 =	vld [tilespmem:s10+$0xFFFFFFB0];
	v11 =	vmul.f32 v9, v43;
	v12 =	vmul.f32 $1.442695020e+00, v12  }
0x120: {  	[tilespmem:s7+$0x90] =	vst v3;
	v15 =	vld [tilespmem:s10+$0x50];
	(erf) = vpow2.f32 v4;
	v4 =	vmul.f32 v6, v3  }
0x121: {  	v46 =	vld [tilespmem:s3+$0x10];
	v17 =	vmul.f32 v10, v17;
	[tilespmem:s11+$0xFFFFFF70] =	vst v11  }
0x122: {  	[tilespmem:s11+$0xFFFFFFC0] =	vst v7;
	v7 =	vld [tilespmem:s3+$0xFFFFFF80];
	(erf) = vpow2.f32 v12  }
0x123: {  	[tilespmem:s11+$0x70] =	vst v17;
	v6 =	vld [tilespmem:s12+$0x90]  }
0x124: {  	v13 =	vmul.f32 v0, v13;
	v17 =	vld [tilespmem:s20+$0x10];
	[tilespmem:s7+$0x80] =	vst v4;
	v4 =	vpop (erf)  }
0x125: {  	[tilespmem:s7+$0xFFFFFFA0] =	vst v5;
	v11 =	vld [tilespmem:s3+$0x80];
	v3 =	vmul.f32 v4, v15  }
0x126: {  	s9 =	simm.s32 $0xE420;
	[tilespmem:s7+$0x20] =	vst v13;
	v13 =	vld [tilespmem:s12+$0x40]  }
0x127: {  	v52 =	vmul.f32 v48, v2;
	v5 =	vmul.f32 v47, v5;
	v15 =	vld [tilespmem:s12+$0xFFFFFFF0];
	[tilespmem:s9+$0x50] =	vst v3  }
0x128: {  	[tilespmem:s7+$0xFFFFFFF0] =	vst v2;
	v50 =	vld [tilespmem:s10+$0x60]  }
0x129: {  	[tilespmem:s7+$0xFFFFFFE0] =	vst v52;
	v12 =	vld [tilespmem:s3+$0xFFFFFFD0];
	v17 =	vadd.f32 v17, v6;
	v56 =	vmul.f32 v9, v7;
	v3 =	vpop (erf)  }
0x12a: {  	[tilespmem:s7+$0xFFFFFF90] =	vst v5;
	v6 =	vmul.f32 v11, v10;
	v11 =	vld [tilespmem:s20+$0x0];
	v2 =	vpop (erf)  }
0x12b: {  	v51 =	vld [tilespmem:s20+$0xFFFFFFE0];
	v54 =	vmin.f32 v17, $0.0e+00;
	[tilespmem:s11+$0xFFFFFF80] =	vst v56;
	v14 =	vmul.f32 v3, v14;
	v5 =	vpop (erf)  }
0x12c: {  	v7 =	vld [tilespmem:s12+$0xFFFFFFB0];
	[tilespmem:s11+$0x80] =	vst v6;
	v20 =	vmul.f32 $2.000000030e-01, v54;
	v15 =	vadd.f32 v49, v15;
	v22 =	vmul.f32 v5, v41  }
0x12d: {  	v19 =	vmul.f32 v1, v46;
	v17 =	vmax.f32 v17, $0.0e+00;
	v6 =	vld [tilespmem:s12+$0xFFFFFF60];
	[tilespmem:s9+$0xFFFFFFB0] =	vst v14;
	v55 =	vmul.f32 v4, v50  }
0x12e: {  	v61 =	vld [tilespmem:s3+$0xFFFFFF90];
	v17 =	vadd.f32 v20, v17;
	v16 =	vmul.f32 v2, v16;
	v57 =	vmin.f32 v15, $0.0e+00;
	[tilespmem:s9+$0xFFFFFF60] =	vst v22  }
0x12f: {  	v12 =	vmul.f32 v8, v12;
	v11 =	vadd.f32 v11, v13;
	v14 =	vmul.f32 $2.000000030e-01, v57;
	[tilespmem:s9+$0x60] =	vst v55;
	v58 =	vld [tilespmem:s10+$0xFFFFFF70]  }
0x130: {  	v15 =	vmax.f32 v15, $0.0e+00;
	v17 =	vmul.f32 $1.442695020e+00, v17;
	[tilespmem:s9+$0x0] =	vst v16;
	v16 =	vadd.f32 v51, v53;
	v13 =	vld [tilespmem:s10+$0x70]  }
0x131: {  	[tilespmem:s11+$0x10] =	vst v19;
	v60 =	vld [tilespmem:s10+$0x10];
	v14 =	vadd.f32 v14, v15;
	v15 =	vmin.f32 v11, $0.0e+00  }
0x132: {  	[tilespmem:s11+$0xFFFFFFD0] =	vst v12;
	v59 =	vld [tilespmem:s10+$0xFFFFFFC0];
	(erf) = vpow2.f32 v17;
	v12 =	vmin.f32 v16, $0.0e+00;
	v15 =	vmul.f32 $2.000000030e-01, v15  }
0x133: {  	[tilespmem:s11+$0x90] =	vst v10;
	v10 =	vmax.f32 v11, $0.0e+00;
	v17 =	vld [tilespmem:s3+$0x20];
	v11 =	vmul.f32 $2.000000030e-01, v12;
	v12 =	vmul.f32 $1.442695020e+00, v14  }
0x134: {  	[tilespmem:s11+$0xFFFFFFA0] =	vst v9;
	v62 =	vld [tilespmem:s3+$0xFFFFFFE0];
	v14 =	vmax.f32 v16, $0.0e+00;
	v15 =	vadd.f32 v15, v10;
	v16 =	vmul.f32 v5, v58  }
0x135: {  	[tilespmem:s11+$0xFFFFFFF0] =	vst v8;
	v14 =	vadd.f32 v11, v14;
	v10 =	vld [tilespmem:s12+$0x0];
	(erf) = vpow2.f32 v12;
	v12 =	vmul.f32 v4, v13  }
0x136: {  	v11 =	vld [tilespmem:s14+$0x30];
	v63 =	vmul.f32 v2, v60;
	v13 =	vmul.f32 $1.442695020e+00, v15;
	[tilespmem:s9+$0xFFFFFF70] =	vst v16  }
0x137: {  	v15 =	vmul.f32 v3, v59;
	v16 =	vmul.f32 $1.442695020e+00, v14;
	v14 =	vld [tilespmem:s12+$0x50];
	[tilespmem:s9+$0x70] =	vst v12  }
0x138: {  	v17 =	vmul.f32 v1, v17;
	[tilespmem:s9+$0x10] =	vst v63;
	(erf) = vpow2.f32 v13;
	v13 =	vld [tilespmem:s10+$0x80]  }
0x139: {  	[tilespmem:s9+$0xFFFFFFC0] =	vst v15;
	v12 =	vld [tilespmem:s10+$0xFFFFFF80];
	v15 =	vmul.f32 v61, v9;
	(erf) = vpow2.f32 v16  }
0x13a: {  	s1 =	simm.s32 $0x86A0;
	s24 =	simm.s32 $0xC;
	v8 =	vmul.f32 v62, v8;
	s14 =	simm.s32 $0xE420;
	[tilespmem:s11+$0x20] =	vst v17;
	v9 =	vld [tilespmem:s10+$0xFFFFFFD0]  }
.LBB2_5:
0x13b: {  	v16 =	vld [tilespmem:s1+$0x90];
	s20 =	sadd.s32 $0x40, s20;
	v17 =	vpop (erf);
	[tilespmem:s11+$0xFFFFFF90] =	vst v15;
	v11 =	vmul.f32 v11, v0  }
0x13c: {  	v15 =	vld [tilespmem:s20+$0x10];
	v14 =	vmul.f32 v17, v14;
	[tilespmem:s11+$0xFFFFFFE0] =	vst v8  }
0x13d: {  	s24 =	sadd.s32 $0x4, s24;
	s9 =	sadd.s32 $0x140, s9;
	v8 =	vld [tilespmem:s20+$0xFFFFFFE0];
	v13 =	vmul.f32 v13, v4;
	[tilespmem:s7+$0x30] =	vst v11  }
0x13e: {  	p0 =	slt.u32 s24, $0x7C;
	v11 =	vld [tilespmem:s1+$0xFFFFFFF0];
	[tilespmem:s9+$0x50] =	vst v14;
	v18 =	vpop (erf);
	v12 =	vmul.f32 v5, v12  }
0x13f: {  	v14 =	vld [tilespmem:s20+$0xFFFFFFF0];
	v20 =	vmul.f32 v18, v7;
	v9 =	vmul.f32 v3, v9;
	[tilespmem:s14+$0x80] =	vst v13  }
0x140: {  	v13 =	vld [tilespmem:s12+$0x60];
	[tilespmem:s14+$0xFFFFFF80] =	vst v12  }
0x141: {  	v12 =	vld [tilespmem:s1+$0x40];
	v15 =	vadd.f32 v15, v16;
	[tilespmem:s9+$0xFFFFFFB0] =	vst v20;
	v7 =	vpop (erf)  }
0x142: {  	v16 =	vld [tilespmem:s20+$0x0];
	v10 =	vmul.f32 v7, v10;
	v19 =	vpop (erf);
	[tilespmem:s14+$0xFFFFFFD0] =	vst v9  }
0x143: {  	v9 =	vld [tilespmem:s1+$0xFFFFFFA0];
	v20 =	vmin.f32 v15, $0.0e+00;
	v21 =	vmul.f32 v19, v6;
	[tilespmem:s7+$0x40] =	vst v0;
	v0 =	vmovc v1;
	v1 =	vmovc v2;
	v2 =	vmov v7;
	s7 =	smov.u32 s11;
	s11 =	smov.u32 s14;
	s14 =	smov.u32 s9  }
0x144: {  	v6 =	vld [tilespmem:s1+$0xFFFFFF60];
	v11 =	vadd.f32 v14, v11;
	v14 =	vmul.f32 $2.000000030e-01, v20;
	[tilespmem:s9+$0x0] =	vst v10  }
0x145: {  	v15 =	vmax.f32 v15, $0.0e+00;
	v7 =	vld [tilespmem:s1+$0xFFFFFFB0];
	[tilespmem:s9+$0xFFFFFF60] =	vst v21;
	v13 =	vmul.f32 v17, v13  }
0x146: {  	v20 =	vmax.f32 v11, $0.0e+00;
	v11 =	vmin.f32 v11, $0.0e+00;
	v10 =	vld [tilespmem:s1+$0x0];
	v14 =	vadd.f32 v14, v15;
	[tilespmem:s11+$0x90] =	vst v4;
	v4 =	vmovc v17  }
0x147: {  	v11 =	vmul.f32 $2.000000030e-01, v11;
	v12 =	vadd.f32 v16, v12;
	v15 =	vld [tilespmem:s12+$0xFFFFFF70];
	[tilespmem:s9+$0x60] =	vst v13  }
0x148: {  	v8 =	vadd.f32 v8, v9;
	v9 =	vmul.f32 $1.442695020e+00, v14;
	v13 =	vld [tilespmem:s12+$0x70]  }
0x149: {  	v11 =	vadd.f32 v11, v20;
	v14 =	vmax.f32 v12, $0.0e+00;
	v12 =	vmin.f32 v12, $0.0e+00;
	v16 =	vld [tilespmem:s12+$0xFFFFFFC0]  }
0x14a: {  	v17 =	vmin.f32 v8, $0.0e+00;
	v12 =	vmul.f32 $2.000000030e-01, v12;
	(erf) = vpow2.f32 v9;
	v9 =	vld [tilespmem:s12+$0x10]  }
0x14b: {  	v8 =	vmax.f32 v8, $0.0e+00;
	v17 =	vmul.f32 $2.000000030e-01, v17;
	v11 =	vmul.f32 $1.442695020e+00, v11;
	v20 =	vld [tilespmem:s10+$0x20]  }
0x14c: {  	v12 =	vadd.f32 v12, v14;
	v14 =	vmul.f32 v19, v15;
	v15 =	vld [tilespmem:s10+$0xFFFFFF90];
	[tilespmem:s11+$0xFFFFFFA0] =	vst v5  }
0x14d: {  	v8 =	vadd.f32 v17, v8;
	(erf) = vpow2.f32 v11;
	v13 =	vmul.f32 v4, v13;
	v17 =	vld [tilespmem:s10+$0xFFFFFFE0];
	[tilespmem:s11+$0xFFFFFFF0] =	vst v3  }
.Ltmp1:
0x14e: {  	v12 =	vmul.f32 $1.442695020e+00, v12;
	[tilespmem:s9+$0xFFFFFF70] =	vst v14;
	v16 =	vmul.f32 v18, v16;
	v11 =	vld [tilespmem:s3+$0x30];
	s3 =	smov.u32 s10;
	s10 =	smov.u32 s12;
	(pc) =	sbr.rel @p0 .LBB2_5-.Ltmp1, $4  }
0x14f: {  	s12 =	smov.u32 s1;
	v8 =	vmul.f32 $1.442695020e+00, v8;
	v14 =	vld [tilespmem:s1+$0x50];
	v9 =	vmul.f32 v2, v9;
	[tilespmem:s9+$0x70] =	vst v13  }
0x150: {  	(erf) = vpow2.f32 v12;
	[tilespmem:s9+$0xFFFFFFC0] =	vst v16;
	v13 =	vld [tilespmem:s10+$0x80];
	v16 =	vmul.f32 v1, v20  }
0x151: {  	(erf) = vpow2.f32 v8;
	v12 =	vld [tilespmem:s10+$0xFFFFFF80];
	[tilespmem:s9+$0x10] =	vst v9;
	v15 =	vmul.f32 v15, v5;
	v5 =	vmov v19  }
0x152: {  	s1 =	sadd.s32 $0x140, s1;
	v9 =	vld [tilespmem:s10+$0xFFFFFFD0];
	v8 =	vmul.f32 v17, v3;
	[tilespmem:s11+$0x20] =	vst v16;
	v3 =	vmov v18  }
0x153: {  	[tilespmem:s11+$0xFFFFFF90] =	vst v15  }
0x154: {  	[tilespmem:s7+$0x40] =	vst v0  }
0x155: {  	[tilespmem:s14+$0x90] =	vst v4  }
0x156: {  	v16 =	vpop (erf);
	v11 =	vmul.f32 v11, v0;
	v49 =	vld [tilespmem:s3+$0x30];
	[tilespmem:s11+$0x40] =	vst v1  }
0x157: {  	v14 =	vmul.f32 v16, v14;
	[tilespmem:s11+$0xFFFFFFE0] =	vst v8  }
0x158: {  	s1 =	sadd.s32 $0x140, s9;
	v34 =	vmul.f32 v13, v4;
	[tilespmem:s7+$0x30] =	vst v11  }
0x159: {  	[tilespmem:s1+$0x50] =	vst v14;
	v33 =	vpop (erf);
	v36 =	vmul.f32 v5, v12  }
0x15a: {  	[tilespmem:s14+$0x80] =	vst v34;
	v7 =	vmul.f32 v33, v7  }
0x15b: {  	v45 =	vld [tilespmem:s10+$0x20];
	v41 =	vmul.f32 v3, v9;
	[tilespmem:s14+$0xFFFFFF80] =	vst v36;
	v35 =	vpop (erf)  }
0x15c: {  	v14 =	vld [tilespmem:s12+$0x60];
	[tilespmem:s1+$0xFFFFFFB0] =	vst v7;
	v37 =	vpop (erf);
	v39 =	vmul.f32 v35, v10  }
0x15d: {  	[tilespmem:s14+$0xFFFFFFD0] =	vst v41;
	v46 =	vld [tilespmem:s10+$0xFFFFFF90];
	v6 =	vmul.f32 v37, v6  }
0x15e: {  	v43 =	vld [tilespmem:s12+$0xFFFFFFC0];
	[tilespmem:s1+$0x0] =	vst v39  }
0x15f: {  	[tilespmem:s1+$0xFFFFFF60] =	vst v6;
	v44 =	vld [tilespmem:s12+$0x10]  }
0x160: {  	v0 =	vmul.f32 v2, v45;
	[tilespmem:s14+$0xFFFFFFA0] =	vst v5;
	v40 =	vld [tilespmem:s12+$0xFFFFFF70]  }
0x161: {  	v48 =	vld [tilespmem:s10+$0xFFFFFFE0];
	[tilespmem:s14+$0xFFFFFFF0] =	vst v3;
	v38 =	vmul.f32 v16, v14  }
0x162: {  	v54 =	vmul.f32 v49, v1;
	[tilespmem:s14+$0x20] =	vst v0  }
0x163: {  	[tilespmem:s1+$0x60] =	vst v38;
	v6 =	vmul.f32 v33, v43  }
0x164: {  	[tilespmem:s11+$0x30] =	vst v54;
	v42 =	vld [tilespmem:s12+$0x70];
	v8 =	vmul.f32 v35, v44  }
0x165: {  	v61 =	vld [tilespmem:s10+$0x30];
	[tilespmem:s1+$0xFFFFFFC0] =	vst v6;
	v47 =	vmul.f32 v37, v40  }
0x166: {  	v51 =	vld [tilespmem:s12+$0xFFFFFFD0];
	[tilespmem:s1+$0x10] =	vst v8  }
0x167: {  	v4 =	vmul.f32 v46, v5;
	[tilespmem:s1+$0xFFFFFF70] =	vst v47;
	v55 =	vld [tilespmem:s12+$0x20]  }
0x168: {  	[tilespmem:s14+$0x40] =	vst v2;
	v53 =	vmul.f32 v48, v3;
	v50 =	vld [tilespmem:s12+$0xFFFFFF80]  }
0x169: {  	[tilespmem:s14+$0xFFFFFF90] =	vst v4;
	v7 =	vmul.f32 v16, v42  }
0x16a: {  	v62 =	vmul.f32 v61, v2;
	[tilespmem:s14+$0xFFFFFFE0] =	vst v53  }
0x16b: {  	[tilespmem:s1+$0x70] =	vst v7;
	v57 =	vmul.f32 v33, v51  }
0x16c: {  	[tilespmem:s14+$0x30] =	vst v62;
	v52 =	vld [tilespmem:s12+$0x80];
	v4 =	vmul.f32 v35, v55  }
0x16d: {  	[tilespmem:s1+$0xFFFFFFD0] =	vst v57;
	v56 =	vmul.f32 v37, v50  }
0x16e: {  	v60 =	vld [tilespmem:s12+$0xFFFFFFE0];
	[tilespmem:s1+$0x20] =	vst v4  }
0x16f: {  	[tilespmem:s1+$0xFFFFFF80] =	vst v56;
	v4 =	vld [tilespmem:s12+$0x30]  }
0x170: {  	[tilespmem:s1+$0x90] =	vst v16;
	v59 =	vld [tilespmem:s12+$0xFFFFFF90]  }
0x171: {  	[tilespmem:s1+$0xFFFFFFF0] =	vst v33;
	v58 =	vmul.f32 v52, v16  }
0x172: {  	s17 =	sadd.s32 $0x1, s17;
	[tilespmem:s1+$0x40] =	vst v35  }
0x173: {  	p0 =	sne.s32 s17, $0x29;
	[tilespmem:s1+$0x80] =	vst v58;
	v3 =	vmul.f32 v60, v33  }
.Ltmp2:
0x174: {  	[tilespmem:s1+$0xFFFFFFA0] =	vst v37;
	v63 =	vmul.f32 v4, v35;
	(pc) =	sbr.rel @p0 .LBB2_2-.Ltmp2, $4  }
0x175: {  	[tilespmem:s1+$0xFFFFFFE0] =	vst v3;
	v0 =	vmul.f32 v59, v37  }
0x176: {  	s24 =	sand.u32 $0x3FFFFF80, s19;
	[tilespmem:s1+$0x30] =	vst v63  }
0x177: {  	s31 =	sadd.s32 $0x2C80, s24;
	[tilespmem:s1+$0xFFFFFF90] =	vst v0  }
0x178: {  	[spmem:s2] =	stream.indirect.scatter.add.f32 [tilespmem:s30], [sflag:$0x6], $0x50, s31, s18, $0xb8;
	[tilespmem:$0x1D100] =	vst v63  }
0x179: {  	s1 =	simm.s32 $0x5  }
0x17a: {  	_ =	swait.ge [sflag:s1], $0x2800  }
0x17b: {  	[sflag:s1] =	ssyncset.done $0x0  }
0x17c: {  	s20 =	simm.s32 $0x6;
	[sflag:s1] =	ssyncadd.s32 $0xFFFFD800  }
0x17d: {  	_ =	swait.ge [sflag:s20], $0x2800  }
0x17e: {  	[sflag:s20] =	ssyncset.done $0x0  }
0x17f: {  	[sflag:s20] =	ssyncadd.s32 $0xFFFFD800  }
0x180: {  	[bflag:$0x0] =	sbarrier.arrive $0xFFFF  }
0x181: {  	s24 =	rddreg [dreg:$0xa]  }
0x182: {  	[hbm:s24], [sflag:s8] =	dma.local [spmem:s15], $0x1900  }
0x183: {  	_ =	swait.ge [sflag:s16], $0x1900  }
0x184: {  	s0 =	sadd.s32 $0x1, s0;
	s31 =	rddreg [dreg:$0x9]  }
0x185: {  	p0 =	sne.s32 s0, s31  }
.Ltmp3:
0x186: {  	_ = 	snop;
	(pc) =	sbr.rel @p0 .LBB2_1-.Ltmp3, $3  }
0x187: {  	_ =	sdelay $0x1  }
0x188: {  	[sflag:s16] =	ssyncset.done $0x0  }
0x189: {  	[sflag:s16] =	ssyncadd.s32 $0xFFFFE700  }
0x18a: {  	_ =	sfence.sel $0x180000  }
0x18b: {  	[bflag:$0x0] =	sbarrier.arrive $0xFFFF  }
0x18c: {  	_ =	strace $0x90000047  }
0x18d: {  	s0 =	stileid.u32;
	[bflag:$0x2] =	sbarrier.arrive $0xFFFF  }
0x18e: {  	p0 =	sne.s32 s0, $0x0;
	s0 =	rddreg [dreg:$0x3]  }
0x18f: {  	s0 =	sadd.s32 @!p0 $0x100000, s0  }
0x190: {  	[sflag:s0] =	ssyncadd.tile.s32 @!p0 $0x1;
	_ =	shalt  }
.Lfunc_end2:
_tile_overlayer_lowered:
.L_overlay_start_2:
0x191: {  	(tag) =	ssettag $0x2  }
0x192: {  	s0 =	rddreg [dreg:$0x0];
	s2 =	stileid.u32  }
0x193: {  	s1 =	rddreg [dreg:$0x1];
	p0 =	sne.s32 s2, $0x0  }
0x194: {  	s3 =	rddreg [dreg:$0x2];
	[bflag:$0x3] =	sbarrier.arrive $0xFFFF;
	s2 =	simm.s32 @!p0 $0x1C07  }
0x195: {  	[timem:s3], [sflag:s2] =	dma.local @!p0 [hbm:s0], s1  }
0x196: {  	s0 =	simm.s32 @!p0 $0x7  }
0x197: {  	_ =	swait.ge @!p0 [sflag:s0], s1  }
0x198: {  	s1 =	ssub.s32 @!p0 $0x0, s1;
	[sflag:s0] =	ssyncset.done @!p0 $0x0  }
0x199: {  	[sflag:s0] =	ssyncadd.s32 @!p0 s1  }
0x19a: {  	[bflag:$0x3] =	sbarrier.arrive $0xFFFF  }
0x19b: {  	_ =	shalt  }

</sc_bundles>
